<compile_context>
chip_gen: v7x
topology: tpu7x:2x2x1
jax: 0.10.2.dev20260603
libtpu: 0.0.44.dev20260713+nightly
codegen_flags: <defaults>
</compile_context>

<pallas_src>
import jax
import jax.numpy as jnp
from jax import lax
from jax.experimental import pallas as pl
from jax.experimental.pallas import tpu as pltpu
from jax.experimental.pallas import tpu_sc as plsc

SAMPLE_N = 512
KNN = 16
LANES = 16
NCORES = 2
NSUB = 16
NW = NCORES * NSUB

BATCH = 8
NPTS = 8192
NCH = 256

ROWS_W = (BATCH * SAMPLE_N) // NW
NCHUNK = NPTS // LANES
CAND_MAX = NPTS + LANES
W_PER_B = NW // BATCH
CH_W = NCH // W_PER_B
CH_BLK = 8


def _sc_mesh():
    return plsc.VectorSubcoreMesh(
        core_axis_name="c", subcore_axis_name="s",
        num_cores=NCORES, num_subcores=NSUB,
    )



def _fps_body(cx_ref, cy_ref, cz_ref, sx_ref, sy_ref, sz_ref):
    cx = cx_ref[...]
    cy = cy_ref[...]
    cz = cz_ref[...]
    B, N = cx.shape

    dx = cx - cx[:, 0:1]
    dy = cy - cy[:, 0:1]
    dz = cz - cz[:, 0:1]
    min_d = dx * dx + dy * dy + dz * dz

    lane_iota = jax.lax.broadcasted_iota(jnp.int32, (B, N), 1)
    col_iota = jax.lax.broadcasted_iota(jnp.int32, (B, SAMPLE_N), 1)

    sx0 = jnp.where(col_iota == 0, cx[:, 0:1], 0.0)
    sy0 = jnp.where(col_iota == 0, cy[:, 0:1], 0.0)
    sz0 = jnp.where(col_iota == 0, cz[:, 0:1], 0.0)

    def body(i, carry):
        min_d, sx, sy, sz = carry
        m = jnp.max(min_d, axis=1, keepdims=True)
        idx = jnp.min(
            jnp.where(min_d == m, lane_iota, jnp.int32(N)), axis=1, keepdims=True
        )
        sel = lane_iota == idx
        px = jnp.sum(jnp.where(sel, cx, 0.0), axis=1, keepdims=True)
        py = jnp.sum(jnp.where(sel, cy, 0.0), axis=1, keepdims=True)
        pz = jnp.sum(jnp.where(sel, cz, 0.0), axis=1, keepdims=True)
        ddx = cx - px
        ddy = cy - py
        ddz = cz - pz
        d = ddx * ddx + ddy * ddy + ddz * ddz
        min_d = jnp.minimum(min_d, d)
        upd = col_iota == i
        sx = jnp.where(upd, px, sx)
        sy = jnp.where(upd, py, sy)
        sz = jnp.where(upd, pz, sz)
        return (min_d, sx, sy, sz)

    _, sx, sy, sz = jax.lax.fori_loop(1, SAMPLE_N, body, (min_d, sx0, sy0, sz0))
    sx_ref[...] = sx
    sy_ref[...] = sy
    sz_ref[...] = sz


def _fps(cx, cy, cz):
    B = cx.shape[0]
    out = jax.ShapeDtypeStruct((B, SAMPLE_N), jnp.float32)
    return pl.pallas_call(_fps_body, out_shape=[out, out, out])(cx, cy, cz)



def _knn_body(cx_hbm, cy_hbm, cz_hbm, ssx_hbm, ssy_hbm, ssz_hbm, idx_hbm,
              cxv, cyv, czv, sxv, syv, szv, d2buf, candv, candi, idxout):
    wid = lax.axis_index("s") * NCORES + lax.axis_index("c")
    b = wid // W_PER_B
    r0 = wid * ROWS_W

    pltpu.sync_copy(cx_hbm.at[b], cxv)
    pltpu.sync_copy(cy_hbm.at[b], cyv)
    pltpu.sync_copy(cz_hbm.at[b], czv)
    pltpu.sync_copy(ssx_hbm.at[pl.ds(r0 * LANES, ROWS_W * LANES)], sxv)
    pltpu.sync_copy(ssy_hbm.at[pl.ds(r0 * LANES, ROWS_W * LANES)], syv)
    pltpu.sync_copy(ssz_hbm.at[pl.ds(r0 * LANES, ROWS_W * LANES)], szv)

    iota = lax.iota(jnp.int32, LANES)
    inf16 = jnp.full((LANES,), jnp.inf, jnp.float32)
    zero16i = jnp.zeros((LANES,), jnp.int32)

    def row_fn(r, _):
        sx = sxv[pl.ds(r * LANES, LANES)]
        sy = syv[pl.ds(r * LANES, LANES)]
        sz = szv[pl.ds(r * LANES, LANES)]

        @plsc.parallel_loop(0, NPTS, step=LANES, unroll=8, carry=inf16)
        def M(base, Mc):
            dx = sx - cxv[pl.ds(base, LANES)]
            dy = sy - cyv[pl.ds(base, LANES)]
            dz = sz - czv[pl.ds(base, LANES)]
            d2 = (dx * dx + dy * dy) + dz * dz
            d2buf[pl.ds(base, LANES)] = d2
            return jnp.minimum(Mc, d2)
        Mv, _ = plsc.sort_key_val(M, iota, descending=True)
        tau = Mv[0]

        def c2(j, cnt):
            base = j * (LANES * 8)
            offs = cnt
            for u in range(8):
                ub = base + u * LANES
                d2c = d2buf[pl.ds(ub, LANES)]
                m = d2c <= tau
                plsc.store_compressed(candv.at[pl.ds(offs, LANES)], d2c, mask=m)
                plsc.store_compressed(candi.at[pl.ds(offs, LANES)], iota + ub, mask=m)
                pc = plsc.all_reduce_population_count(m)
                offs = offs + pc[0]
            return offs

        cnt = lax.fori_loop(0, NCHUNK // 8, c2, jnp.int32(0))
        candv[pl.ds(cnt, LANES)] = inf16
        ng = (cnt + (LANES - 1)) // LANES

        def c3(g, carry):
            Rv, Ri = carry
            base = g * LANES
            Cv, Ci = plsc.sort_key_val(
                candv[pl.ds(base, LANES)], candi[pl.ds(base, LANES)],
                descending=True,
            )
            m = Cv < Rv
            Ev = jnp.where(m, Cv, Rv)
            Ei = jnp.where(m, Ci, Ri)
            Sv, Si = plsc.sort_key_val(Ev, Ei)
            return (Sv, Si)

        _, Ri = lax.fori_loop(0, ng, c3, (inf16, zero16i))
        idxout[pl.ds(r * LANES, LANES)] = Ri
        return 0

    lax.fori_loop(0, ROWS_W, row_fn, 0)
    pltpu.sync_copy(idxout, idx_hbm.at[pl.ds(r0 * LANES, ROWS_W * LANES)])


def _knn(cx, cy, cz, ssx, ssy, ssz):
    call = pl.kernel(
        _knn_body,
        out_type=jax.ShapeDtypeStruct((BATCH * SAMPLE_N * KNN,), jnp.int32),
        mesh=_sc_mesh(),
        compiler_params=pltpu.CompilerParams(needs_layout_passes=False),
        scratch_types=[
            pltpu.VMEM((NPTS,), jnp.float32),
            pltpu.VMEM((NPTS,), jnp.float32),
            pltpu.VMEM((NPTS,), jnp.float32),
            pltpu.VMEM((ROWS_W * LANES,), jnp.float32),
            pltpu.VMEM((ROWS_W * LANES,), jnp.float32),
            pltpu.VMEM((ROWS_W * LANES,), jnp.float32),
            pltpu.VMEM((NPTS,), jnp.float32),
            pltpu.VMEM((CAND_MAX,), jnp.float32),
            pltpu.VMEM((CAND_MAX,), jnp.int32),
            pltpu.VMEM((ROWS_W * LANES,), jnp.int32),
        ],
    )
    return call(cx, cy, cz, ssx, ssy, ssz)



def _pool_body(x_hbm, idxt_hbm, out_hbm, idxv, rowbuf, outbuf):
    wid = lax.axis_index("s") * NCORES + lax.axis_index("c")
    b = wid // W_PER_B
    c0 = (wid % W_PER_B) * CH_W

    pltpu.sync_copy(idxt_hbm.at[b], idxv)

    def cb_fn(cb, _):
        cbase = c0 + cb * CH_BLK
        pltpu.sync_copy(x_hbm.at[b, pl.ds(cbase, CH_BLK), :], rowbuf)

        def g_fn(g, _):
            s0 = g * LANES
            ivs = [idxv[pl.ds(k * SAMPLE_N + s0, LANES)] for k in range(KNN)]
            for cl in range(CH_BLK):
                row = jnp.full((LANES,), cl, jnp.int32)
                acc = plsc.load_gather(rowbuf, [row, ivs[0]])
                for k in range(1, KNN):
                    acc = jnp.maximum(acc, plsc.load_gather(rowbuf, [row, ivs[k]]))
                outbuf[cl, pl.ds(s0, LANES)] = acc
            return 0

        lax.fori_loop(0, SAMPLE_N // LANES, g_fn, 0)
        pltpu.sync_copy(outbuf, out_hbm.at[b, pl.ds(cbase, CH_BLK), :])
        return 0

    lax.fori_loop(0, CH_W // CH_BLK, cb_fn, 0)


def _pool(x, idxt):
    call = pl.kernel(
        _pool_body,
        out_type=jax.ShapeDtypeStruct((BATCH, NCH, SAMPLE_N), jnp.float32),
        mesh=_sc_mesh(),
        compiler_params=pltpu.CompilerParams(needs_layout_passes=False),
        scratch_types=[
            pltpu.VMEM((KNN * SAMPLE_N,), jnp.int32),
            pltpu.VMEM((CH_BLK, NPTS), jnp.float32),
            pltpu.VMEM((CH_BLK, SAMPLE_N), jnp.float32),
        ],
    )
    return call(x, idxt)



def kernel(x, coordinates):
    B, N, _ = coordinates.shape
    cx = coordinates[:, :, 0]
    cy = coordinates[:, :, 1]
    cz = coordinates[:, :, 2]
    sx, sy, sz = _fps(cx, cy, cz)

    ssx = jnp.broadcast_to(sx.reshape(-1)[:, None], (B * SAMPLE_N, LANES)).reshape(-1)
    ssy = jnp.broadcast_to(sy.reshape(-1)[:, None], (B * SAMPLE_N, LANES)).reshape(-1)
    ssz = jnp.broadcast_to(sz.reshape(-1)[:, None], (B * SAMPLE_N, LANES)).reshape(-1)

    knn_idx = _knn(cx, cy, cz, ssx, ssy, ssz)
    idxt = (
        knn_idx.reshape(B, SAMPLE_N, KNN)
        .transpose(0, 2, 1)
        .reshape(B, KNN * SAMPLE_N)
    )
    pooled_t = _pool(x, idxt)
    return pooled_t.transpose(0, 2, 1).reshape(B, -1)

# --- scband reference (transcript-rebuilt; emitter-appended) ---
"""Pipeline reference for scband-knn-pooling-50749333570130 (READ-ONLY COPY).

The authoritative reference and input builder live on the scoring server;
editing this copy changes nothing except your own understanding.
"""

import jax, jax.numpy as jnp
import numpy as np

SAMPLE = 512
K = 16


def farthest_point_sampling(coords, n_sample):
    B, N, D = coords.shape
    idxs0 = jnp.zeros((B, n_sample), dtype=jnp.int32)
    # start from point 0 (pytorch3d default with random_start_point=False)
    min_d0 = jnp.sum((coords - coords[:, :1, :]) ** 2, axis=-1)  # [B, N]

    def body(i, carry):
        min_d, idxs = carry
        nxt = jnp.argmax(min_d, axis=-1).astype(jnp.int32)  # [B]
        idxs = idxs.at[:, i].set(nxt)
        pt = jnp.take_along_axis(coords, nxt[:, None, None], axis=1)  # [B,1,D]
        d = jnp.sum((coords - pt) ** 2, axis=-1)  # [B,N]
        min_d = jnp.minimum(min_d, d)
        return (min_d, idxs)

    min_d, idxs = jax.lax.fori_loop(1, n_sample, body, (min_d0, idxs0))
    sample_coords = jnp.take_along_axis(coords, idxs[:, :, None], axis=1)  # [B,S,D]
    return sample_coords, idxs


def setup_inputs(seed: int = 0):
    key = jax.random.key(seed)
    k1, k2 = jax.random.split(key)
    x = jax.random.normal(k1, (8, 256, 8192), dtype=jnp.float32)
    coordinates = jax.random.uniform(k2, (8, 8192, 3), dtype=jnp.float32)
    return {"x": x, "coordinates": coordinates}


def reference(x, coordinates):
    # x: [B, C, N] -> feats [B, N, C]
    feats = jnp.transpose(x, (0, 2, 1))
    B, N, C = feats.shape
    # farthest point sampling of SAMPLE points
    sample_coords, _ = farthest_point_sampling(coordinates, SAMPLE)  # [B,S,3]
    # knn_points: squared distances from sampled points to all points
    d2 = jnp.sum((sample_coords[:, :, None, :] - coordinates[:, None, :, :]) ** 2, axis=-1)  # [B,S,N]
    _, knn_idx = jax.lax.top_k(-d2, K)  # ascending distance -> [B,S,K]
    # knn_gather
    batch_idx = jnp.arange(B)[:, None, None]
    gathered = feats[batch_idx, knn_idx]  # [B,S,K,C]
    # max over the k neighbors
    pooled = jnp.max(gathered, axis=2)  # [B,S,C]
    # flatten from dim 1
    return pooled.reshape(B, -1)

if __name__ == "__main__":
    import jax
    _d = setup_inputs()
    print(jax.jit(kernel)(*tuple(_d.values())))

</pallas_src>

<mosaic_0001>
#map = affine_map<(d0, d1) -> (0, 0)>
#map1 = affine_map<(d0, d1) -> (0)>
module attributes {stable_mosaic.version = 14 : i64} {
  func.func @_knn_body(%arg0: i32, %arg1: i32, %arg2: memref<8x8192xf32, #tpu.memory_space<hbm>>, %arg3: memref<8x8192xf32, #tpu.memory_space<hbm>>, %arg4: memref<8x8192xf32, #tpu.memory_space<hbm>>, %arg5: memref<65536xf32, #tpu.memory_space<hbm>>, %arg6: memref<65536xf32, #tpu.memory_space<hbm>>, %arg7: memref<65536xf32, #tpu.memory_space<hbm>>, %arg8: memref<65536xi32, #tpu.memory_space<hbm>>, %arg9: memref<8192xf32, #tpu.memory_space<vmem>>, %arg10: memref<8192xf32, #tpu.memory_space<vmem>>, %arg11: memref<8192xf32, #tpu.memory_space<vmem>>, %arg12: memref<2048xf32, #tpu.memory_space<vmem>>, %arg13: memref<2048xf32, #tpu.memory_space<vmem>>, %arg14: memref<2048xf32, #tpu.memory_space<vmem>>, %arg15: memref<8192xf32, #tpu.memory_space<vmem>>, %arg16: memref<8208xf32, #tpu.memory_space<vmem>>, %arg17: memref<8208xi32, #tpu.memory_space<vmem>>, %arg18: memref<2048xi32, #tpu.memory_space<vmem>>) attributes {dimension_semantics = [#tpu.dimension_semantics<core_parallel>, #tpu.dimension_semantics<subcore_parallel>], iteration_bounds = array<i64: 2, 16>, scalar_prefetch = 0 : i64, scratch_operands = 10 : i64, tpu.core_type = #tpu.core_type<sc_vector_subcore>, window_params = [{transform_indices = #map}, {transform_indices = #map}, {transform_indices = #map}, {transform_indices = #map1}, {transform_indices = #map1}, {transform_indices = #map1}, {transform_indices = #map1}]} {
    %mul3A = arith.constant 2 : i32
    %mul3A_0 = arith.muli %arg1, %mul3A : i32
    %add3A = arith.addi %mul3A_0, %arg0 : i32
    %jit3A = arith.constant 4 : i32
    %div3A = arith.divsi %add3A, %jit3A : i32
    %sign3A = arith.constant 0 : i32
    %sign3A_1 = arith.cmpi sgt, %add3A, %sign3A : i32
    %sign3A_2 = arith.extui %sign3A_1 : i1 to i32
    %sign3A_3 = arith.constant 0 : i32
    %sign3A_4 = arith.cmpi slt, %add3A, %sign3A_3 : i32
    %sign3A_5 = arith.extui %sign3A_4 : i1 to i32
    %sign3A_6 = arith.subi %sign3A_2, %sign3A_5 : i32
    %sign3A_7 = arith.constant 0 : i32
    %sign3A_8 = arith.cmpi sgt, %jit3A, %sign3A_7 : i32
    %sign3A_9 = arith.extui %sign3A_8 : i1 to i32
    %sign3A_10 = arith.constant 0 : i32
    %sign3A_11 = arith.cmpi slt, %jit3A, %sign3A_10 : i32
    %sign3A_12 = arith.extui %sign3A_11 : i1 to i32
    %sign3A_13 = arith.subi %sign3A_9, %sign3A_12 : i32
    %ne3A = arith.cmpi ne, %sign3A_6, %sign3A_13 : i32
    %rem3A = arith.remsi %add3A, %jit3A : i32
    %ne3A_14 = arith.constant 0 : i32
    %ne3A_15 = arith.cmpi ne, %rem3A, %ne3A_14 : i32
    %and3A = arith.andi %ne3A, %ne3A_15 : i1
    %sub3A = arith.constant 1 : i32
    %sub3A_16 = arith.subi %div3A, %sub3A : i32
    %select_n3A = arith.select %and3A, %sub3A_16, %div3A : i32
    %mul3A_17 = arith.constant 128 : i32
    %mul3A_18 = arith.muli %add3A, %mul3A_17 : i32
    "tpu.region"() ({
      %run_scoped3A = tpu.sem_alloc : memref<!tpu.dma_semaphore, #tpu.memory_space<semaphore_mem>>
      %dma_start3A = arith.constant 0 : i32
      %dma_start3A_36 = tpu.memref_slice %arg2[%select_n3A, %dma_start3A] : memref<8x8192xf32, #tpu.memory_space<hbm>> -> memref<1x8192xf32, #tpu.memory_space<hbm>>
      %dma_start3A_37 = tpu.memref_squeeze %dma_start3A_36 : memref<1x8192xf32, #tpu.memory_space<hbm>> -> memref<8192xf32, #tpu.memory_space<hbm>>
      %dma_start3A_38 = arith.constant 0 : i32
      %dma_start3A_39 = tpu.memref_slice %arg2[%select_n3A, %dma_start3A_38] : memref<8x8192xf32, #tpu.memory_space<hbm>> -> memref<1x8192xf32, #tpu.memory_space<hbm>>
      %dma_start3A_40 = tpu.memref_squeeze %dma_start3A_39 : memref<1x8192xf32, #tpu.memory_space<hbm>> -> memref<8192xf32, #tpu.memory_space<hbm>>
      tpu.enqueue_dma source(%dma_start3A_40 : memref<8192xf32, #tpu.memory_space<hbm>>) target(%arg9 : memref<8192xf32, #tpu.memory_space<vmem>>) target_semaphore(%run_scoped3A : memref<!tpu.dma_semaphore, #tpu.memory_space<semaphore_mem>>)
      %dma_wait3A = arith.constant 0 : i32
      %dma_wait3A_41 = tpu.memref_slice %arg2[%select_n3A, %dma_wait3A] : memref<8x8192xf32, #tpu.memory_space<hbm>> -> memref<1x8192xf32, #tpu.memory_space<hbm>>
      %dma_wait3A_42 = tpu.memref_squeeze %dma_wait3A_41 : memref<1x8192xf32, #tpu.memory_space<hbm>> -> memref<8192xf32, #tpu.memory_space<hbm>>
      %dma_wait3A_43 = arith.constant 0 : i32
      %dma_wait3A_44 = tpu.memref_slice %arg2[%select_n3A, %dma_wait3A_43] : memref<8x8192xf32, #tpu.memory_space<hbm>> -> memref<1x8192xf32, #tpu.memory_space<hbm>>
      %dma_wait3A_45 = tpu.memref_squeeze %dma_wait3A_44 : memref<1x8192xf32, #tpu.memory_space<hbm>> -> memref<8192xf32, #tpu.memory_space<hbm>>
      tpu.wait_dma2 semaphore(%run_scoped3A : memref<!tpu.dma_semaphore, #tpu.memory_space<semaphore_mem>>) src(%dma_wait3A_45 : memref<8192xf32, #tpu.memory_space<hbm>>) dst(%arg9 : memref<8192xf32, #tpu.memory_space<vmem>>)
      tpu.yield
    }) : () -> ()
    "tpu.region"() ({
      %run_scoped3A = tpu.sem_alloc : memref<!tpu.dma_semaphore, #tpu.memory_space<semaphore_mem>>
      %dma_start3A = arith.constant 0 : i32
      %dma_start3A_36 = tpu.memref_slice %arg3[%select_n3A, %dma_start3A] : memref<8x8192xf32, #tpu.memory_space<hbm>> -> memref<1x8192xf32, #tpu.memory_space<hbm>>
      %dma_start3A_37 = tpu.memref_squeeze %dma_start3A_36 : memref<1x8192xf32, #tpu.memory_space<hbm>> -> memref<8192xf32, #tpu.memory_space<hbm>>
      %dma_start3A_38 = arith.constant 0 : i32
      %dma_start3A_39 = tpu.memref_slice %arg3[%select_n3A, %dma_start3A_38] : memref<8x8192xf32, #tpu.memory_space<hbm>> -> memref<1x8192xf32, #tpu.memory_space<hbm>>
      %dma_start3A_40 = tpu.memref_squeeze %dma_start3A_39 : memref<1x8192xf32, #tpu.memory_space<hbm>> -> memref<8192xf32, #tpu.memory_space<hbm>>
      tpu.enqueue_dma source(%dma_start3A_40 : memref<8192xf32, #tpu.memory_space<hbm>>) target(%arg10 : memref<8192xf32, #tpu.memory_space<vmem>>) target_semaphore(%run_scoped3A : memref<!tpu.dma_semaphore, #tpu.memory_space<semaphore_mem>>)
      %dma_wait3A = arith.constant 0 : i32
      %dma_wait3A_41 = tpu.memref_slice %arg3[%select_n3A, %dma_wait3A] : memref<8x8192xf32, #tpu.memory_space<hbm>> -> memref<1x8192xf32, #tpu.memory_space<hbm>>
      %dma_wait3A_42 = tpu.memref_squeeze %dma_wait3A_41 : memref<1x8192xf32, #tpu.memory_space<hbm>> -> memref<8192xf32, #tpu.memory_space<hbm>>
      %dma_wait3A_43 = arith.constant 0 : i32
      %dma_wait3A_44 = tpu.memref_slice %arg3[%select_n3A, %dma_wait3A_43] : memref<8x8192xf32, #tpu.memory_space<hbm>> -> memref<1x8192xf32, #tpu.memory_space<hbm>>
      %dma_wait3A_45 = tpu.memref_squeeze %dma_wait3A_44 : memref<1x8192xf32, #tpu.memory_space<hbm>> -> memref<8192xf32, #tpu.memory_space<hbm>>
      tpu.wait_dma2 semaphore(%run_scoped3A : memref<!tpu.dma_semaphore, #tpu.memory_space<semaphore_mem>>) src(%dma_wait3A_45 : memref<8192xf32, #tpu.memory_space<hbm>>) dst(%arg10 : memref<8192xf32, #tpu.memory_space<vmem>>)
      tpu.yield
    }) : () -> ()
    "tpu.region"() ({
      %run_scoped3A = tpu.sem_alloc : memref<!tpu.dma_semaphore, #tpu.memory_space<semaphore_mem>>
      %dma_start3A = arith.constant 0 : i32
      %dma_start3A_36 = tpu.memref_slice %arg4[%select_n3A, %dma_start3A] : memref<8x8192xf32, #tpu.memory_space<hbm>> -> memref<1x8192xf32, #tpu.memory_space<hbm>>
      %dma_start3A_37 = tpu.memref_squeeze %dma_start3A_36 : memref<1x8192xf32, #tpu.memory_space<hbm>> -> memref<8192xf32, #tpu.memory_space<hbm>>
      %dma_start3A_38 = arith.constant 0 : i32
      %dma_start3A_39 = tpu.memref_slice %arg4[%select_n3A, %dma_start3A_38] : memref<8x8192xf32, #tpu.memory_space<hbm>> -> memref<1x8192xf32, #tpu.memory_space<hbm>>
      %dma_start3A_40 = tpu.memref_squeeze %dma_start3A_39 : memref<1x8192xf32, #tpu.memory_space<hbm>> -> memref<8192xf32, #tpu.memory_space<hbm>>
      tpu.enqueue_dma source(%dma_start3A_40 : memref<8192xf32, #tpu.memory_space<hbm>>) target(%arg11 : memref<8192xf32, #tpu.memory_space<vmem>>) target_semaphore(%run_scoped3A : memref<!tpu.dma_semaphore, #tpu.memory_space<semaphore_mem>>)
      %dma_wait3A = arith.constant 0 : i32
      %dma_wait3A_41 = tpu.memref_slice %arg4[%select_n3A, %dma_wait3A] : memref<8x8192xf32, #tpu.memory_space<hbm>> -> memref<1x8192xf32, #tpu.memory_space<hbm>>
      %dma_wait3A_42 = tpu.memref_squeeze %dma_wait3A_41 : memref<1x8192xf32, #tpu.memory_space<hbm>> -> memref<8192xf32, #tpu.memory_space<hbm>>
      %dma_wait3A_43 = arith.constant 0 : i32
      %dma_wait3A_44 = tpu.memref_slice %arg4[%select_n3A, %dma_wait3A_43] : memref<8x8192xf32, #tpu.memory_space<hbm>> -> memref<1x8192xf32, #tpu.memory_space<hbm>>
      %dma_wait3A_45 = tpu.memref_squeeze %dma_wait3A_44 : memref<1x8192xf32, #tpu.memory_space<hbm>> -> memref<8192xf32, #tpu.memory_space<hbm>>
      tpu.wait_dma2 semaphore(%run_scoped3A : memref<!tpu.dma_semaphore, #tpu.memory_space<semaphore_mem>>) src(%dma_wait3A_45 : memref<8192xf32, #tpu.memory_space<hbm>>) dst(%arg11 : memref<8192xf32, #tpu.memory_space<vmem>>)
      tpu.yield
    }) : () -> ()
    %mul3A_19 = arith.constant 16 : i32
    %mul3A_20 = arith.muli %mul3A_18, %mul3A_19 : i32
    "tpu.region"() ({
      %run_scoped3A = tpu.sem_alloc : memref<!tpu.dma_semaphore, #tpu.memory_space<semaphore_mem>>
      %dma_start3A = tpu.memref_slice %arg5[%mul3A_20] : memref<65536xf32, #tpu.memory_space<hbm>> -> memref<2048xf32, #tpu.memory_space<hbm>>
      %dma_start3A_36 = tpu.memref_slice %arg5[%mul3A_20] : memref<65536xf32, #tpu.memory_space<hbm>> -> memref<2048xf32, #tpu.memory_space<hbm>>
      tpu.enqueue_dma source(%dma_start3A_36 : memref<2048xf32, #tpu.memory_space<hbm>>) target(%arg12 : memref<2048xf32, #tpu.memory_space<vmem>>) target_semaphore(%run_scoped3A : memref<!tpu.dma_semaphore, #tpu.memory_space<semaphore_mem>>)
      %dma_wait3A = tpu.memref_slice %arg5[%mul3A_20] : memref<65536xf32, #tpu.memory_space<hbm>> -> memref<2048xf32, #tpu.memory_space<hbm>>
      %dma_wait3A_37 = tpu.memref_slice %arg5[%mul3A_20] : memref<65536xf32, #tpu.memory_space<hbm>> -> memref<2048xf32, #tpu.memory_space<hbm>>
      tpu.wait_dma2 semaphore(%run_scoped3A : memref<!tpu.dma_semaphore, #tpu.memory_space<semaphore_mem>>) src(%dma_wait3A_37 : memref<2048xf32, #tpu.memory_space<hbm>>) dst(%arg12 : memref<2048xf32, #tpu.memory_space<vmem>>)
      tpu.yield
    }) : () -> ()
    %mul3A_21 = arith.constant 16 : i32
    %mul3A_22 = arith.muli %mul3A_18, %mul3A_21 : i32
    "tpu.region"() ({
      %run_scoped3A = tpu.sem_alloc : memref<!tpu.dma_semaphore, #tpu.memory_space<semaphore_mem>>
      %dma_start3A = tpu.memref_slice %arg6[%mul3A_22] : memref<65536xf32, #tpu.memory_space<hbm>> -> memref<2048xf32, #tpu.memory_space<hbm>>
      %dma_start3A_36 = tpu.memref_slice %arg6[%mul3A_22] : memref<65536xf32, #tpu.memory_space<hbm>> -> memref<2048xf32, #tpu.memory_space<hbm>>
      tpu.enqueue_dma source(%dma_start3A_36 : memref<2048xf32, #tpu.memory_space<hbm>>) target(%arg13 : memref<2048xf32, #tpu.memory_space<vmem>>) target_semaphore(%run_scoped3A : memref<!tpu.dma_semaphore, #tpu.memory_space<semaphore_mem>>)
      %dma_wait3A = tpu.memref_slice %arg6[%mul3A_22] : memref<65536xf32, #tpu.memory_space<hbm>> -> memref<2048xf32, #tpu.memory_space<hbm>>
      %dma_wait3A_37 = tpu.memref_slice %arg6[%mul3A_22] : memref<65536xf32, #tpu.memory_space<hbm>> -> memref<2048xf32, #tpu.memory_space<hbm>>
      tpu.wait_dma2 semaphore(%run_scoped3A : memref<!tpu.dma_semaphore, #tpu.memory_space<semaphore_mem>>) src(%dma_wait3A_37 : memref<2048xf32, #tpu.memory_space<hbm>>) dst(%arg13 : memref<2048xf32, #tpu.memory_space<vmem>>)
      tpu.yield
    }) : () -> ()
    %mul3A_23 = arith.constant 16 : i32
    %mul3A_24 = arith.muli %mul3A_18, %mul3A_23 : i32
    "tpu.region"() ({
      %run_scoped3A = tpu.sem_alloc : memref<!tpu.dma_semaphore, #tpu.memory_space<semaphore_mem>>
      %dma_start3A = tpu.memref_slice %arg7[%mul3A_24] : memref<65536xf32, #tpu.memory_space<hbm>> -> memref<2048xf32, #tpu.memory_space<hbm>>
      %dma_start3A_36 = tpu.memref_slice %arg7[%mul3A_24] : memref<65536xf32, #tpu.memory_space<hbm>> -> memref<2048xf32, #tpu.memory_space<hbm>>
      tpu.enqueue_dma source(%dma_start3A_36 : memref<2048xf32, #tpu.memory_space<hbm>>) target(%arg14 : memref<2048xf32, #tpu.memory_space<vmem>>) target_semaphore(%run_scoped3A : memref<!tpu.dma_semaphore, #tpu.memory_space<semaphore_mem>>)
      %dma_wait3A = tpu.memref_slice %arg7[%mul3A_24] : memref<65536xf32, #tpu.memory_space<hbm>> -> memref<2048xf32, #tpu.memory_space<hbm>>
      %dma_wait3A_37 = tpu.memref_slice %arg7[%mul3A_24] : memref<65536xf32, #tpu.memory_space<hbm>> -> memref<2048xf32, #tpu.memory_space<hbm>>
      tpu.wait_dma2 semaphore(%run_scoped3A : memref<!tpu.dma_semaphore, #tpu.memory_space<semaphore_mem>>) src(%dma_wait3A_37 : memref<2048xf32, #tpu.memory_space<hbm>>) dst(%arg14 : memref<2048xf32, #tpu.memory_space<vmem>>)
      tpu.yield
    }) : () -> ()
    %iota3A = tpu.iota {dimensions = array<i32: 0>} : vector<16xi32>
    %broadcast_in_dim3A = arith.constant 0x7F800000 : f32
    %broadcast_in_dim3A_25 = vector.broadcast %broadcast_in_dim3A : f32 to vector<16xf32>
    %broadcast_in_dim3A_26 = arith.constant 0 : i32
    %broadcast_in_dim3A_27 = vector.broadcast %broadcast_in_dim3A_26 : i32 to vector<16xi32>
    %scan3A = arith.constant 0 : i32
    %scan3A_28 = arith.constant 0 : i32
    %scan3A_29 = arith.constant 128 : i32
    %scan3A_30 = arith.addi %scan3A_28, %scan3A_29 : i32
    %scan3A_31 = arith.constant 1 : i32
    %scan3A_32 = scf.for %scan3A_36 = %scan3A_28 to %scan3A_30 step %scan3A_31 iter_args(%scan3A_37 = %scan3A) -> (i32)  : i32 {
      %mul3A_38 = arith.constant 16 : i32
      %mul3A_39 = arith.muli %scan3A_36, %mul3A_38 : i32
      %get3A = arith.index_cast %mul3A_39 : i32 to index
      %get3A_40 = tpu.vector_load %arg12[%get3A] {strides = array<i32>} : memref<2048xf32, #tpu.memory_space<vmem>>, vector<16xf32>,
      %mul3A_41 = arith.constant 16 : i32
      %mul3A_42 = arith.muli %scan3A_36, %mul3A_41 : i32
      %get3A_43 = arith.index_cast %mul3A_42 : i32 to index
      %get3A_44 = tpu.vector_load %arg13[%get3A_43] {strides = array<i32>} : memref<2048xf32, #tpu.memory_space<vmem>>, vector<16xf32>,
      %mul3A_45 = arith.constant 16 : i32
      %mul3A_46 = arith.muli %scan3A_36, %mul3A_45 : i32
      %get3A_47 = arith.index_cast %mul3A_46 : i32 to index
      %get3A_48 = tpu.vector_load %arg14[%get3A_47] {strides = array<i32>} : memref<2048xf32, #tpu.memory_space<vmem>>, vector<16xf32>,
      %parallel_loop3A = arith.constant 0 : i32
      %parallel_loop3A_49 = arith.constant 8192 : i32
      %parallel_loop3A_50 = arith.constant 16 : i32
      %parallel_loop3A_51 = scf.for %parallel_loop3A_104 = %parallel_loop3A to %parallel_loop3A_49 step %parallel_loop3A_50 iter_args(%parallel_loop3A_105 = %broadcast_in_dim3A_25) -> (vector<16xf32>)  : i32 {
        %parallel_loop3A_106 = arith.index_cast %parallel_loop3A_104 : i32 to index
        %parallel_loop3A_107 = tpu.vector_load %arg9[%parallel_loop3A_106] {strides = array<i32>} : memref<8192xf32, #tpu.memory_space<vmem>>, vector<16xf32>,
        %parallel_loop3A_108 = arith.subf %get3A_40, %parallel_loop3A_107 : vector<16xf32>
        %parallel_loop3A_109 = arith.index_cast %parallel_loop3A_104 : i32 to index
        %parallel_loop3A_110 = tpu.vector_load %arg10[%parallel_loop3A_109] {strides = array<i32>} : memref<8192xf32, #tpu.memory_space<vmem>>, vector<16xf32>,
        %parallel_loop3A_111 = arith.subf %get3A_44, %parallel_loop3A_110 : vector<16xf32>
        %parallel_loop3A_112 = arith.index_cast %parallel_loop3A_104 : i32 to index
        %parallel_loop3A_113 = tpu.vector_load %arg11[%parallel_loop3A_112] {strides = array<i32>} : memref<8192xf32, #tpu.memory_space<vmem>>, vector<16xf32>,
        %parallel_loop3A_114 = arith.subf %get3A_48, %parallel_loop3A_113 : vector<16xf32>
        %parallel_loop3A_115 = arith.mulf %parallel_loop3A_108, %parallel_loop3A_108 : vector<16xf32>
        %parallel_loop3A_116 = arith.mulf %parallel_loop3A_111, %parallel_loop3A_111 : vector<16xf32>
        %parallel_loop3A_117 = arith.addf %parallel_loop3A_115, %parallel_loop3A_116 : vector<16xf32>
        %parallel_loop3A_118 = arith.mulf %parallel_loop3A_114, %parallel_loop3A_114 : vector<16xf32>
        %parallel_loop3A_119 = arith.addf %parallel_loop3A_117, %parallel_loop3A_118 : vector<16xf32>
        %parallel_loop3A_120 = arith.index_cast %parallel_loop3A_104 : i32 to index
        %parallel_loop3A_121 = tpu.vector_load %arg15[%parallel_loop3A_120] {strides = array<i32>} : memref<8192xf32, #tpu.memory_space<vmem>>, vector<16xf32>,
        tpu.vector_store %arg15[%parallel_loop3A_120], %parallel_loop3A_119 {strides = array<i32>} : memref<8192xf32, #tpu.memory_space<vmem>>, vector<16xf32>,
        %parallel_loop3A_122 = arith.minimumf %parallel_loop3A_105, %parallel_loop3A_119 : vector<16xf32>
        scf.yield %parallel_loop3A_122 : vector<16xf32>
      } {sc.loop_unroll_factor = 8 : i64, sc.parallel_access}
      %masked_sort3A = arith.constant dense<true> : vector<16xi1>
      %masked_sort3A_52, %masked_sort3A_53, %masked_sort3A_54 = tpu.sort %parallel_loop3A_51, %iota3A masked %masked_sort3A {descending = true} : (vector<16xf32>, vector<16xi32>, vector<16xi1>) -> (vector<16xi1>, vector<16xf32>, vector<16xi32>)
      %slice3A = vector.extract_strided_slice %masked_sort3A_53 {offsets = [0], sizes = [1], strides = [1]} : vector<16xf32> to vector<1xf32>
      %squeeze3A = vector.extract %slice3A[0] : f32 from vector<1xf32>
      %scan3A_55 = arith.constant 0 : i32
      %scan3A_56 = arith.constant 0 : i32
      %scan3A_57 = arith.constant 64 : i32
      %scan3A_58 = arith.addi %scan3A_56, %scan3A_57 : i32
      %scan3A_59 = arith.constant 1 : i32
      %scan3A_60 = scf.for %scan3A_104 = %scan3A_56 to %scan3A_58 step %scan3A_59 iter_args(%scan3A_105 = %scan3A_55) -> (i32)  : i32 {
        %mul3A_106 = arith.constant 128 : i32
        %mul3A_107 = arith.muli %scan3A_104, %mul3A_106 : i32
        %add3A_108 = arith.constant 0 : i32
        %add3A_109 = arith.addi %mul3A_107, %add3A_108 : i32
        %get3A_110 = arith.index_cast %add3A_109 : i32 to index
        %get3A_111 = tpu.vector_load %arg15[%get3A_110] {strides = array<i32>} : memref<8192xf32, #tpu.memory_space<vmem>>, vector<16xf32>,
        %le3A = vector.broadcast %squeeze3A : f32 to vector<16xf32>
        %le3A_112 = arith.cmpf ole, %get3A_111, %le3A : vector<16xf32>
        %swap3A_113 = arith.index_cast %scan3A_105 : i32 to index
        %swap3A_114 = tpu.vector_load %arg16[%swap3A_113] masked %le3A_112 {strides = array<i32>} : memref<8208xf32, #tpu.memory_space<vmem>>, vector<16xf32>, vector<16xi1>
        tpu.vector_store %arg16[%swap3A_113], %get3A_111 masked %le3A_112 {strides = array<i32>} : memref<8208xf32, #tpu.memory_space<vmem>>, vector<16xf32>, vector<16xi1>
        %add3A_115 = vector.broadcast %add3A_109 : i32 to vector<16xi32>
        %add3A_116 = arith.addi %iota3A, %add3A_115 : vector<16xi32>
        %swap3A_117 = arith.index_cast %scan3A_105 : i32 to index
        %swap3A_118 = tpu.vector_load %arg17[%swap3A_117] masked %le3A_112 {strides = array<i32>} : memref<8208xi32, #tpu.memory_space<vmem>>, vector<16xi32>, vector<16xi1>
        tpu.vector_store %arg17[%swap3A_117], %add3A_116 masked %le3A_112 {strides = array<i32>} : memref<8208xi32, #tpu.memory_space<vmem>>, vector<16xi32>, vector<16xi1>
        %all_reduce_population_count3A = tpu.all_reduce %le3A_112 {dim = 0 : i64, kind = #tpu.reduction_kind<sum>} : vector<16xi1> -> vector<16xi32>
        %slice3A_119 = vector.extract_strided_slice %all_reduce_population_count3A {offsets = [0], sizes = [1], strides = [1]} : vector<16xi32> to vector<1xi32>
        %squeeze3A_120 = vector.extract %slice3A_119[0] : i32 from vector<1xi32>
        %add3A_121 = arith.addi %scan3A_105, %squeeze3A_120 : i32
        %add3A_122 = arith.constant 16 : i32
        %add3A_123 = arith.addi %mul3A_107, %add3A_122 : i32
        %get3A_124 = arith.index_cast %add3A_123 : i32 to index
        %get3A_125 = tpu.vector_load %arg15[%get3A_124] {strides = array<i32>} : memref<8192xf32, #tpu.memory_space<vmem>>, vector<16xf32>,
        %le3A_126 = vector.broadcast %squeeze3A : f32 to vector<16xf32>
        %le3A_127 = arith.cmpf ole, %get3A_125, %le3A_126 : vector<16xf32>
        %swap3A_128 = arith.index_cast %add3A_121 : i32 to index
        %swap3A_129 = tpu.vector_load %arg16[%swap3A_128] masked %le3A_127 {strides = array<i32>} : memref<8208xf32, #tpu.memory_space<vmem>>, vector<16xf32>, vector<16xi1>
        tpu.vector_store %arg16[%swap3A_128], %get3A_125 masked %le3A_127 {strides = array<i32>} : memref<8208xf32, #tpu.memory_space<vmem>>, vector<16xf32>, vector<16xi1>
        %add3A_130 = vector.broadcast %add3A_123 : i32 to vector<16xi32>
        %add3A_131 = arith.addi %iota3A, %add3A_130 : vector<16xi32>
        %swap3A_132 = arith.index_cast %add3A_121 : i32 to index
        %swap3A_133 = tpu.vector_load %arg17[%swap3A_132] masked %le3A_127 {strides = array<i32>} : memref<8208xi32, #tpu.memory_space<vmem>>, vector<16xi32>, vector<16xi1>
        tpu.vector_store %arg17[%swap3A_132], %add3A_131 masked %le3A_127 {strides = array<i32>} : memref<8208xi32, #tpu.memory_space<vmem>>, vector<16xi32>, vector<16xi1>
        %all_reduce_population_count3A_134 = tpu.all_reduce %le3A_127 {dim = 0 : i64, kind = #tpu.reduction_kind<sum>} : vector<16xi1> -> vector<16xi32>
        %slice3A_135 = vector.extract_strided_slice %all_reduce_population_count3A_134 {offsets = [0], sizes = [1], strides = [1]} : vector<16xi32> to vector<1xi32>
        %squeeze3A_136 = vector.extract %slice3A_135[0] : i32 from vector<1xi32>
        %add3A_137 = arith.addi %add3A_121, %squeeze3A_136 : i32
        %add3A_138 = arith.constant 32 : i32
        %add3A_139 = arith.addi %mul3A_107, %add3A_138 : i32
        %get3A_140 = arith.index_cast %add3A_139 : i32 to index
        %get3A_141 = tpu.vector_load %arg15[%get3A_140] {strides = array<i32>} : memref<8192xf32, #tpu.memory_space<vmem>>, vector<16xf32>,
        %le3A_142 = vector.broadcast %squeeze3A : f32 to vector<16xf32>
        %le3A_143 = arith.cmpf ole, %get3A_141, %le3A_142 : vector<16xf32>
        %swap3A_144 = arith.index_cast %add3A_137 : i32 to index
        %swap3A_145 = tpu.vector_load %arg16[%swap3A_144] masked %le3A_143 {strides = array<i32>} : memref<8208xf32, #tpu.memory_space<vmem>>, vector<16xf32>, vector<16xi1>
        tpu.vector_store %arg16[%swap3A_144], %get3A_141 masked %le3A_143 {strides = array<i32>} : memref<8208xf32, #tpu.memory_space<vmem>>, vector<16xf32>, vector<16xi1>
        %add3A_146 = vector.broadcast %add3A_139 : i32 to vector<16xi32>
        %add3A_147 = arith.addi %iota3A, %add3A_146 : vector<16xi32>
        %swap3A_148 = arith.index_cast %add3A_137 : i32 to index
        %swap3A_149 = tpu.vector_load %arg17[%swap3A_148] masked %le3A_143 {strides = array<i32>} : memref<8208xi32, #tpu.memory_space<vmem>>, vector<16xi32>, vector<16xi1>
        tpu.vector_store %arg17[%swap3A_148], %add3A_147 masked %le3A_143 {strides = array<i32>} : memref<8208xi32, #tpu.memory_space<vmem>>, vector<16xi32>, vector<16xi1>
        %all_reduce_population_count3A_150 = tpu.all_reduce %le3A_143 {dim = 0 : i64, kind = #tpu.reduction_kind<sum>} : vector<16xi1> -> vector<16xi32>
        %slice3A_151 = vector.extract_strided_slice %all_reduce_population_count3A_150 {offsets = [0], sizes = [1], strides = [1]} : vector<16xi32> to vector<1xi32>
        %squeeze3A_152 = vector.extract %slice3A_151[0] : i32 from vector<1xi32>
        %add3A_153 = arith.addi %add3A_137, %squeeze3A_152 : i32
        %add3A_154 = arith.constant 48 : i32
        %add3A_155 = arith.addi %mul3A_107, %add3A_154 : i32
        %get3A_156 = arith.index_cast %add3A_155 : i32 to index
        %get3A_157 = tpu.vector_load %arg15[%get3A_156] {strides = array<i32>} : memref<8192xf32, #tpu.memory_space<vmem>>, vector<16xf32>,
        %le3A_158 = vector.broadcast %squeeze3A : f32 to vector<16xf32>
        %le3A_159 = arith.cmpf ole, %get3A_157, %le3A_158 : vector<16xf32>
        %swap3A_160 = arith.index_cast %add3A_153 : i32 to index
        %swap3A_161 = tpu.vector_load %arg16[%swap3A_160] masked %le3A_159 {strides = array<i32>} : memref<8208xf32, #tpu.memory_space<vmem>>, vector<16xf32>, vector<16xi1>
        tpu.vector_store %arg16[%swap3A_160], %get3A_157 masked %le3A_159 {strides = array<i32>} : memref<8208xf32, #tpu.memory_space<vmem>>, vector<16xf32>, vector<16xi1>
        %add3A_162 = vector.broadcast %add3A_155 : i32 to vector<16xi32>
        %add3A_163 = arith.addi %iota3A, %add3A_162 : vector<16xi32>
        %swap3A_164 = arith.index_cast %add3A_153 : i32 to index
        %swap3A_165 = tpu.vector_load %arg17[%swap3A_164] masked %le3A_159 {strides = array<i32>} : memref<8208xi32, #tpu.memory_space<vmem>>, vector<16xi32>, vector<16xi1>
        tpu.vector_store %arg17[%swap3A_164], %add3A_163 masked %le3A_159 {strides = array<i32>} : memref<8208xi32, #tpu.memory_space<vmem>>, vector<16xi32>, vector<16xi1>
        %all_reduce_population_count3A_166 = tpu.all_reduce %le3A_159 {dim = 0 : i64, kind = #tpu.reduction_kind<sum>} : vector<16xi1> -> vector<16xi32>
        %slice3A_167 = vector.extract_strided_slice %all_reduce_population_count3A_166 {offsets = [0], sizes = [1], strides = [1]} : vector<16xi32> to vector<1xi32>
        %squeeze3A_168 = vector.extract %slice3A_167[0] : i32 from vector<1xi32>
        %add3A_169 = arith.addi %add3A_153, %squeeze3A_168 : i32
        %add3A_170 = arith.constant 64 : i32
        %add3A_171 = arith.addi %mul3A_107, %add3A_170 : i32
        %get3A_172 = arith.index_cast %add3A_171 : i32 to index
        %get3A_173 = tpu.vector_load %arg15[%get3A_172] {strides = array<i32>} : memref<8192xf32, #tpu.memory_space<vmem>>, vector<16xf32>,
        %le3A_174 = vector.broadcast %squeeze3A : f32 to vector<16xf32>
        %le3A_175 = arith.cmpf ole, %get3A_173, %le3A_174 : vector<16xf32>
        %swap3A_176 = arith.index_cast %add3A_169 : i32 to index
        %swap3A_177 = tpu.vector_load %arg16[%swap3A_176] masked %le3A_175 {strides = array<i32>} : memref<8208xf32, #tpu.memory_space<vmem>>, vector<16xf32>, vector<16xi1>
        tpu.vector_store %arg16[%swap3A_176], %get3A_173 masked %le3A_175 {strides = array<i32>} : memref<8208xf32, #tpu.memory_space<vmem>>, vector<16xf32>, vector<16xi1>
        %add3A_178 = vector.broadcast %add3A_171 : i32 to vector<16xi32>
        %add3A_179 = arith.addi %iota3A, %add3A_178 : vector<16xi32>
        %swap3A_180 = arith.index_cast %add3A_169 : i32 to index
        %swap3A_181 = tpu.vector_load %arg17[%swap3A_180] masked %le3A_175 {strides = array<i32>} : memref<8208xi32, #tpu.memory_space<vmem>>, vector<16xi32>, vector<16xi1>
        tpu.vector_store %arg17[%swap3A_180], %add3A_179 masked %le3A_175 {strides = array<i32>} : memref<8208xi32, #tpu.memory_space<vmem>>, vector<16xi32>, vector<16xi1>
        %all_reduce_population_count3A_182 = tpu.all_reduce %le3A_175 {dim = 0 : i64, kind = #tpu.reduction_kind<sum>} : vector<16xi1> -> vector<16xi32>
        %slice3A_183 = vector.extract_strided_slice %all_reduce_population_count3A_182 {offsets = [0], sizes = [1], strides = [1]} : vector<16xi32> to vector<1xi32>
        %squeeze3A_184 = vector.extract %slice3A_183[0] : i32 from vector<1xi32>
        %add3A_185 = arith.addi %add3A_169, %squeeze3A_184 : i32
        %add3A_186 = arith.constant 80 : i32
        %add3A_187 = arith.addi %mul3A_107, %add3A_186 : i32
        %get3A_188 = arith.index_cast %add3A_187 : i32 to index
        %get3A_189 = tpu.vector_load %arg15[%get3A_188] {strides = array<i32>} : memref<8192xf32, #tpu.memory_space<vmem>>, vector<16xf32>,
        %le3A_190 = vector.broadcast %squeeze3A : f32 to vector<16xf32>
        %le3A_191 = arith.cmpf ole, %get3A_189, %le3A_190 : vector<16xf32>
        %swap3A_192 = arith.index_cast %add3A_185 : i32 to index
        %swap3A_193 = tpu.vector_load %arg16[%swap3A_192] masked %le3A_191 {strides = array<i32>} : memref<8208xf32, #tpu.memory_space<vmem>>, vector<16xf32>, vector<16xi1>
        tpu.vector_store %arg16[%swap3A_192], %get3A_189 masked %le3A_191 {strides = array<i32>} : memref<8208xf32, #tpu.memory_space<vmem>>, vector<16xf32>, vector<16xi1>
        %add3A_194 = vector.broadcast %add3A_187 : i32 to vector<16xi32>
        %add3A_195 = arith.addi %iota3A, %add3A_194 : vector<16xi32>
        %swap3A_196 = arith.index_cast %add3A_185 : i32 to index
        %swap3A_197 = tpu.vector_load %arg17[%swap3A_196] masked %le3A_191 {strides = array<i32>} : memref<8208xi32, #tpu.memory_space<vmem>>, vector<16xi32>, vector<16xi1>
        tpu.vector_store %arg17[%swap3A_196], %add3A_195 masked %le3A_191 {strides = array<i32>} : memref<8208xi32, #tpu.memory_space<vmem>>, vector<16xi32>, vector<16xi1>
        %all_reduce_population_count3A_198 = tpu.all_reduce %le3A_191 {dim = 0 : i64, kind = #tpu.reduction_kind<sum>} : vector<16xi1> -> vector<16xi32>
        %slice3A_199 = vector.extract_strided_slice %all_reduce_population_count3A_198 {offsets = [0], sizes = [1], strides = [1]} : vector<16xi32> to vector<1xi32>
        %squeeze3A_200 = vector.extract %slice3A_199[0] : i32 from vector<1xi32>
        %add3A_201 = arith.addi %add3A_185, %squeeze3A_200 : i32
        %add3A_202 = arith.constant 96 : i32
        %add3A_203 = arith.addi %mul3A_107, %add3A_202 : i32
        %get3A_204 = arith.index_cast %add3A_203 : i32 to index
        %get3A_205 = tpu.vector_load %arg15[%get3A_204] {strides = array<i32>} : memref<8192xf32, #tpu.memory_space<vmem>>, vector<16xf32>,
        %le3A_206 = vector.broadcast %squeeze3A : f32 to vector<16xf32>
        %le3A_207 = arith.cmpf ole, %get3A_205, %le3A_206 : vector<16xf32>
        %swap3A_208 = arith.index_cast %add3A_201 : i32 to index
        %swap3A_209 = tpu.vector_load %arg16[%swap3A_208] masked %le3A_207 {strides = array<i32>} : memref<8208xf32, #tpu.memory_space<vmem>>, vector<16xf32>, vector<16xi1>
        tpu.vector_store %arg16[%swap3A_208], %get3A_205 masked %le3A_207 {strides = array<i32>} : memref<8208xf32, #tpu.memory_space<vmem>>, vector<16xf32>, vector<16xi1>
        %add3A_210 = vector.broadcast %add3A_203 : i32 to vector<16xi32>
        %add3A_211 = arith.addi %iota3A, %add3A_210 : vector<16xi32>
        %swap3A_212 = arith.index_cast %add3A_201 : i32 to index
        %swap3A_213 = tpu.vector_load %arg17[%swap3A_212] masked %le3A_207 {strides = array<i32>} : memref<8208xi32, #tpu.memory_space<vmem>>, vector<16xi32>, vector<16xi1>
        tpu.vector_store %arg17[%swap3A_212], %add3A_211 masked %le3A_207 {strides = array<i32>} : memref<8208xi32, #tpu.memory_space<vmem>>, vector<16xi32>, vector<16xi1>
        %all_reduce_population_count3A_214 = tpu.all_reduce %le3A_207 {dim = 0 : i64, kind = #tpu.reduction_kind<sum>} : vector<16xi1> -> vector<16xi32>
        %slice3A_215 = vector.extract_strided_slice %all_reduce_population_count3A_214 {offsets = [0], sizes = [1], strides = [1]} : vector<16xi32> to vector<1xi32>
        %squeeze3A_216 = vector.extract %slice3A_215[0] : i32 from vector<1xi32>
        %add3A_217 = arith.addi %add3A_201, %squeeze3A_216 : i32
        %add3A_218 = arith.constant 112 : i32
        %add3A_219 = arith.addi %mul3A_107, %add3A_218 : i32
        %get3A_220 = arith.index_cast %add3A_219 : i32 to index
        %get3A_221 = tpu.vector_load %arg15[%get3A_220] {strides = array<i32>} : memref<8192xf32, #tpu.memory_space<vmem>>, vector<16xf32>,
        %le3A_222 = vector.broadcast %squeeze3A : f32 to vector<16xf32>
        %le3A_223 = arith.cmpf ole, %get3A_221, %le3A_222 : vector<16xf32>
        %swap3A_224 = arith.index_cast %add3A_217 : i32 to index
        %swap3A_225 = tpu.vector_load %arg16[%swap3A_224] masked %le3A_223 {strides = array<i32>} : memref<8208xf32, #tpu.memory_space<vmem>>, vector<16xf32>, vector<16xi1>
        tpu.vector_store %arg16[%swap3A_224], %get3A_221 masked %le3A_223 {strides = array<i32>} : memref<8208xf32, #tpu.memory_space<vmem>>, vector<16xf32>, vector<16xi1>
        %add3A_226 = vector.broadcast %add3A_219 : i32 to vector<16xi32>
        %add3A_227 = arith.addi %iota3A, %add3A_226 : vector<16xi32>
        %swap3A_228 = arith.index_cast %add3A_217 : i32 to index
        %swap3A_229 = tpu.vector_load %arg17[%swap3A_228] masked %le3A_223 {strides = array<i32>} : memref<8208xi32, #tpu.memory_space<vmem>>, vector<16xi32>, vector<16xi1>
        tpu.vector_store %arg17[%swap3A_228], %add3A_227 masked %le3A_223 {strides = array<i32>} : memref<8208xi32, #tpu.memory_space<vmem>>, vector<16xi32>, vector<16xi1>
        %all_reduce_population_count3A_230 = tpu.all_reduce %le3A_223 {dim = 0 : i64, kind = #tpu.reduction_kind<sum>} : vector<16xi1> -> vector<16xi32>
        %slice3A_231 = vector.extract_strided_slice %all_reduce_population_count3A_230 {offsets = [0], sizes = [1], strides = [1]} : vector<16xi32> to vector<1xi32>
        %squeeze3A_232 = vector.extract %slice3A_231[0] : i32 from vector<1xi32>
        %add3A_233 = arith.addi %add3A_217, %squeeze3A_232 : i32
        scf.yield %add3A_233 : i32
      }
      %scan3A_61 = arith.constant 64 : i32
      %swap3A = arith.index_cast %scan3A_60 : i32 to index
      %swap3A_62 = tpu.vector_load %arg16[%swap3A] {strides = array<i32>} : memref<8208xf32, #tpu.memory_space<vmem>>, vector<16xf32>,
      tpu.vector_store %arg16[%swap3A], %broadcast_in_dim3A_25 {strides = array<i32>} : memref<8208xf32, #tpu.memory_space<vmem>>, vector<16xf32>,
      %add3A_63 = arith.constant 15 : i32
      %add3A_64 = arith.addi %scan3A_60, %add3A_63 : i32
      %jit3A_65 = arith.constant 16 : i32
      %div3A_66 = arith.divsi %add3A_64, %jit3A_65 : i32
      %sign3A_67 = arith.constant 0 : i32
      %sign3A_68 = arith.cmpi sgt, %add3A_64, %sign3A_67 : i32
      %sign3A_69 = arith.extui %sign3A_68 : i1 to i32
      %sign3A_70 = arith.constant 0 : i32
      %sign3A_71 = arith.cmpi slt, %add3A_64, %sign3A_70 : i32
      %sign3A_72 = arith.extui %sign3A_71 : i1 to i32
      %sign3A_73 = arith.subi %sign3A_69, %sign3A_72 : i32
      %sign3A_74 = arith.constant 0 : i32
      %sign3A_75 = arith.cmpi sgt, %jit3A_65, %sign3A_74 : i32
      %sign3A_76 = arith.extui %sign3A_75 : i1 to i32
      %sign3A_77 = arith.constant 0 : i32
      %sign3A_78 = arith.cmpi slt, %jit3A_65, %sign3A_77 : i32
      %sign3A_79 = arith.extui %sign3A_78 : i1 to i32
      %sign3A_80 = arith.subi %sign3A_76, %sign3A_79 : i32
      %ne3A_81 = arith.cmpi ne, %sign3A_73, %sign3A_80 : i32
      %rem3A_82 = arith.remsi %add3A_64, %jit3A_65 : i32
      %ne3A_83 = arith.constant 0 : i32
      %ne3A_84 = arith.cmpi ne, %rem3A_82, %ne3A_83 : i32
      %and3A_85 = arith.andi %ne3A_81, %ne3A_84 : i1
      %sub3A_86 = arith.constant 1 : i32
      %sub3A_87 = arith.subi %div3A_66, %sub3A_86 : i32
      %select_n3A_88 = arith.select %and3A_85, %sub3A_87, %div3A_66 : i32
      %while3A = arith.constant 0 : i32
      %while3A_89 = arith.subi %select_n3A_88, %while3A : i32
      %while3A_90 = arith.addi %while3A, %while3A_89 : i32
      %while3A_91 = arith.constant 1 : i32
      %while3A_92 = arith.divsi %while3A_89, %while3A_91 : i32
      %while3A_93 = arith.muli %while3A_92, %while3A_91 : i32
      %while3A_94 = arith.addi %while3A, %while3A_93 : i32
      %while3A_95 = arith.constant 1 : i32
      %while3A_96:2 = scf.for %while3A_104 = %while3A to %while3A_94 step %while3A_95 iter_args(%while3A_105 = %broadcast_in_dim3A_25, %while3A_106 = %broadcast_in_dim3A_27) -> (vector<16xf32>, vector<16xi32>)  : i32 {
        %mul3A_107 = arith.constant 16 : i32
        %mul3A_108 = arith.muli %while3A_104, %mul3A_107 : i32
        %get3A_109 = arith.index_cast %mul3A_108 : i32 to index
        %get3A_110 = tpu.vector_load %arg16[%get3A_109] {strides = array<i32>} : memref<8208xf32, #tpu.memory_space<vmem>>, vector<16xf32>,
        %get3A_111 = arith.index_cast %mul3A_108 : i32 to index
        %get3A_112 = tpu.vector_load %arg17[%get3A_111] {strides = array<i32>} : memref<8208xi32, #tpu.memory_space<vmem>>, vector<16xi32>,
        %masked_sort3A_113 = arith.constant dense<true> : vector<16xi1>
        %masked_sort3A_114, %masked_sort3A_115, %masked_sort3A_116 = tpu.sort %get3A_110, %get3A_112 masked %masked_sort3A_113 {descending = true} : (vector<16xf32>, vector<16xi32>, vector<16xi1>) -> (vector<16xi1>, vector<16xf32>, vector<16xi32>)
        %lt3A = arith.cmpf olt, %masked_sort3A_115, %while3A_105 : vector<16xf32>
        %select_n3A_117 = arith.select %lt3A, %masked_sort3A_115, %while3A_105 : vector<16xi1>, vector<16xf32>
        %select_n3A_118 = arith.select %lt3A, %masked_sort3A_116, %while3A_106 : vector<16xi1>, vector<16xi32>
        %masked_sort3A_119 = arith.constant dense<true> : vector<16xi1>
        %masked_sort3A_120, %masked_sort3A_121, %masked_sort3A_122 = tpu.sort %select_n3A_117, %select_n3A_118 masked %masked_sort3A_119 : (vector<16xf32>, vector<16xi32>, vector<16xi1>) -> (vector<16xi1>, vector<16xf32>, vector<16xi32>)
        scf.yield %masked_sort3A_121, %masked_sort3A_122 : vector<16xf32>, vector<16xi32>
      }
      %while3A_97 = arith.constant 1 : i32
      %while3A_98:2 = scf.for %while3A_104 = %while3A_94 to %while3A_90 step %while3A_97 iter_args(%while3A_105 = %while3A_96#0, %while3A_106 = %while3A_96#1) -> (vector<16xf32>, vector<16xi32>)  : i32 {
        %mul3A_107 = arith.constant 16 : i32
        %mul3A_108 = arith.muli %while3A_104, %mul3A_107 : i32
        %get3A_109 = arith.index_cast %mul3A_108 : i32 to index
        %get3A_110 = tpu.vector_load %arg16[%get3A_109] {strides = array<i32>} : memref<8208xf32, #tpu.memory_space<vmem>>, vector<16xf32>,
        %get3A_111 = arith.index_cast %mul3A_108 : i32 to index
        %get3A_112 = tpu.vector_load %arg17[%get3A_111] {strides = array<i32>} : memref<8208xi32, #tpu.memory_space<vmem>>, vector<16xi32>,
        %masked_sort3A_113 = arith.constant dense<true> : vector<16xi1>
        %masked_sort3A_114, %masked_sort3A_115, %masked_sort3A_116 = tpu.sort %get3A_110, %get3A_112 masked %masked_sort3A_113 {descending = true} : (vector<16xf32>, vector<16xi32>, vector<16xi1>) -> (vector<16xi1>, vector<16xf32>, vector<16xi32>)
        %lt3A = arith.cmpf olt, %masked_sort3A_115, %while3A_105 : vector<16xf32>
        %select_n3A_117 = arith.select %lt3A, %masked_sort3A_115, %while3A_105 : vector<16xi1>, vector<16xf32>
        %select_n3A_118 = arith.select %lt3A, %masked_sort3A_116, %while3A_106 : vector<16xi1>, vector<16xi32>
        %masked_sort3A_119 = arith.constant dense<true> : vector<16xi1>
        %masked_sort3A_120, %masked_sort3A_121, %masked_sort3A_122 = tpu.sort %select_n3A_117, %select_n3A_118 masked %masked_sort3A_119 : (vector<16xf32>, vector<16xi32>, vector<16xi1>) -> (vector<16xi1>, vector<16xf32>, vector<16xi32>)
        scf.yield %masked_sort3A_121, %masked_sort3A_122 : vector<16xf32>, vector<16xi32>
      }
      %mul3A_99 = arith.constant 16 : i32
      %mul3A_100 = arith.muli %scan3A_36, %mul3A_99 : i32
      %swap3A_101 = arith.index_cast %mul3A_100 : i32 to index
      %swap3A_102 = tpu.vector_load %arg18[%swap3A_101] {strides = array<i32>} : memref<2048xi32, #tpu.memory_space<vmem>>, vector<16xi32>,
      tpu.vector_store %arg18[%swap3A_101], %while3A_98#1 {strides = array<i32>} : memref<2048xi32, #tpu.memory_space<vmem>>, vector<16xi32>,
      %scan3A_103 = arith.constant 0 : i32
      scf.yield %scan3A_103 : i32
    }
    %scan3A_33 = arith.constant 128 : i32
    %mul3A_34 = arith.constant 16 : i32
    %mul3A_35 = arith.muli %mul3A_18, %mul3A_34 : i32
    "tpu.region"() ({
      %run_scoped3A = tpu.sem_alloc : memref<!tpu.dma_semaphore, #tpu.memory_space<semaphore_mem>>
      %dma_start3A = tpu.memref_slice %arg8[%mul3A_35] : memref<65536xi32, #tpu.memory_space<hbm>> -> memref<2048xi32, #tpu.memory_space<hbm>>
      %dma_start3A_36 = tpu.memref_slice %arg8[%mul3A_35] : memref<65536xi32, #tpu.memory_space<hbm>> -> memref<2048xi32, #tpu.memory_space<hbm>>
      tpu.enqueue_dma source(%arg18 : memref<2048xi32, #tpu.memory_space<vmem>>) target(%dma_start3A_36 : memref<2048xi32, #tpu.memory_space<hbm>>) target_semaphore(%run_scoped3A : memref<!tpu.dma_semaphore, #tpu.memory_space<semaphore_mem>>)
      %dma_wait3A = tpu.memref_slice %arg8[%mul3A_35] : memref<65536xi32, #tpu.memory_space<hbm>> -> memref<2048xi32, #tpu.memory_space<hbm>>
      %dma_wait3A_37 = tpu.memref_slice %arg8[%mul3A_35] : memref<65536xi32, #tpu.memory_space<hbm>> -> memref<2048xi32, #tpu.memory_space<hbm>>
      tpu.wait_dma2 semaphore(%run_scoped3A : memref<!tpu.dma_semaphore, #tpu.memory_space<semaphore_mem>>) src(%arg18 : memref<2048xi32, #tpu.memory_space<vmem>>) dst(%dma_wait3A_37 : memref<2048xi32, #tpu.memory_space<hbm>>)
      tpu.yield
    }) : () -> ()
    return
  }
}

#map = affine_map<(d0, d1) -> (0, 0, 0)>
#map1 = affine_map<(d0, d1) -> (0, 0)>
module attributes {stable_mosaic.version = 14 : i64} {
  func.func @_pool_body(%arg0: i32, %arg1: i32, %arg2: memref<8x256x8192xf32, #tpu.memory_space<hbm>>, %arg3: memref<8x8192xi32, #tpu.memory_space<hbm>>, %arg4: memref<8x256x512xf32, #tpu.memory_space<hbm>>, %arg5: memref<8192xi32, #tpu.memory_space<vmem>>, %arg6: memref<8x8192xf32, #tpu.memory_space<vmem>>, %arg7: memref<8x512xf32, #tpu.memory_space<vmem>>) attributes {dimension_semantics = [#tpu.dimension_semantics<core_parallel>, #tpu.dimension_semantics<subcore_parallel>], iteration_bounds = array<i64: 2, 16>, scalar_prefetch = 0 : i64, scratch_operands = 3 : i64, tpu.core_type = #tpu.core_type<sc_vector_subcore>, window_params = [{transform_indices = #map}, {transform_indices = #map1}, {transform_indices = #map}]} {
    %mul3A = arith.constant 2 : i32
    %mul3A_0 = arith.muli %arg1, %mul3A : i32
    %add3A = arith.addi %mul3A_0, %arg0 : i32
    %jit3A = arith.constant 4 : i32
    %div3A = arith.divsi %add3A, %jit3A : i32
    %sign3A = arith.constant 0 : i32
    %sign3A_1 = arith.cmpi sgt, %add3A, %sign3A : i32
    %sign3A_2 = arith.extui %sign3A_1 : i1 to i32
    %sign3A_3 = arith.constant 0 : i32
    %sign3A_4 = arith.cmpi slt, %add3A, %sign3A_3 : i32
    %sign3A_5 = arith.extui %sign3A_4 : i1 to i32
    %sign3A_6 = arith.subi %sign3A_2, %sign3A_5 : i32
    %sign3A_7 = arith.constant 0 : i32
    %sign3A_8 = arith.cmpi sgt, %jit3A, %sign3A_7 : i32
    %sign3A_9 = arith.extui %sign3A_8 : i1 to i32
    %sign3A_10 = arith.constant 0 : i32
    %sign3A_11 = arith.cmpi slt, %jit3A, %sign3A_10 : i32
    %sign3A_12 = arith.extui %sign3A_11 : i1 to i32
    %sign3A_13 = arith.subi %sign3A_9, %sign3A_12 : i32
    %ne3A = arith.cmpi ne, %sign3A_6, %sign3A_13 : i32
    %rem3A = arith.remsi %add3A, %jit3A : i32
    %ne3A_14 = arith.constant 0 : i32
    %ne3A_15 = arith.cmpi ne, %rem3A, %ne3A_14 : i32
    %and3A = arith.andi %ne3A, %ne3A_15 : i1
    %sub3A = arith.constant 1 : i32
    %sub3A_16 = arith.subi %div3A, %sub3A : i32
    %select_n3A = arith.select %and3A, %sub3A_16, %div3A : i32
    %jit3A_17 = arith.constant 4 : i32
    %eq3A = arith.constant 0 : i32
    %eq3A_18 = arith.cmpi eq, %jit3A_17, %eq3A : i32
    %jit3A_19 = arith.constant 1 : i32
    %select_n3A_20 = arith.select %eq3A_18, %jit3A_19, %jit3A_17 : i32
    %rem3A_21 = arith.remsi %add3A, %select_n3A_20 : i32
    %ne3A_22 = arith.constant 0 : i32
    %ne3A_23 = arith.cmpi ne, %rem3A_21, %ne3A_22 : i32
    %lt3A = arith.constant 0 : i32
    %lt3A_24 = arith.cmpi slt, %rem3A_21, %lt3A : i32
    %lt3A_25 = arith.constant 0 : i32
    %lt3A_26 = arith.cmpi slt, %select_n3A_20, %lt3A_25 : i32
    %ne3A_27 = arith.xori %lt3A_24, %lt3A_26 : i1
    %and3A_28 = arith.andi %ne3A_27, %ne3A_23 : i1
    %add3A_29 = arith.addi %rem3A_21, %select_n3A_20 : i32
    %select_n3A_30 = arith.select %and3A_28, %add3A_29, %rem3A_21 : i32
    %mul3A_31 = arith.constant 64 : i32
    %mul3A_32 = arith.muli %select_n3A_30, %mul3A_31 : i32
    "tpu.region"() ({
      %run_scoped3A = tpu.sem_alloc : memref<!tpu.dma_semaphore, #tpu.memory_space<semaphore_mem>>
      %dma_start3A = arith.constant 0 : i32
      %dma_start3A_39 = tpu.memref_slice %arg3[%select_n3A, %dma_start3A] : memref<8x8192xi32, #tpu.memory_space<hbm>> -> memref<1x8192xi32, #tpu.memory_space<hbm>>
      %dma_start3A_40 = tpu.memref_squeeze %dma_start3A_39 : memref<1x8192xi32, #tpu.memory_space<hbm>> -> memref<8192xi32, #tpu.memory_space<hbm>>
      %dma_start3A_41 = arith.constant 0 : i32
      %dma_start3A_42 = tpu.memref_slice %arg3[%select_n3A, %dma_start3A_41] : memref<8x8192xi32, #tpu.memory_space<hbm>> -> memref<1x8192xi32, #tpu.memory_space<hbm>>
      %dma_start3A_43 = tpu.memref_squeeze %dma_start3A_42 : memref<1x8192xi32, #tpu.memory_space<hbm>> -> memref<8192xi32, #tpu.memory_space<hbm>>
      tpu.enqueue_dma source(%dma_start3A_43 : memref<8192xi32, #tpu.memory_space<hbm>>) target(%arg5 : memref<8192xi32, #tpu.memory_space<vmem>>) target_semaphore(%run_scoped3A : memref<!tpu.dma_semaphore, #tpu.memory_space<semaphore_mem>>)
      %dma_wait3A = arith.constant 0 : i32
      %dma_wait3A_44 = tpu.memref_slice %arg3[%select_n3A, %dma_wait3A] : memref<8x8192xi32, #tpu.memory_space<hbm>> -> memref<1x8192xi32, #tpu.memory_space<hbm>>
      %dma_wait3A_45 = tpu.memref_squeeze %dma_wait3A_44 : memref<1x8192xi32, #tpu.memory_space<hbm>> -> memref<8192xi32, #tpu.memory_space<hbm>>
      %dma_wait3A_46 = arith.constant 0 : i32
      %dma_wait3A_47 = tpu.memref_slice %arg3[%select_n3A, %dma_wait3A_46] : memref<8x8192xi32, #tpu.memory_space<hbm>> -> memref<1x8192xi32, #tpu.memory_space<hbm>>
      %dma_wait3A_48 = tpu.memref_squeeze %dma_wait3A_47 : memref<1x8192xi32, #tpu.memory_space<hbm>> -> memref<8192xi32, #tpu.memory_space<hbm>>
      tpu.wait_dma2 semaphore(%run_scoped3A : memref<!tpu.dma_semaphore, #tpu.memory_space<semaphore_mem>>) src(%dma_wait3A_48 : memref<8192xi32, #tpu.memory_space<hbm>>) dst(%arg5 : memref<8192xi32, #tpu.memory_space<vmem>>)
      tpu.yield
    }) : () -> ()
    %scan3A = arith.constant 0 : i32
    %scan3A_33 = arith.constant 0 : i32
    %scan3A_34 = arith.constant 8 : i32
    %scan3A_35 = arith.addi %scan3A_33, %scan3A_34 : i32
    %scan3A_36 = arith.constant 1 : i32
    %scan3A_37 = scf.for %scan3A_39 = %scan3A_33 to %scan3A_35 step %scan3A_36 iter_args(%scan3A_40 = %scan3A) -> (i32)  : i32 {
      %mul3A_41 = arith.constant 8 : i32
      %mul3A_42 = arith.muli %scan3A_39, %mul3A_41 : i32
      %add3A_43 = arith.addi %mul3A_32, %mul3A_42 : i32
      "tpu.region"() ({
        %run_scoped3A = tpu.sem_alloc : memref<!tpu.dma_semaphore, #tpu.memory_space<semaphore_mem>>
        %dma_start3A = arith.constant 0 : i32
        %dma_start3A_52 = tpu.memref_slice %arg2[%select_n3A, %add3A_43, %dma_start3A] : memref<8x256x8192xf32, #tpu.memory_space<hbm>> -> memref<1x8x8192xf32, #tpu.memory_space<hbm>>
        %dma_start3A_53 = tpu.memref_squeeze %dma_start3A_52 : memref<1x8x8192xf32, #tpu.memory_space<hbm>> -> memref<8x8192xf32, #tpu.memory_space<hbm>>
        %dma_start3A_54 = arith.constant 0 : i32
        %dma_start3A_55 = tpu.memref_slice %arg2[%select_n3A, %add3A_43, %dma_start3A_54] : memref<8x256x8192xf32, #tpu.memory_space<hbm>> -> memref<1x8x8192xf32, #tpu.memory_space<hbm>>
        %dma_start3A_56 = tpu.memref_squeeze %dma_start3A_55 : memref<1x8x8192xf32, #tpu.memory_space<hbm>> -> memref<8x8192xf32, #tpu.memory_space<hbm>>
        tpu.enqueue_dma source(%dma_start3A_56 : memref<8x8192xf32, #tpu.memory_space<hbm>>) target(%arg6 : memref<8x8192xf32, #tpu.memory_space<vmem>>) target_semaphore(%run_scoped3A : memref<!tpu.dma_semaphore, #tpu.memory_space<semaphore_mem>>)
        %dma_wait3A = arith.constant 0 : i32
        %dma_wait3A_57 = tpu.memref_slice %arg2[%select_n3A, %add3A_43, %dma_wait3A] : memref<8x256x8192xf32, #tpu.memory_space<hbm>> -> memref<1x8x8192xf32, #tpu.memory_space<hbm>>
        %dma_wait3A_58 = tpu.memref_squeeze %dma_wait3A_57 : memref<1x8x8192xf32, #tpu.memory_space<hbm>> -> memref<8x8192xf32, #tpu.memory_space<hbm>>
        %dma_wait3A_59 = arith.constant 0 : i32
        %dma_wait3A_60 = tpu.memref_slice %arg2[%select_n3A, %add3A_43, %dma_wait3A_59] : memref<8x256x8192xf32, #tpu.memory_space<hbm>> -> memref<1x8x8192xf32, #tpu.memory_space<hbm>>
        %dma_wait3A_61 = tpu.memref_squeeze %dma_wait3A_60 : memref<1x8x8192xf32, #tpu.memory_space<hbm>> -> memref<8x8192xf32, #tpu.memory_space<hbm>>
        tpu.wait_dma2 semaphore(%run_scoped3A : memref<!tpu.dma_semaphore, #tpu.memory_space<semaphore_mem>>) src(%dma_wait3A_61 : memref<8x8192xf32, #tpu.memory_space<hbm>>) dst(%arg6 : memref<8x8192xf32, #tpu.memory_space<vmem>>)
        tpu.yield
      }) : () -> ()
      %scan3A_44 = arith.constant 0 : i32
      %scan3A_45 = arith.constant 0 : i32
      %scan3A_46 = arith.constant 32 : i32
      %scan3A_47 = arith.addi %scan3A_45, %scan3A_46 : i32
      %scan3A_48 = arith.constant 1 : i32
      %scan3A_49 = scf.for %scan3A_52 = %scan3A_45 to %scan3A_47 step %scan3A_48 iter_args(%scan3A_53 = %scan3A_44) -> (i32)  : i32 {
        %mul3A_54 = arith.constant 16 : i32
        %mul3A_55 = arith.muli %scan3A_52, %mul3A_54 : i32
        %add3A_56 = arith.constant 0 : i32
        %add3A_57 = arith.addi %add3A_56, %mul3A_55 : i32
        %get3A = arith.index_cast %add3A_57 : i32 to index
        %get3A_58 = tpu.vector_load %arg5[%get3A] {strides = array<i32>} : memref<8192xi32, #tpu.memory_space<vmem>>, vector<16xi32>,
        %add3A_59 = arith.constant 512 : i32
        %add3A_60 = arith.addi %add3A_59, %mul3A_55 : i32
        %get3A_61 = arith.index_cast %add3A_60 : i32 to index
        %get3A_62 = tpu.vector_load %arg5[%get3A_61] {strides = array<i32>} : memref<8192xi32, #tpu.memory_space<vmem>>, vector<16xi32>,
        %add3A_63 = arith.constant 1024 : i32
        %add3A_64 = arith.addi %add3A_63, %mul3A_55 : i32
        %get3A_65 = arith.index_cast %add3A_64 : i32 to index
        %get3A_66 = tpu.vector_load %arg5[%get3A_65] {strides = array<i32>} : memref<8192xi32, #tpu.memory_space<vmem>>, vector<16xi32>,
        %add3A_67 = arith.constant 1536 : i32
        %add3A_68 = arith.addi %add3A_67, %mul3A_55 : i32
        %get3A_69 = arith.index_cast %add3A_68 : i32 to index
        %get3A_70 = tpu.vector_load %arg5[%get3A_69] {strides = array<i32>} : memref<8192xi32, #tpu.memory_space<vmem>>, vector<16xi32>,
        %add3A_71 = arith.constant 2048 : i32
        %add3A_72 = arith.addi %add3A_71, %mul3A_55 : i32
        %get3A_73 = arith.index_cast %add3A_72 : i32 to index
        %get3A_74 = tpu.vector_load %arg5[%get3A_73] {strides = array<i32>} : memref<8192xi32, #tpu.memory_space<vmem>>, vector<16xi32>,
        %add3A_75 = arith.constant 2560 : i32
        %add3A_76 = arith.addi %add3A_75, %mul3A_55 : i32
        %get3A_77 = arith.index_cast %add3A_76 : i32 to index
        %get3A_78 = tpu.vector_load %arg5[%get3A_77] {strides = array<i32>} : memref<8192xi32, #tpu.memory_space<vmem>>, vector<16xi32>,
        %add3A_79 = arith.constant 3072 : i32
        %add3A_80 = arith.addi %add3A_79, %mul3A_55 : i32
        %get3A_81 = arith.index_cast %add3A_80 : i32 to index
        %get3A_82 = tpu.vector_load %arg5[%get3A_81] {strides = array<i32>} : memref<8192xi32, #tpu.memory_space<vmem>>, vector<16xi32>,
        %add3A_83 = arith.constant 3584 : i32
        %add3A_84 = arith.addi %add3A_83, %mul3A_55 : i32
        %get3A_85 = arith.index_cast %add3A_84 : i32 to index
        %get3A_86 = tpu.vector_load %arg5[%get3A_85] {strides = array<i32>} : memref<8192xi32, #tpu.memory_space<vmem>>, vector<16xi32>,
        %add3A_87 = arith.constant 4096 : i32
        %add3A_88 = arith.addi %add3A_87, %mul3A_55 : i32
        %get3A_89 = arith.index_cast %add3A_88 : i32 to index
        %get3A_90 = tpu.vector_load %arg5[%get3A_89] {strides = array<i32>} : memref<8192xi32, #tpu.memory_space<vmem>>, vector<16xi32>,
        %add3A_91 = arith.constant 4608 : i32
        %add3A_92 = arith.addi %add3A_91, %mul3A_55 : i32
        %get3A_93 = arith.index_cast %add3A_92 : i32 to index
        %get3A_94 = tpu.vector_load %arg5[%get3A_93] {strides = array<i32>} : memref<8192xi32, #tpu.memory_space<vmem>>, vector<16xi32>,
        %add3A_95 = arith.constant 5120 : i32
        %add3A_96 = arith.addi %add3A_95, %mul3A_55 : i32
        %get3A_97 = arith.index_cast %add3A_96 : i32 to index
        %get3A_98 = tpu.vector_load %arg5[%get3A_97] {strides = array<i32>} : memref<8192xi32, #tpu.memory_space<vmem>>, vector<16xi32>,
        %add3A_99 = arith.constant 5632 : i32
        %add3A_100 = arith.addi %add3A_99, %mul3A_55 : i32
        %get3A_101 = arith.index_cast %add3A_100 : i32 to index
        %get3A_102 = tpu.vector_load %arg5[%get3A_101] {strides = array<i32>} : memref<8192xi32, #tpu.memory_space<vmem>>, vector<16xi32>,
        %add3A_103 = arith.constant 6144 : i32
        %add3A_104 = arith.addi %add3A_103, %mul3A_55 : i32
        %get3A_105 = arith.index_cast %add3A_104 : i32 to index
        %get3A_106 = tpu.vector_load %arg5[%get3A_105] {strides = array<i32>} : memref<8192xi32, #tpu.memory_space<vmem>>, vector<16xi32>,
        %add3A_107 = arith.constant 6656 : i32
        %add3A_108 = arith.addi %add3A_107, %mul3A_55 : i32
        %get3A_109 = arith.index_cast %add3A_108 : i32 to index
        %get3A_110 = tpu.vector_load %arg5[%get3A_109] {strides = array<i32>} : memref<8192xi32, #tpu.memory_space<vmem>>, vector<16xi32>,
        %add3A_111 = arith.constant 7168 : i32
        %add3A_112 = arith.addi %add3A_111, %mul3A_55 : i32
        %get3A_113 = arith.index_cast %add3A_112 : i32 to index
        %get3A_114 = tpu.vector_load %arg5[%get3A_113] {strides = array<i32>} : memref<8192xi32, #tpu.memory_space<vmem>>, vector<16xi32>,
        %add3A_115 = arith.constant 7680 : i32
        %add3A_116 = arith.addi %add3A_115, %mul3A_55 : i32
        %get3A_117 = arith.index_cast %add3A_116 : i32 to index
        %get3A_118 = tpu.vector_load %arg5[%get3A_117] {strides = array<i32>} : memref<8192xi32, #tpu.memory_space<vmem>>, vector<16xi32>,
        %broadcast_in_dim3A = arith.constant 0 : i32
        %broadcast_in_dim3A_119 = vector.broadcast %broadcast_in_dim3A : i32 to vector<16xi32>
        %gather3A = tpu.vector_load_idx %arg6[%broadcast_in_dim3A_119, %get3A_58] : memref<8x8192xf32, #tpu.memory_space<vmem>>[vector<16xi32>, vector<16xi32>], vector<16xf32>,
        %gather3A_120 = tpu.vector_load_idx %arg6[%broadcast_in_dim3A_119, %get3A_62] : memref<8x8192xf32, #tpu.memory_space<vmem>>[vector<16xi32>, vector<16xi32>], vector<16xf32>,
        %max3A = arith.maximumf %gather3A, %gather3A_120 : vector<16xf32>
        %gather3A_121 = tpu.vector_load_idx %arg6[%broadcast_in_dim3A_119, %get3A_66] : memref<8x8192xf32, #tpu.memory_space<vmem>>[vector<16xi32>, vector<16xi32>], vector<16xf32>,
        %max3A_122 = arith.maximumf %max3A, %gather3A_121 : vector<16xf32>
        %gather3A_123 = tpu.vector_load_idx %arg6[%broadcast_in_dim3A_119, %get3A_70] : memref<8x8192xf32, #tpu.memory_space<vmem>>[vector<16xi32>, vector<16xi32>], vector<16xf32>,
        %max3A_124 = arith.maximumf %max3A_122, %gather3A_123 : vector<16xf32>
        %gather3A_125 = tpu.vector_load_idx %arg6[%broadcast_in_dim3A_119, %get3A_74] : memref<8x8192xf32, #tpu.memory_space<vmem>>[vector<16xi32>, vector<16xi32>], vector<16xf32>,
        %max3A_126 = arith.maximumf %max3A_124, %gather3A_125 : vector<16xf32>
        %gather3A_127 = tpu.vector_load_idx %arg6[%broadcast_in_dim3A_119, %get3A_78] : memref<8x8192xf32, #tpu.memory_space<vmem>>[vector<16xi32>, vector<16xi32>], vector<16xf32>,
        %max3A_128 = arith.maximumf %max3A_126, %gather3A_127 : vector<16xf32>
        %gather3A_129 = tpu.vector_load_idx %arg6[%broadcast_in_dim3A_119, %get3A_82] : memref<8x8192xf32, #tpu.memory_space<vmem>>[vector<16xi32>, vector<16xi32>], vector<16xf32>,
        %max3A_130 = arith.maximumf %max3A_128, %gather3A_129 : vector<16xf32>
        %gather3A_131 = tpu.vector_load_idx %arg6[%broadcast_in_dim3A_119, %get3A_86] : memref<8x8192xf32, #tpu.memory_space<vmem>>[vector<16xi32>, vector<16xi32>], vector<16xf32>,
        %max3A_132 = arith.maximumf %max3A_130, %gather3A_131 : vector<16xf32>
        %gather3A_133 = tpu.vector_load_idx %arg6[%broadcast_in_dim3A_119, %get3A_90] : memref<8x8192xf32, #tpu.memory_space<vmem>>[vector<16xi32>, vector<16xi32>], vector<16xf32>,
        %max3A_134 = arith.maximumf %max3A_132, %gather3A_133 : vector<16xf32>
        %gather3A_135 = tpu.vector_load_idx %arg6[%broadcast_in_dim3A_119, %get3A_94] : memref<8x8192xf32, #tpu.memory_space<vmem>>[vector<16xi32>, vector<16xi32>], vector<16xf32>,
        %max3A_136 = arith.maximumf %max3A_134, %gather3A_135 : vector<16xf32>
        %gather3A_137 = tpu.vector_load_idx %arg6[%broadcast_in_dim3A_119, %get3A_98] : memref<8x8192xf32, #tpu.memory_space<vmem>>[vector<16xi32>, vector<16xi32>], vector<16xf32>,
        %max3A_138 = arith.maximumf %max3A_136, %gather3A_137 : vector<16xf32>
        %gather3A_139 = tpu.vector_load_idx %arg6[%broadcast_in_dim3A_119, %get3A_102] : memref<8x8192xf32, #tpu.memory_space<vmem>>[vector<16xi32>, vector<16xi32>], vector<16xf32>,
        %max3A_140 = arith.maximumf %max3A_138, %gather3A_139 : vector<16xf32>
        %gather3A_141 = tpu.vector_load_idx %arg6[%broadcast_in_dim3A_119, %get3A_106] : memref<8x8192xf32, #tpu.memory_space<vmem>>[vector<16xi32>, vector<16xi32>], vector<16xf32>,
        %max3A_142 = arith.maximumf %max3A_140, %gather3A_141 : vector<16xf32>
        %gather3A_143 = tpu.vector_load_idx %arg6[%broadcast_in_dim3A_119, %get3A_110] : memref<8x8192xf32, #tpu.memory_space<vmem>>[vector<16xi32>, vector<16xi32>], vector<16xf32>,
        %max3A_144 = arith.maximumf %max3A_142, %gather3A_143 : vector<16xf32>
        %gather3A_145 = tpu.vector_load_idx %arg6[%broadcast_in_dim3A_119, %get3A_114] : memref<8x8192xf32, #tpu.memory_space<vmem>>[vector<16xi32>, vector<16xi32>], vector<16xf32>,
        %max3A_146 = arith.maximumf %max3A_144, %gather3A_145 : vector<16xf32>
        %gather3A_147 = tpu.vector_load_idx %arg6[%broadcast_in_dim3A_119, %get3A_118] : memref<8x8192xf32, #tpu.memory_space<vmem>>[vector<16xi32>, vector<16xi32>], vector<16xf32>,
        %max3A_148 = arith.maximumf %max3A_146, %gather3A_147 : vector<16xf32>
        %swap3A = arith.constant 0 : i32
        %swap3A_149 = arith.index_cast %swap3A : i32 to index
        %swap3A_150 = arith.index_cast %mul3A_55 : i32 to index
        %swap3A_151 = tpu.vector_load %arg7[%swap3A_149, %swap3A_150] {strides = array<i32>} : memref<8x512xf32, #tpu.memory_space<vmem>>, vector<16xf32>,
        tpu.vector_store %arg7[%swap3A_149, %swap3A_150], %max3A_148 {strides = array<i32>} : memref<8x512xf32, #tpu.memory_space<vmem>>, vector<16xf32>,
        %broadcast_in_dim3A_152 = arith.constant 1 : i32
        %broadcast_in_dim3A_153 = vector.broadcast %broadcast_in_dim3A_152 : i32 to vector<16xi32>
        %gather3A_154 = tpu.vector_load_idx %arg6[%broadcast_in_dim3A_153, %get3A_58] : memref<8x8192xf32, #tpu.memory_space<vmem>>[vector<16xi32>, vector<16xi32>], vector<16xf32>,
        %gather3A_155 = tpu.vector_load_idx %arg6[%broadcast_in_dim3A_153, %get3A_62] : memref<8x8192xf32, #tpu.memory_space<vmem>>[vector<16xi32>, vector<16xi32>], vector<16xf32>,
        %max3A_156 = arith.maximumf %gather3A_154, %gather3A_155 : vector<16xf32>
        %gather3A_157 = tpu.vector_load_idx %arg6[%broadcast_in_dim3A_153, %get3A_66] : memref<8x8192xf32, #tpu.memory_space<vmem>>[vector<16xi32>, vector<16xi32>], vector<16xf32>,
        %max3A_158 = arith.maximumf %max3A_156, %gather3A_157 : vector<16xf32>
        %gather3A_159 = tpu.vector_load_idx %arg6[%broadcast_in_dim3A_153, %get3A_70] : memref<8x8192xf32, #tpu.memory_space<vmem>>[vector<16xi32>, vector<16xi32>], vector<16xf32>,
        %max3A_160 = arith.maximumf %max3A_158, %gather3A_159 : vector<16xf32>
        %gather3A_161 = tpu.vector_load_idx %arg6[%broadcast_in_dim3A_153, %get3A_74] : memref<8x8192xf32, #tpu.memory_space<vmem>>[vector<16xi32>, vector<16xi32>], vector<16xf32>,
        %max3A_162 = arith.maximumf %max3A_160, %gather3A_161 : vector<16xf32>
        %gather3A_163 = tpu.vector_load_idx %arg6[%broadcast_in_dim3A_153, %get3A_78] : memref<8x8192xf32, #tpu.memory_space<vmem>>[vector<16xi32>, vector<16xi32>], vector<16xf32>,
        %max3A_164 = arith.maximumf %max3A_162, %gather3A_163 : vector<16xf32>
        %gather3A_165 = tpu.vector_load_idx %arg6[%broadcast_in_dim3A_153, %get3A_82] : memref<8x8192xf32, #tpu.memory_space<vmem>>[vector<16xi32>, vector<16xi32>], vector<16xf32>,
        %max3A_166 = arith.maximumf %max3A_164, %gather3A_165 : vector<16xf32>
        %gather3A_167 = tpu.vector_load_idx %arg6[%broadcast_in_dim3A_153, %get3A_86] : memref<8x8192xf32, #tpu.memory_space<vmem>>[vector<16xi32>, vector<16xi32>], vector<16xf32>,
        %max3A_168 = arith.maximumf %max3A_166, %gather3A_167 : vector<16xf32>
        %gather3A_169 = tpu.vector_load_idx %arg6[%broadcast_in_dim3A_153, %get3A_90] : memref<8x8192xf32, #tpu.memory_space<vmem>>[vector<16xi32>, vector<16xi32>], vector<16xf32>,
        %max3A_170 = arith.maximumf %max3A_168, %gather3A_169 : vector<16xf32>
        %gather3A_171 = tpu.vector_load_idx %arg6[%broadcast_in_dim3A_153, %get3A_94] : memref<8x8192xf32, #tpu.memory_space<vmem>>[vector<16xi32>, vector<16xi32>], vector<16xf32>,
        %max3A_172 = arith.maximumf %max3A_170, %gather3A_171 : vector<16xf32>
        %gather3A_173 = tpu.vector_load_idx %arg6[%broadcast_in_dim3A_153, %get3A_98] : memref<8x8192xf32, #tpu.memory_space<vmem>>[vector<16xi32>, vector<16xi32>], vector<16xf32>,
        %max3A_174 = arith.maximumf %max3A_172, %gather3A_173 : vector<16xf32>
        %gather3A_175 = tpu.vector_load_idx %arg6[%broadcast_in_dim3A_153, %get3A_102] : memref<8x8192xf32, #tpu.memory_space<vmem>>[vector<16xi32>, vector<16xi32>], vector<16xf32>,
        %max3A_176 = arith.maximumf %max3A_174, %gather3A_175 : vector<16xf32>
        %gather3A_177 = tpu.vector_load_idx %arg6[%broadcast_in_dim3A_153, %get3A_106] : memref<8x8192xf32, #tpu.memory_space<vmem>>[vector<16xi32>, vector<16xi32>], vector<16xf32>,
        %max3A_178 = arith.maximumf %max3A_176, %gather3A_177 : vector<16xf32>
        %gather3A_179 = tpu.vector_load_idx %arg6[%broadcast_in_dim3A_153, %get3A_110] : memref<8x8192xf32, #tpu.memory_space<vmem>>[vector<16xi32>, vector<16xi32>], vector<16xf32>,
        %max3A_180 = arith.maximumf %max3A_178, %gather3A_179 : vector<16xf32>
        %gather3A_181 = tpu.vector_load_idx %arg6[%broadcast_in_dim3A_153, %get3A_114] : memref<8x8192xf32, #tpu.memory_space<vmem>>[vector<16xi32>, vector<16xi32>], vector<16xf32>,
        %max3A_182 = arith.maximumf %max3A_180, %gather3A_181 : vector<16xf32>
        %gather3A_183 = tpu.vector_load_idx %arg6[%broadcast_in_dim3A_153, %get3A_118] : memref<8x8192xf32, #tpu.memory_space<vmem>>[vector<16xi32>, vector<16xi32>], vector<16xf32>,
        %max3A_184 = arith.maximumf %max3A_182, %gather3A_183 : vector<16xf32>
        %swap3A_185 = arith.constant 1 : i32
        %swap3A_186 = arith.index_cast %swap3A_185 : i32 to index
        %swap3A_187 = arith.index_cast %mul3A_55 : i32 to index
        %swap3A_188 = tpu.vector_load %arg7[%swap3A_186, %swap3A_187] {strides = array<i32>} : memref<8x512xf32, #tpu.memory_space<vmem>>, vector<16xf32>,
        tpu.vector_store %arg7[%swap3A_186, %swap3A_187], %max3A_184 {strides = array<i32>} : memref<8x512xf32, #tpu.memory_space<vmem>>, vector<16xf32>,
        %broadcast_in_dim3A_189 = arith.constant 2 : i32
        %broadcast_in_dim3A_190 = vector.broadcast %broadcast_in_dim3A_189 : i32 to vector<16xi32>
        %gather3A_191 = tpu.vector_load_idx %arg6[%broadcast_in_dim3A_190, %get3A_58] : memref<8x8192xf32, #tpu.memory_space<vmem>>[vector<16xi32>, vector<16xi32>], vector<16xf32>,
        %gather3A_192 = tpu.vector_load_idx %arg6[%broadcast_in_dim3A_190, %get3A_62] : memref<8x8192xf32, #tpu.memory_space<vmem>>[vector<16xi32>, vector<16xi32>], vector<16xf32>,
        %max3A_193 = arith.maximumf %gather3A_191, %gather3A_192 : vector<16xf32>
        %gather3A_194 = tpu.vector_load_idx %arg6[%broadcast_in_dim3A_190, %get3A_66] : memref<8x8192xf32, #tpu.memory_space<vmem>>[vector<16xi32>, vector<16xi32>], vector<16xf32>,
        %max3A_195 = arith.maximumf %max3A_193, %gather3A_194 : vector<16xf32>
        %gather3A_196 = tpu.vector_load_idx %arg6[%broadcast_in_dim3A_190, %get3A_70] : memref<8x8192xf32, #tpu.memory_space<vmem>>[vector<16xi32>, vector<16xi32>], vector<16xf32>,
        %max3A_197 = arith.maximumf %max3A_195, %gather3A_196 : vector<16xf32>
        %gather3A_198 = tpu.vector_load_idx %arg6[%broadcast_in_dim3A_190, %get3A_74] : memref<8x8192xf32, #tpu.memory_space<vmem>>[vector<16xi32>, vector<16xi32>], vector<16xf32>,
        %max3A_199 = arith.maximumf %max3A_197, %gather3A_198 : vector<16xf32>
        %gather3A_200 = tpu.vector_load_idx %arg6[%broadcast_in_dim3A_190, %get3A_78] : memref<8x8192xf32, #tpu.memory_space<vmem>>[vector<16xi32>, vector<16xi32>], vector<16xf32>,
        %max3A_201 = arith.maximumf %max3A_199, %gather3A_200 : vector<16xf32>
        %gather3A_202 = tpu.vector_load_idx %arg6[%broadcast_in_dim3A_190, %get3A_82] : memref<8x8192xf32, #tpu.memory_space<vmem>>[vector<16xi32>, vector<16xi32>], vector<16xf32>,
        %max3A_203 = arith.maximumf %max3A_201, %gather3A_202 : vector<16xf32>
        %gather3A_204 = tpu.vector_load_idx %arg6[%broadcast_in_dim3A_190, %get3A_86] : memref<8x8192xf32, #tpu.memory_space<vmem>>[vector<16xi32>, vector<16xi32>], vector<16xf32>,
        %max3A_205 = arith.maximumf %max3A_203, %gather3A_204 : vector<16xf32>
        %gather3A_206 = tpu.vector_load_idx %arg6[%broadcast_in_dim3A_190, %get3A_90] : memref<8x8192xf32, #tpu.memory_space<vmem>>[vector<16xi32>, vector<16xi32>], vector<16xf32>,
        %max3A_207 = arith.maximumf %max3A_205, %gather3A_206 : vector<16xf32>
        %gather3A_208 = tpu.vector_load_idx %arg6[%broadcast_in_dim3A_190, %get3A_94] : memref<8x8192xf32, #tpu.memory_space<vmem>>[vector<16xi32>, vector<16xi32>], vector<16xf32>,
        %max3A_209 = arith.maximumf %max3A_207, %gather3A_208 : vector<16xf32>
        %gather3A_210 = tpu.vector_load_idx %arg6[%broadcast_in_dim3A_190, %get3A_98] : memref<8x8192xf32, #tpu.memory_space<vmem>>[vector<16xi32>, vector<16xi32>], vector<16xf32>,
        %max3A_211 = arith.maximumf %max3A_209, %gather3A_210 : vector<16xf32>
        %gather3A_212 = tpu.vector_load_idx %arg6[%broadcast_in_dim3A_190, %get3A_102] : memref<8x8192xf32, #tpu.memory_space<vmem>>[vector<16xi32>, vector<16xi32>], vector<16xf32>,
        %max3A_213 = arith.maximumf %max3A_211, %gather3A_212 : vector<16xf32>
        %gather3A_214 = tpu.vector_load_idx %arg6[%broadcast_in_dim3A_190, %get3A_106] : memref<8x8192xf32, #tpu.memory_space<vmem>>[vector<16xi32>, vector<16xi32>], vector<16xf32>,
        %max3A_215 = arith.maximumf %max3A_213, %gather3A_214 : vector<16xf32>
        %gather3A_216 = tpu.vector_load_idx %arg6[%broadcast_in_dim3A_190, %get3A_110] : memref<8x8192xf32, #tpu.memory_space<vmem>>[vector<16xi32>, vector<16xi32>], vector<16xf32>,
        %max3A_217 = arith.maximumf %max3A_215, %gather3A_216 : vector<16xf32>
        %gather3A_218 = tpu.vector_load_idx %arg6[%broadcast_in_dim3A_190, %get3A_114] : memref<8x8192xf32, #tpu.memory_space<vmem>>[vector<16xi32>, vector<16xi32>], vector<16xf32>,
        %max3A_219 = arith.maximumf %max3A_217, %gather3A_218 : vector<16xf32>
        %gather3A_220 = tpu.vector_load_idx %arg6[%broadcast_in_dim3A_190, %get3A_118] : memref<8x8192xf32, #tpu.memory_space<vmem>>[vector<16xi32>, vector<16xi32>], vector<16xf32>,
        %max3A_221 = arith.maximumf %max3A_219, %gather3A_220 : vector<16xf32>
        %swap3A_222 = arith.constant 2 : i32
        %swap3A_223 = arith.index_cast %swap3A_222 : i32 to index
        %swap3A_224 = arith.index_cast %mul3A_55 : i32 to index
        %swap3A_225 = tpu.vector_load %arg7[%swap3A_223, %swap3A_224] {strides = array<i32>} : memref<8x512xf32, #tpu.memory_space<vmem>>, vector<16xf32>,
        tpu.vector_store %arg7[%swap3A_223, %swap3A_224], %max3A_221 {strides = array<i32>} : memref<8x512xf32, #tpu.memory_space<vmem>>, vector<16xf32>,
        %broadcast_in_dim3A_226 = arith.constant 3 : i32
        %broadcast_in_dim3A_227 = vector.broadcast %broadcast_in_dim3A_226 : i32 to vector<16xi32>
        %gather3A_228 = tpu.vector_load_idx %arg6[%broadcast_in_dim3A_227, %get3A_58] : memref<8x8192xf32, #tpu.memory_space<vmem>>[vector<16xi32>, vector<16xi32>], vector<16xf32>,
        %gather3A_229 = tpu.vector_load_idx %arg6[%broadcast_in_dim3A_227, %get3A_62] : memref<8x8192xf32, #tpu.memory_space<vmem>>[vector<16xi32>, vector<16xi32>], vector<16xf32>,
        %max3A_230 = arith.maximumf %gather3A_228, %gather3A_229 : vector<16xf32>
        %gather3A_231 = tpu.vector_load_idx %arg6[%broadcast_in_dim3A_227, %get3A_66] : memref<8x8192xf32, #tpu.memory_space<vmem>>[vector<16xi32>, vector<16xi32>], vector<16xf32>,
        %max3A_232 = arith.maximumf %max3A_230, %gather3A_231 : vector<16xf32>
        %gather3A_233 = tpu.vector_load_idx %arg6[%broadcast_in_dim3A_227, %get3A_70] : memref<8x8192xf32, #tpu.memory_space<vmem>>[vector<16xi32>, vector<16xi32>], vector<16xf32>,
        %max3A_234 = arith.maximumf %max3A_232, %gather3A_233 : vector<16xf32>
        %gather3A_235 = tpu.vector_load_idx %arg6[%broadcast_in_dim3A_227, %get3A_74] : memref<8x8192xf32, #tpu.memory_space<vmem>>[vector<16xi32>, vector<16xi32>], vector<16xf32>,
        %max3A_236 = arith.maximumf %max3A_234, %gather3A_235 : vector<16xf32>
        %gather3A_237 = tpu.vector_load_idx %arg6[%broadcast_in_dim3A_227, %get3A_78] : memref<8x8192xf32, #tpu.memory_space<vmem>>[vector<16xi32>, vector<16xi32>], vector<16xf32>,
        %max3A_238 = arith.maximumf %max3A_236, %gather3A_237 : vector<16xf32>
        %gather3A_239 = tpu.vector_load_idx %arg6[%broadcast_in_dim3A_227, %get3A_82] : memref<8x8192xf32, #tpu.memory_space<vmem>>[vector<16xi32>, vector<16xi32>], vector<16xf32>,
        %max3A_240 = arith.maximumf %max3A_238, %gather3A_239 : vector<16xf32>
        %gather3A_241 = tpu.vector_load_idx %arg6[%broadcast_in_dim3A_227, %get3A_86] : memref<8x8192xf32, #tpu.memory_space<vmem>>[vector<16xi32>, vector<16xi32>], vector<16xf32>,
        %max3A_242 = arith.maximumf %max3A_240, %gather3A_241 : vector<16xf32>
        %gather3A_243 = tpu.vector_load_idx %arg6[%broadcast_in_dim3A_227, %get3A_90] : memref<8x8192xf32, #tpu.memory_space<vmem>>[vector<16xi32>, vector<16xi32>], vector<16xf32>,
        %max3A_244 = arith.maximumf %max3A_242, %gather3A_243 : vector<16xf32>
        %gather3A_245 = tpu.vector_load_idx %arg6[%broadcast_in_dim3A_227, %get3A_94] : memref<8x8192xf32, #tpu.memory_space<vmem>>[vector<16xi32>, vector<16xi32>], vector<16xf32>,
        %max3A_246 = arith.maximumf %max3A_244, %gather3A_245 : vector<16xf32>
        %gather3A_247 = tpu.vector_load_idx %arg6[%broadcast_in_dim3A_227, %get3A_98] : memref<8x8192xf32, #tpu.memory_space<vmem>>[vector<16xi32>, vector<16xi32>], vector<16xf32>,
        %max3A_248 = arith.maximumf %max3A_246, %gather3A_247 : vector<16xf32>
        %gather3A_249 = tpu.vector_load_idx %arg6[%broadcast_in_dim3A_227, %get3A_102] : memref<8x8192xf32, #tpu.memory_space<vmem>>[vector<16xi32>, vector<16xi32>], vector<16xf32>,
        %max3A_250 = arith.maximumf %max3A_248, %gather3A_249 : vector<16xf32>
        %gather3A_251 = tpu.vector_load_idx %arg6[%broadcast_in_dim3A_227, %get3A_106] : memref<8x8192xf32, #tpu.memory_space<vmem>>[vector<16xi32>, vector<16xi32>], vector<16xf32>,
        %max3A_252 = arith.maximumf %max3A_250, %gather3A_251 : vector<16xf32>
        %gather3A_253 = tpu.vector_load_idx %arg6[%broadcast_in_dim3A_227, %get3A_110] : memref<8x8192xf32, #tpu.memory_space<vmem>>[vector<16xi32>, vector<16xi32>], vector<16xf32>,
        %max3A_254 = arith.maximumf %max3A_252, %gather3A_253 : vector<16xf32>
        %gather3A_255 = tpu.vector_load_idx %arg6[%broadcast_in_dim3A_227, %get3A_114] : memref<8x8192xf32, #tpu.memory_space<vmem>>[vector<16xi32>, vector<16xi32>], vector<16xf32>,
        %max3A_256 = arith.maximumf %max3A_254, %gather3A_255 : vector<16xf32>
        %gather3A_257 = tpu.vector_load_idx %arg6[%broadcast_in_dim3A_227, %get3A_118] : memref<8x8192xf32, #tpu.memory_space<vmem>>[vector<16xi32>, vector<16xi32>], vector<16xf32>,
        %max3A_258 = arith.maximumf %max3A_256, %gather3A_257 : vector<16xf32>
        %swap3A_259 = arith.constant 3 : i32
        %swap3A_260 = arith.index_cast %swap3A_259 : i32 to index
        %swap3A_261 = arith.index_cast %mul3A_55 : i32 to index
        %swap3A_262 = tpu.vector_load %arg7[%swap3A_260, %swap3A_261] {strides = array<i32>} : memref<8x512xf32, #tpu.memory_space<vmem>>, vector<16xf32>,
        tpu.vector_store %arg7[%swap3A_260, %swap3A_261], %max3A_258 {strides = array<i32>} : memref<8x512xf32, #tpu.memory_space<vmem>>, vector<16xf32>,
        %broadcast_in_dim3A_263 = arith.constant 4 : i32
        %broadcast_in_dim3A_264 = vector.broadcast %broadcast_in_dim3A_263 : i32 to vector<16xi32>
        %gather3A_265 = tpu.vector_load_idx %arg6[%broadcast_in_dim3A_264, %get3A_58] : memref<8x8192xf32, #tpu.memory_space<vmem>>[vector<16xi32>, vector<16xi32>], vector<16xf32>,
        %gather3A_266 = tpu.vector_load_idx %arg6[%broadcast_in_dim3A_264, %get3A_62] : memref<8x8192xf32, #tpu.memory_space<vmem>>[vector<16xi32>, vector<16xi32>], vector<16xf32>,
        %max3A_267 = arith.maximumf %gather3A_265, %gather3A_266 : vector<16xf32>
        %gather3A_268 = tpu.vector_load_idx %arg6[%broadcast_in_dim3A_264, %get3A_66] : memref<8x8192xf32, #tpu.memory_space<vmem>>[vector<16xi32>, vector<16xi32>], vector<16xf32>,
        %max3A_269 = arith.maximumf %max3A_267, %gather3A_268 : vector<16xf32>
        %gather3A_270 = tpu.vector_load_idx %arg6[%broadcast_in_dim3A_264, %get3A_70] : memref<8x8192xf32, #tpu.memory_space<vmem>>[vector<16xi32>, vector<16xi32>], vector<16xf32>,
        %max3A_271 = arith.maximumf %max3A_269, %gather3A_270 : vector<16xf32>
        %gather3A_272 = tpu.vector_load_idx %arg6[%broadcast_in_dim3A_264, %get3A_74] : memref<8x8192xf32, #tpu.memory_space<vmem>>[vector<16xi32>, vector<16xi32>], vector<16xf32>,
        %max3A_273 = arith.maximumf %max3A_271, %gather3A_272 : vector<16xf32>
        %gather3A_274 = tpu.vector_load_idx %arg6[%broadcast_in_dim3A_264, %get3A_78] : memref<8x8192xf32, #tpu.memory_space<vmem>>[vector<16xi32>, vector<16xi32>], vector<16xf32>,
        %max3A_275 = arith.maximumf %max3A_273, %gather3A_274 : vector<16xf32>
        %gather3A_276 = tpu.vector_load_idx %arg6[%broadcast_in_dim3A_264, %get3A_82] : memref<8x8192xf32, #tpu.memory_space<vmem>>[vector<16xi32>, vector<16xi32>], vector<16xf32>,
        %max3A_277 = arith.maximumf %max3A_275, %gather3A_276 : vector<16xf32>
        %gather3A_278 = tpu.vector_load_idx %arg6[%broadcast_in_dim3A_264, %get3A_86] : memref<8x8192xf32, #tpu.memory_space<vmem>>[vector<16xi32>, vector<16xi32>], vector<16xf32>,
        %max3A_279 = arith.maximumf %max3A_277, %gather3A_278 : vector<16xf32>
        %gather3A_280 = tpu.vector_load_idx %arg6[%broadcast_in_dim3A_264, %get3A_90] : memref<8x8192xf32, #tpu.memory_space<vmem>>[vector<16xi32>, vector<16xi32>], vector<16xf32>,
        %max3A_281 = arith.maximumf %max3A_279, %gather3A_280 : vector<16xf32>
        %gather3A_282 = tpu.vector_load_idx %arg6[%broadcast_in_dim3A_264, %get3A_94] : memref<8x8192xf32, #tpu.memory_space<vmem>>[vector<16xi32>, vector<16xi32>], vector<16xf32>,
        %max3A_283 = arith.maximumf %max3A_281, %gather3A_282 : vector<16xf32>
        %gather3A_284 = tpu.vector_load_idx %arg6[%broadcast_in_dim3A_264, %get3A_98] : memref<8x8192xf32, #tpu.memory_space<vmem>>[vector<16xi32>, vector<16xi32>], vector<16xf32>,
        %max3A_285 = arith.maximumf %max3A_283, %gather3A_284 : vector<16xf32>
        %gather3A_286 = tpu.vector_load_idx %arg6[%broadcast_in_dim3A_264, %get3A_102] : memref<8x8192xf32, #tpu.memory_space<vmem>>[vector<16xi32>, vector<16xi32>], vector<16xf32>,
        %max3A_287 = arith.maximumf %max3A_285, %gather3A_286 : vector<16xf32>
        %gather3A_288 = tpu.vector_load_idx %arg6[%broadcast_in_dim3A_264, %get3A_106] : memref<8x8192xf32, #tpu.memory_space<vmem>>[vector<16xi32>, vector<16xi32>], vector<16xf32>,
        %max3A_289 = arith.maximumf %max3A_287, %gather3A_288 : vector<16xf32>
        %gather3A_290 = tpu.vector_load_idx %arg6[%broadcast_in_dim3A_264, %get3A_110] : memref<8x8192xf32, #tpu.memory_space<vmem>>[vector<16xi32>, vector<16xi32>], vector<16xf32>,
        %max3A_291 = arith.maximumf %max3A_289, %gather3A_290 : vector<16xf32>
        %gather3A_292 = tpu.vector_load_idx %arg6[%broadcast_in_dim3A_264, %get3A_114] : memref<8x8192xf32, #tpu.memory_space<vmem>>[vector<16xi32>, vector<16xi32>], vector<16xf32>,
        %max3A_293 = arith.maximumf %max3A_291, %gather3A_292 : vector<16xf32>
        %gather3A_294 = tpu.vector_load_idx %arg6[%broadcast_in_dim3A_264, %get3A_118] : memref<8x8192xf32, #tpu.memory_space<vmem>>[vector<16xi32>, vector<16xi32>], vector<16xf32>,
        %max3A_295 = arith.maximumf %max3A_293, %gather3A_294 : vector<16xf32>
        %swap3A_296 = arith.constant 4 : i32
        %swap3A_297 = arith.index_cast %swap3A_296 : i32 to index
        %swap3A_298 = arith.index_cast %mul3A_55 : i32 to index
        %swap3A_299 = tpu.vector_load %arg7[%swap3A_297, %swap3A_298] {strides = array<i32>} : memref<8x512xf32, #tpu.memory_space<vmem>>, vector<16xf32>,
        tpu.vector_store %arg7[%swap3A_297, %swap3A_298], %max3A_295 {strides = array<i32>} : memref<8x512xf32, #tpu.memory_space<vmem>>, vector<16xf32>,
        %broadcast_in_dim3A_300 = arith.constant 5 : i32
        %broadcast_in_dim3A_301 = vector.broadcast %broadcast_in_dim3A_300 : i32 to vector<16xi32>
        %gather3A_302 = tpu.vector_load_idx %arg6[%broadcast_in_dim3A_301, %get3A_58] : memref<8x8192xf32, #tpu.memory_space<vmem>>[vector<16xi32>, vector<16xi32>], vector<16xf32>,
        %gather3A_303 = tpu.vector_load_idx %arg6[%broadcast_in_dim3A_301, %get3A_62] : memref<8x8192xf32, #tpu.memory_space<vmem>>[vector<16xi32>, vector<16xi32>], vector<16xf32>,
        %max3A_304 = arith.maximumf %gather3A_302, %gather3A_303 : vector<16xf32>
        %gather3A_305 = tpu.vector_load_idx %arg6[%broadcast_in_dim3A_301, %get3A_66] : memref<8x8192xf32, #tpu.memory_space<vmem>>[vector<16xi32>, vector<16xi32>], vector<16xf32>,
        %max3A_306 = arith.maximumf %max3A_304, %gather3A_305 : vector<16xf32>
        %gather3A_307 = tpu.vector_load_idx %arg6[%broadcast_in_dim3A_301, %get3A_70] : memref<8x8192xf32, #tpu.memory_space<vmem>>[vector<16xi32>, vector<16xi32>], vector<16xf32>,
        %max3A_308 = arith.maximumf %max3A_306, %gather3A_307 : vector<16xf32>
        %gather3A_309 = tpu.vector_load_idx %arg6[%broadcast_in_dim3A_301, %get3A_74] : memref<8x8192xf32, #tpu.memory_space<vmem>>[vector<16xi32>, vector<16xi32>], vector<16xf32>,
        %max3A_310 = arith.maximumf %max3A_308, %gather3A_309 : vector<16xf32>
        %gather3A_311 = tpu.vector_load_idx %arg6[%broadcast_in_dim3A_301, %get3A_78] : memref<8x8192xf32, #tpu.memory_space<vmem>>[vector<16xi32>, vector<16xi32>], vector<16xf32>,
        %max3A_312 = arith.maximumf %max3A_310, %gather3A_311 : vector<16xf32>
        %gather3A_313 = tpu.vector_load_idx %arg6[%broadcast_in_dim3A_301, %get3A_82] : memref<8x8192xf32, #tpu.memory_space<vmem>>[vector<16xi32>, vector<16xi32>], vector<16xf32>,
        %max3A_314 = arith.maximumf %max3A_312, %gather3A_313 : vector<16xf32>
        %gather3A_315 = tpu.vector_load_idx %arg6[%broadcast_in_dim3A_301, %get3A_86] : memref<8x8192xf32, #tpu.memory_space<vmem>>[vector<16xi32>, vector<16xi32>], vector<16xf32>,
        %max3A_316 = arith.maximumf %max3A_314, %gather3A_315 : vector<16xf32>
        %gather3A_317 = tpu.vector_load_idx %arg6[%broadcast_in_dim3A_301, %get3A_90] : memref<8x8192xf32, #tpu.memory_space<vmem>>[vector<16xi32>, vector<16xi32>], vector<16xf32>,
        %max3A_318 = arith.maximumf %max3A_316, %gather3A_317 : vector<16xf32>
        %gather3A_319 = tpu.vector_load_idx %arg6[%broadcast_in_dim3A_301, %get3A_94] : memref<8x8192xf32, #tpu.memory_space<vmem>>[vector<16xi32>, vector<16xi32>], vector<16xf32>,
        %max3A_320 = arith.maximumf %max3A_318, %gather3A_319 : vector<16xf32>
        %gather3A_321 = tpu.vector_load_idx %arg6[%broadcast_in_dim3A_301, %get3A_98] : memref<8x8192xf32, #tpu.memory_space<vmem>>[vector<16xi32>, vector<16xi32>], vector<16xf32>,
        %max3A_322 = arith.maximumf %max3A_320, %gather3A_321 : vector<16xf32>
        %gather3A_323 = tpu.vector_load_idx %arg6[%broadcast_in_dim3A_301, %get3A_102] : memref<8x8192xf32, #tpu.memory_space<vmem>>[vector<16xi32>, vector<16xi32>], vector<16xf32>,
        %max3A_324 = arith.maximumf %max3A_322, %gather3A_323 : vector<16xf32>
        %gather3A_325 = tpu.vector_load_idx %arg6[%broadcast_in_dim3A_301, %get3A_106] : memref<8x8192xf32, #tpu.memory_space<vmem>>[vector<16xi32>, vector<16xi32>], vector<16xf32>,
        %max3A_326 = arith.maximumf %max3A_324, %gather3A_325 : vector<16xf32>
        %gather3A_327 = tpu.vector_load_idx %arg6[%broadcast_in_dim3A_301, %get3A_110] : memref<8x8192xf32, #tpu.memory_space<vmem>>[vector<16xi32>, vector<16xi32>], vector<16xf32>,
        %max3A_328 = arith.maximumf %max3A_326, %gather3A_327 : vector<16xf32>
        %gather3A_329 = tpu.vector_load_idx %arg6[%broadcast_in_dim3A_301, %get3A_114] : memref<8x8192xf32, #tpu.memory_space<vmem>>[vector<16xi32>, vector<16xi32>], vector<16xf32>,
        %max3A_330 = arith.maximumf %max3A_328, %gather3A_329 : vector<16xf32>
        %gather3A_331 = tpu.vector_load_idx %arg6[%broadcast_in_dim3A_301, %get3A_118] : memref<8x8192xf32, #tpu.memory_space<vmem>>[vector<16xi32>, vector<16xi32>], vector<16xf32>,
        %max3A_332 = arith.maximumf %max3A_330, %gather3A_331 : vector<16xf32>
        %swap3A_333 = arith.constant 5 : i32
        %swap3A_334 = arith.index_cast %swap3A_333 : i32 to index
        %swap3A_335 = arith.index_cast %mul3A_55 : i32 to index
        %swap3A_336 = tpu.vector_load %arg7[%swap3A_334, %swap3A_335] {strides = array<i32>} : memref<8x512xf32, #tpu.memory_space<vmem>>, vector<16xf32>,
        tpu.vector_store %arg7[%swap3A_334, %swap3A_335], %max3A_332 {strides = array<i32>} : memref<8x512xf32, #tpu.memory_space<vmem>>, vector<16xf32>,
        %broadcast_in_dim3A_337 = arith.constant 6 : i32
        %broadcast_in_dim3A_338 = vector.broadcast %broadcast_in_dim3A_337 : i32 to vector<16xi32>
        %gather3A_339 = tpu.vector_load_idx %arg6[%broadcast_in_dim3A_338, %get3A_58] : memref<8x8192xf32, #tpu.memory_space<vmem>>[vector<16xi32>, vector<16xi32>], vector<16xf32>,
        %gather3A_340 = tpu.vector_load_idx %arg6[%broadcast_in_dim3A_338, %get3A_62] : memref<8x8192xf32, #tpu.memory_space<vmem>>[vector<16xi32>, vector<16xi32>], vector<16xf32>,
        %max3A_341 = arith.maximumf %gather3A_339, %gather3A_340 : vector<16xf32>
        %gather3A_342 = tpu.vector_load_idx %arg6[%broadcast_in_dim3A_338, %get3A_66] : memref<8x8192xf32, #tpu.memory_space<vmem>>[vector<16xi32>, vector<16xi32>], vector<16xf32>,
        %max3A_343 = arith.maximumf %max3A_341, %gather3A_342 : vector<16xf32>
        %gather3A_344 = tpu.vector_load_idx %arg6[%broadcast_in_dim3A_338, %get3A_70] : memref<8x8192xf32, #tpu.memory_space<vmem>>[vector<16xi32>, vector<16xi32>], vector<16xf32>,
        %max3A_345 = arith.maximumf %max3A_343, %gather3A_344 : vector<16xf32>
        %gather3A_346 = tpu.vector_load_idx %arg6[%broadcast_in_dim3A_338, %get3A_74] : memref<8x8192xf32, #tpu.memory_space<vmem>>[vector<16xi32>, vector<16xi32>], vector<16xf32>,
        %max3A_347 = arith.maximumf %max3A_345, %gather3A_346 : vector<16xf32>
        %gather3A_348 = tpu.vector_load_idx %arg6[%broadcast_in_dim3A_338, %get3A_78] : memref<8x8192xf32, #tpu.memory_space<vmem>>[vector<16xi32>, vector<16xi32>], vector<16xf32>,
        %max3A_349 = arith.maximumf %max3A_347, %gather3A_348 : vector<16xf32>
        %gather3A_350 = tpu.vector_load_idx %arg6[%broadcast_in_dim3A_338, %get3A_82] : memref<8x8192xf32, #tpu.memory_space<vmem>>[vector<16xi32>, vector<16xi32>], vector<16xf32>,
        %max3A_351 = arith.maximumf %max3A_349, %gather3A_350 : vector<16xf32>
        %gather3A_352 = tpu.vector_load_idx %arg6[%broadcast_in_dim3A_338, %get3A_86] : memref<8x8192xf32, #tpu.memory_space<vmem>>[vector<16xi32>, vector<16xi32>], vector<16xf32>,
        %max3A_353 = arith.maximumf %max3A_351, %gather3A_352 : vector<16xf32>
        %gather3A_354 = tpu.vector_load_idx %arg6[%broadcast_in_dim3A_338, %get3A_90] : memref<8x8192xf32, #tpu.memory_space<vmem>>[vector<16xi32>, vector<16xi32>], vector<16xf32>,
        %max3A_355 = arith.maximumf %max3A_353, %gather3A_354 : vector<16xf32>
        %gather3A_356 = tpu.vector_load_idx %arg6[%broadcast_in_dim3A_338, %get3A_94] : memref<8x8192xf32, #tpu.memory_space<vmem>>[vector<16xi32>, vector<16xi32>], vector<16xf32>,
        %max3A_357 = arith.maximumf %max3A_355, %gather3A_356 : vector<16xf32>
        %gather3A_358 = tpu.vector_load_idx %arg6[%broadcast_in_dim3A_338, %get3A_98] : memref<8x8192xf32, #tpu.memory_space<vmem>>[vector<16xi32>, vector<16xi32>], vector<16xf32>,
        %max3A_359 = arith.maximumf %max3A_357, %gather3A_358 : vector<16xf32>
        %gather3A_360 = tpu.vector_load_idx %arg6[%broadcast_in_dim3A_338, %get3A_102] : memref<8x8192xf32, #tpu.memory_space<vmem>>[vector<16xi32>, vector<16xi32>], vector<16xf32>,
        %max3A_361 = arith.maximumf %max3A_359, %gather3A_360 : vector<16xf32>
        %gather3A_362 = tpu.vector_load_idx %arg6[%broadcast_in_dim3A_338, %get3A_106] : memref<8x8192xf32, #tpu.memory_space<vmem>>[vector<16xi32>, vector<16xi32>], vector<16xf32>,
        %max3A_363 = arith.maximumf %max3A_361, %gather3A_362 : vector<16xf32>
        %gather3A_364 = tpu.vector_load_idx %arg6[%broadcast_in_dim3A_338, %get3A_110] : memref<8x8192xf32, #tpu.memory_space<vmem>>[vector<16xi32>, vector<16xi32>], vector<16xf32>,
        %max3A_365 = arith.maximumf %max3A_363, %gather3A_364 : vector<16xf32>
        %gather3A_366 = tpu.vector_load_idx %arg6[%broadcast_in_dim3A_338, %get3A_114] : memref<8x8192xf32, #tpu.memory_space<vmem>>[vector<16xi32>, vector<16xi32>], vector<16xf32>,
        %max3A_367 = arith.maximumf %max3A_365, %gather3A_366 : vector<16xf32>
        %gather3A_368 = tpu.vector_load_idx %arg6[%broadcast_in_dim3A_338, %get3A_118] : memref<8x8192xf32, #tpu.memory_space<vmem>>[vector<16xi32>, vector<16xi32>], vector<16xf32>,
        %max3A_369 = arith.maximumf %max3A_367, %gather3A_368 : vector<16xf32>
        %swap3A_370 = arith.constant 6 : i32
        %swap3A_371 = arith.index_cast %swap3A_370 : i32 to index
        %swap3A_372 = arith.index_cast %mul3A_55 : i32 to index
        %swap3A_373 = tpu.vector_load %arg7[%swap3A_371, %swap3A_372] {strides = array<i32>} : memref<8x512xf32, #tpu.memory_space<vmem>>, vector<16xf32>,
        tpu.vector_store %arg7[%swap3A_371, %swap3A_372], %max3A_369 {strides = array<i32>} : memref<8x512xf32, #tpu.memory_space<vmem>>, vector<16xf32>,
        %broadcast_in_dim3A_374 = arith.constant 7 : i32
        %broadcast_in_dim3A_375 = vector.broadcast %broadcast_in_dim3A_374 : i32 to vector<16xi32>
        %gather3A_376 = tpu.vector_load_idx %arg6[%broadcast_in_dim3A_375, %get3A_58] : memref<8x8192xf32, #tpu.memory_space<vmem>>[vector<16xi32>, vector<16xi32>], vector<16xf32>,
        %gather3A_377 = tpu.vector_load_idx %arg6[%broadcast_in_dim3A_375, %get3A_62] : memref<8x8192xf32, #tpu.memory_space<vmem>>[vector<16xi32>, vector<16xi32>], vector<16xf32>,
        %max3A_378 = arith.maximumf %gather3A_376, %gather3A_377 : vector<16xf32>
        %gather3A_379 = tpu.vector_load_idx %arg6[%broadcast_in_dim3A_375, %get3A_66] : memref<8x8192xf32, #tpu.memory_space<vmem>>[vector<16xi32>, vector<16xi32>], vector<16xf32>,
        %max3A_380 = arith.maximumf %max3A_378, %gather3A_379 : vector<16xf32>
        %gather3A_381 = tpu.vector_load_idx %arg6[%broadcast_in_dim3A_375, %get3A_70] : memref<8x8192xf32, #tpu.memory_space<vmem>>[vector<16xi32>, vector<16xi32>], vector<16xf32>,
        %max3A_382 = arith.maximumf %max3A_380, %gather3A_381 : vector<16xf32>
        %gather3A_383 = tpu.vector_load_idx %arg6[%broadcast_in_dim3A_375, %get3A_74] : memref<8x8192xf32, #tpu.memory_space<vmem>>[vector<16xi32>, vector<16xi32>], vector<16xf32>,
        %max3A_384 = arith.maximumf %max3A_382, %gather3A_383 : vector<16xf32>
        %gather3A_385 = tpu.vector_load_idx %arg6[%broadcast_in_dim3A_375, %get3A_78] : memref<8x8192xf32, #tpu.memory_space<vmem>>[vector<16xi32>, vector<16xi32>], vector<16xf32>,
        %max3A_386 = arith.maximumf %max3A_384, %gather3A_385 : vector<16xf32>
        %gather3A_387 = tpu.vector_load_idx %arg6[%broadcast_in_dim3A_375, %get3A_82] : memref<8x8192xf32, #tpu.memory_space<vmem>>[vector<16xi32>, vector<16xi32>], vector<16xf32>,
        %max3A_388 = arith.maximumf %max3A_386, %gather3A_387 : vector<16xf32>
        %gather3A_389 = tpu.vector_load_idx %arg6[%broadcast_in_dim3A_375, %get3A_86] : memref<8x8192xf32, #tpu.memory_space<vmem>>[vector<16xi32>, vector<16xi32>], vector<16xf32>,
        %max3A_390 = arith.maximumf %max3A_388, %gather3A_389 : vector<16xf32>
        %gather3A_391 = tpu.vector_load_idx %arg6[%broadcast_in_dim3A_375, %get3A_90] : memref<8x8192xf32, #tpu.memory_space<vmem>>[vector<16xi32>, vector<16xi32>], vector<16xf32>,
        %max3A_392 = arith.maximumf %max3A_390, %gather3A_391 : vector<16xf32>
        %gather3A_393 = tpu.vector_load_idx %arg6[%broadcast_in_dim3A_375, %get3A_94] : memref<8x8192xf32, #tpu.memory_space<vmem>>[vector<16xi32>, vector<16xi32>], vector<16xf32>,
        %max3A_394 = arith.maximumf %max3A_392, %gather3A_393 : vector<16xf32>
        %gather3A_395 = tpu.vector_load_idx %arg6[%broadcast_in_dim3A_375, %get3A_98] : memref<8x8192xf32, #tpu.memory_space<vmem>>[vector<16xi32>, vector<16xi32>], vector<16xf32>,
        %max3A_396 = arith.maximumf %max3A_394, %gather3A_395 : vector<16xf32>
        %gather3A_397 = tpu.vector_load_idx %arg6[%broadcast_in_dim3A_375, %get3A_102] : memref<8x8192xf32, #tpu.memory_space<vmem>>[vector<16xi32>, vector<16xi32>], vector<16xf32>,
        %max3A_398 = arith.maximumf %max3A_396, %gather3A_397 : vector<16xf32>
        %gather3A_399 = tpu.vector_load_idx %arg6[%broadcast_in_dim3A_375, %get3A_106] : memref<8x8192xf32, #tpu.memory_space<vmem>>[vector<16xi32>, vector<16xi32>], vector<16xf32>,
        %max3A_400 = arith.maximumf %max3A_398, %gather3A_399 : vector<16xf32>
        %gather3A_401 = tpu.vector_load_idx %arg6[%broadcast_in_dim3A_375, %get3A_110] : memref<8x8192xf32, #tpu.memory_space<vmem>>[vector<16xi32>, vector<16xi32>], vector<16xf32>,
        %max3A_402 = arith.maximumf %max3A_400, %gather3A_401 : vector<16xf32>
        %gather3A_403 = tpu.vector_load_idx %arg6[%broadcast_in_dim3A_375, %get3A_114] : memref<8x8192xf32, #tpu.memory_space<vmem>>[vector<16xi32>, vector<16xi32>], vector<16xf32>,
        %max3A_404 = arith.maximumf %max3A_402, %gather3A_403 : vector<16xf32>
        %gather3A_405 = tpu.vector_load_idx %arg6[%broadcast_in_dim3A_375, %get3A_118] : memref<8x8192xf32, #tpu.memory_space<vmem>>[vector<16xi32>, vector<16xi32>], vector<16xf32>,
        %max3A_406 = arith.maximumf %max3A_404, %gather3A_405 : vector<16xf32>
        %swap3A_407 = arith.constant 7 : i32
        %swap3A_408 = arith.index_cast %swap3A_407 : i32 to index
        %swap3A_409 = arith.index_cast %mul3A_55 : i32 to index
        %swap3A_410 = tpu.vector_load %arg7[%swap3A_408, %swap3A_409] {strides = array<i32>} : memref<8x512xf32, #tpu.memory_space<vmem>>, vector<16xf32>,
        tpu.vector_store %arg7[%swap3A_408, %swap3A_409], %max3A_406 {strides = array<i32>} : memref<8x512xf32, #tpu.memory_space<vmem>>, vector<16xf32>,
        %scan3A_411 = arith.constant 0 : i32
        scf.yield %scan3A_411 : i32
      }
      %scan3A_50 = arith.constant 32 : i32
      "tpu.region"() ({
        %run_scoped3A = tpu.sem_alloc : memref<!tpu.dma_semaphore, #tpu.memory_space<semaphore_mem>>
        %dma_start3A = arith.constant 0 : i32
        %dma_start3A_52 = tpu.memref_slice %arg4[%select_n3A, %add3A_43, %dma_start3A] : memref<8x256x512xf32, #tpu.memory_space<hbm>> -> memref<1x8x512xf32, #tpu.memory_space<hbm>>
        %dma_start3A_53 = tpu.memref_squeeze %dma_start3A_52 : memref<1x8x512xf32, #tpu.memory_space<hbm>> -> memref<8x512xf32, #tpu.memory_space<hbm>>
        %dma_start3A_54 = arith.constant 0 : i32
        %dma_start3A_55 = tpu.memref_slice %arg4[%select_n3A, %add3A_43, %dma_start3A_54] : memref<8x256x512xf32, #tpu.memory_space<hbm>> -> memref<1x8x512xf32, #tpu.memory_space<hbm>>
        %dma_start3A_56 = tpu.memref_squeeze %dma_start3A_55 : memref<1x8x512xf32, #tpu.memory_space<hbm>> -> memref<8x512xf32, #tpu.memory_space<hbm>>
        tpu.enqueue_dma source(%arg7 : memref<8x512xf32, #tpu.memory_space<vmem>>) target(%dma_start3A_56 : memref<8x512xf32, #tpu.memory_space<hbm>>) target_semaphore(%run_scoped3A : memref<!tpu.dma_semaphore, #tpu.memory_space<semaphore_mem>>)
        %dma_wait3A = arith.constant 0 : i32
        %dma_wait3A_57 = tpu.memref_slice %arg4[%select_n3A, %add3A_43, %dma_wait3A] : memref<8x256x512xf32, #tpu.memory_space<hbm>> -> memref<1x8x512xf32, #tpu.memory_space<hbm>>
        %dma_wait3A_58 = tpu.memref_squeeze %dma_wait3A_57 : memref<1x8x512xf32, #tpu.memory_space<hbm>> -> memref<8x512xf32, #tpu.memory_space<hbm>>
        %dma_wait3A_59 = arith.constant 0 : i32
        %dma_wait3A_60 = tpu.memref_slice %arg4[%select_n3A, %add3A_43, %dma_wait3A_59] : memref<8x256x512xf32, #tpu.memory_space<hbm>> -> memref<1x8x512xf32, #tpu.memory_space<hbm>>
        %dma_wait3A_61 = tpu.memref_squeeze %dma_wait3A_60 : memref<1x8x512xf32, #tpu.memory_space<hbm>> -> memref<8x512xf32, #tpu.memory_space<hbm>>
        tpu.wait_dma2 semaphore(%run_scoped3A : memref<!tpu.dma_semaphore, #tpu.memory_space<semaphore_mem>>) src(%arg7 : memref<8x512xf32, #tpu.memory_space<vmem>>) dst(%dma_wait3A_61 : memref<8x512xf32, #tpu.memory_space<hbm>>)
        tpu.yield
      }) : () -> ()
      %scan3A_51 = arith.constant 0 : i32
      scf.yield %scan3A_51 : i32
    }
    %scan3A_38 = arith.constant 8 : i32
    return
  }
}

module attributes {stable_mosaic.version = 14 : i64} {
  func.func @_fps_body(%arg0: memref<8x8192xf32, #tpu.memory_space<vmem>>, %arg1: memref<8x8192xf32, #tpu.memory_space<vmem>>, %arg2: memref<8x8192xf32, #tpu.memory_space<vmem>>, %arg3: memref<8x512xf32, #tpu.memory_space<vmem>>, %arg4: memref<8x512xf32, #tpu.memory_space<vmem>>, %arg5: memref<8x512xf32, #tpu.memory_space<vmem>>) attributes {dimension_semantics = [], scalar_prefetch = 0 : i64, scratch_operands = 0 : i64, tpu.core_type = #tpu.core_type<tc>} {
    %get3A = arith.constant 0 : index
    %get3A_0 = arith.constant 0 : index
    %get3A_1 = vector.load %arg0[%get3A, %get3A_0] : memref<8x8192xf32, #tpu.memory_space<vmem>>, vector<8x8192xf32>
    %get3A_2 = arith.constant 0 : index
    %get3A_3 = arith.constant 0 : index
    %get3A_4 = vector.load %arg1[%get3A_2, %get3A_3] : memref<8x8192xf32, #tpu.memory_space<vmem>>, vector<8x8192xf32>
    %get3A_5 = arith.constant 0 : index
    %get3A_6 = arith.constant 0 : index
    %get3A_7 = vector.load %arg2[%get3A_5, %get3A_6] : memref<8x8192xf32, #tpu.memory_space<vmem>>, vector<8x8192xf32>
    %slice3A = vector.extract_strided_slice %get3A_1 {offsets = [0, 0], sizes = [8, 1], strides = [1, 1]} : vector<8x8192xf32> to vector<8x1xf32>
    %sub3A = vector.broadcast %slice3A : vector<8x1xf32> to vector<8x8192xf32>
    %sub3A_8 = arith.subf %get3A_1, %sub3A : vector<8x8192xf32>
    %slice3A_9 = vector.extract_strided_slice %get3A_4 {offsets = [0, 0], sizes = [8, 1], strides = [1, 1]} : vector<8x8192xf32> to vector<8x1xf32>
    %sub3A_10 = vector.broadcast %slice3A_9 : vector<8x1xf32> to vector<8x8192xf32>
    %sub3A_11 = arith.subf %get3A_4, %sub3A_10 : vector<8x8192xf32>
    %slice3A_12 = vector.extract_strided_slice %get3A_7 {offsets = [0, 0], sizes = [8, 1], strides = [1, 1]} : vector<8x8192xf32> to vector<8x1xf32>
    %sub3A_13 = vector.broadcast %slice3A_12 : vector<8x1xf32> to vector<8x8192xf32>
    %sub3A_14 = arith.subf %get3A_7, %sub3A_13 : vector<8x8192xf32>
    %mul3A = arith.mulf %sub3A_8, %sub3A_8 : vector<8x8192xf32>
    %mul3A_15 = arith.mulf %sub3A_11, %sub3A_11 : vector<8x8192xf32>
    %add3A = arith.addf %mul3A, %mul3A_15 : vector<8x8192xf32>
    %mul3A_16 = arith.mulf %sub3A_14, %sub3A_14 : vector<8x8192xf32>
    %add3A_17 = arith.addf %add3A, %mul3A_16 : vector<8x8192xf32>
    %iota3A = tpu.iota {dimensions = array<i32: 1>} : vector<8x8192xi32>
    %iota3A_18 = tpu.iota {dimensions = array<i32: 1>} : vector<8x512xi32>
    %eq3A = arith.constant 0 : i32
    %eq3A_19 = vector.broadcast %eq3A : i32 to vector<8x512xi32>
    %eq3A_20 = arith.cmpi eq, %iota3A_18, %eq3A_19 : vector<8x512xi32>
    %slice3A_21 = vector.extract_strided_slice %get3A_1 {offsets = [0, 0], sizes = [8, 1], strides = [1, 1]} : vector<8x8192xf32> to vector<8x1xf32>
    %jit3A = arith.constant 0.000000e+00 : f32
    %broadcast_in_dim3A = vector.shape_cast %slice3A_21 : vector<8x1xf32> to vector<8x1xf32>
    %broadcast_in_dim3A_22 = vector.broadcast %broadcast_in_dim3A : vector<8x1xf32> to vector<8x512xf32>
    %broadcast_in_dim3A_23 = vector.broadcast %jit3A : f32 to vector<8x512xf32>
    %select_n3A = arith.select %eq3A_20, %broadcast_in_dim3A_22, %broadcast_in_dim3A_23 : vector<8x512xi1>, vector<8x512xf32>
    %eq3A_24 = arith.constant 0 : i32
    %eq3A_25 = vector.broadcast %eq3A_24 : i32 to vector<8x512xi32>
    %eq3A_26 = arith.cmpi eq, %iota3A_18, %eq3A_25 : vector<8x512xi32>
    %slice3A_27 = vector.extract_strided_slice %get3A_4 {offsets = [0, 0], sizes = [8, 1], strides = [1, 1]} : vector<8x8192xf32> to vector<8x1xf32>
    %jit3A_28 = arith.constant 0.000000e+00 : f32
    %broadcast_in_dim3A_29 = vector.shape_cast %slice3A_27 : vector<8x1xf32> to vector<8x1xf32>
    %broadcast_in_dim3A_30 = vector.broadcast %broadcast_in_dim3A_29 : vector<8x1xf32> to vector<8x512xf32>
    %broadcast_in_dim3A_31 = vector.broadcast %jit3A_28 : f32 to vector<8x512xf32>
    %select_n3A_32 = arith.select %eq3A_26, %broadcast_in_dim3A_30, %broadcast_in_dim3A_31 : vector<8x512xi1>, vector<8x512xf32>
    %eq3A_33 = arith.constant 0 : i32
    %eq3A_34 = vector.broadcast %eq3A_33 : i32 to vector<8x512xi32>
    %eq3A_35 = arith.cmpi eq, %iota3A_18, %eq3A_34 : vector<8x512xi32>
    %slice3A_36 = vector.extract_strided_slice %get3A_7 {offsets = [0, 0], sizes = [8, 1], strides = [1, 1]} : vector<8x8192xf32> to vector<8x1xf32>
    %jit3A_37 = arith.constant 0.000000e+00 : f32
    %broadcast_in_dim3A_38 = vector.shape_cast %slice3A_36 : vector<8x1xf32> to vector<8x1xf32>
    %broadcast_in_dim3A_39 = vector.broadcast %broadcast_in_dim3A_38 : vector<8x1xf32> to vector<8x512xf32>
    %broadcast_in_dim3A_40 = vector.broadcast %jit3A_37 : f32 to vector<8x512xf32>
    %select_n3A_41 = arith.select %eq3A_35, %broadcast_in_dim3A_39, %broadcast_in_dim3A_40 : vector<8x512xi1>, vector<8x512xf32>
    %scan3A = arith.constant 1 : i32
    %scan3A_42 = arith.constant 511 : i32
    %scan3A_43 = arith.addi %scan3A, %scan3A_42 : i32
    %scan3A_44 = arith.constant 1 : i32
    %scan3A_45:4 = scf.for %scan3A_55 = %scan3A to %scan3A_43 step %scan3A_44 iter_args(%scan3A_56 = %add3A_17, %scan3A_57 = %select_n3A, %scan3A_58 = %select_n3A_32, %scan3A_59 = %select_n3A_41) -> (vector<8x8192xf32>, vector<8x512xf32>, vector<8x512xf32>, vector<8x512xf32>)  : i32 {
      %reduce_max3A = arith.constant dense<0xFF800000> : vector<8xf32>
      %reduce_max3A_60 = vector.multi_reduction <maximumf>, %scan3A_56, %reduce_max3A [1] : vector<8x8192xf32> to vector<8xf32>
      %broadcast_in_dim3A_61 = vector.shape_cast %reduce_max3A_60 : vector<8xf32> to vector<8x1xf32>
      %eq3A_62 = vector.broadcast %broadcast_in_dim3A_61 : vector<8x1xf32> to vector<8x8192xf32>
      %eq3A_63 = arith.cmpf oeq, %scan3A_56, %eq3A_62 : vector<8x8192xf32>
      %jit3A_64 = arith.constant 8192 : i32
      %broadcast_in_dim3A_65 = vector.broadcast %jit3A_64 : i32 to vector<8x8192xi32>
      %select_n3A_66 = arith.select %eq3A_63, %iota3A, %broadcast_in_dim3A_65 : vector<8x8192xi1>, vector<8x8192xi32>
      %reduce_min3A = arith.constant dense<2147483647> : vector<8xi32>
      %reduce_min3A_67 = vector.multi_reduction <minsi>, %select_n3A_66, %reduce_min3A [1] : vector<8x8192xi32> to vector<8xi32>
      %broadcast_in_dim3A_68 = vector.shape_cast %reduce_min3A_67 : vector<8xi32> to vector<8x1xi32>
      %eq3A_69 = vector.broadcast %broadcast_in_dim3A_68 : vector<8x1xi32> to vector<8x8192xi32>
      %eq3A_70 = arith.cmpi eq, %iota3A, %eq3A_69 : vector<8x8192xi32>
      %jit3A_71 = arith.constant 0.000000e+00 : f32
      %broadcast_in_dim3A_72 = vector.broadcast %jit3A_71 : f32 to vector<8x8192xf32>
      %select_n3A_73 = arith.select %eq3A_70, %get3A_1, %broadcast_in_dim3A_72 : vector<8x8192xi1>, vector<8x8192xf32>
      %reduce_sum3A = arith.constant dense<0.000000e+00> : vector<8xf32>
      %reduce_sum3A_74 = vector.multi_reduction <add>, %select_n3A_73, %reduce_sum3A [1] : vector<8x8192xf32> to vector<8xf32>
      %broadcast_in_dim3A_75 = vector.shape_cast %reduce_sum3A_74 : vector<8xf32> to vector<8x1xf32>
      %jit3A_76 = arith.constant 0.000000e+00 : f32
      %broadcast_in_dim3A_77 = vector.broadcast %jit3A_76 : f32 to vector<8x8192xf32>
      %select_n3A_78 = arith.select %eq3A_70, %get3A_4, %broadcast_in_dim3A_77 : vector<8x8192xi1>, vector<8x8192xf32>
      %reduce_sum3A_79 = arith.constant dense<0.000000e+00> : vector<8xf32>
      %reduce_sum3A_80 = vector.multi_reduction <add>, %select_n3A_78, %reduce_sum3A_79 [1] : vector<8x8192xf32> to vector<8xf32>
      %broadcast_in_dim3A_81 = vector.shape_cast %reduce_sum3A_80 : vector<8xf32> to vector<8x1xf32>
      %jit3A_82 = arith.constant 0.000000e+00 : f32
      %broadcast_in_dim3A_83 = vector.broadcast %jit3A_82 : f32 to vector<8x8192xf32>
      %select_n3A_84 = arith.select %eq3A_70, %get3A_7, %broadcast_in_dim3A_83 : vector<8x8192xi1>, vector<8x8192xf32>
      %reduce_sum3A_85 = arith.constant dense<0.000000e+00> : vector<8xf32>
      %reduce_sum3A_86 = vector.multi_reduction <add>, %select_n3A_84, %reduce_sum3A_85 [1] : vector<8x8192xf32> to vector<8xf32>
      %broadcast_in_dim3A_87 = vector.shape_cast %reduce_sum3A_86 : vector<8xf32> to vector<8x1xf32>
      %sub3A_88 = vector.broadcast %broadcast_in_dim3A_75 : vector<8x1xf32> to vector<8x8192xf32>
      %sub3A_89 = arith.subf %get3A_1, %sub3A_88 : vector<8x8192xf32>
      %sub3A_90 = vector.broadcast %broadcast_in_dim3A_81 : vector<8x1xf32> to vector<8x8192xf32>
      %sub3A_91 = arith.subf %get3A_4, %sub3A_90 : vector<8x8192xf32>
      %sub3A_92 = vector.broadcast %broadcast_in_dim3A_87 : vector<8x1xf32> to vector<8x8192xf32>
      %sub3A_93 = arith.subf %get3A_7, %sub3A_92 : vector<8x8192xf32>
      %mul3A_94 = arith.mulf %sub3A_89, %sub3A_89 : vector<8x8192xf32>
      %mul3A_95 = arith.mulf %sub3A_91, %sub3A_91 : vector<8x8192xf32>
      %add3A_96 = arith.addf %mul3A_94, %mul3A_95 : vector<8x8192xf32>
      %mul3A_97 = arith.mulf %sub3A_93, %sub3A_93 : vector<8x8192xf32>
      %add3A_98 = arith.addf %add3A_96, %mul3A_97 : vector<8x8192xf32>
      %min3A = arith.minimumf %scan3A_56, %add3A_98 : vector<8x8192xf32>
      %eq3A_99 = vector.broadcast %scan3A_55 : i32 to vector<8x512xi32>
      %eq3A_100 = arith.cmpi eq, %iota3A_18, %eq3A_99 : vector<8x512xi32>
      %broadcast_in_dim3A_101 = vector.shape_cast %broadcast_in_dim3A_75 : vector<8x1xf32> to vector<8x1xf32>
      %broadcast_in_dim3A_102 = vector.broadcast %broadcast_in_dim3A_101 : vector<8x1xf32> to vector<8x512xf32>
      %select_n3A_103 = arith.select %eq3A_100, %broadcast_in_dim3A_102, %scan3A_57 : vector<8x512xi1>, vector<8x512xf32>
      %broadcast_in_dim3A_104 = vector.shape_cast %broadcast_in_dim3A_81 : vector<8x1xf32> to vector<8x1xf32>
      %broadcast_in_dim3A_105 = vector.broadcast %broadcast_in_dim3A_104 : vector<8x1xf32> to vector<8x512xf32>
      %select_n3A_106 = arith.select %eq3A_100, %broadcast_in_dim3A_105, %scan3A_58 : vector<8x512xi1>, vector<8x512xf32>
      %broadcast_in_dim3A_107 = vector.shape_cast %broadcast_in_dim3A_87 : vector<8x1xf32> to vector<8x1xf32>
      %broadcast_in_dim3A_108 = vector.broadcast %broadcast_in_dim3A_107 : vector<8x1xf32> to vector<8x512xf32>
      %select_n3A_109 = arith.select %eq3A_100, %broadcast_in_dim3A_108, %scan3A_59 : vector<8x512xi1>, vector<8x512xf32>
      scf.yield %min3A, %select_n3A_103, %select_n3A_106, %select_n3A_109 : vector<8x8192xf32>, vector<8x512xf32>, vector<8x512xf32>, vector<8x512xf32>
    }
    %scan3A_46 = arith.constant 511 : i32
    %swap3A = arith.constant 0 : index
    %swap3A_47 = arith.constant 0 : index
    %swap3A_48 = vector.load %arg3[%swap3A, %swap3A_47] : memref<8x512xf32, #tpu.memory_space<vmem>>, vector<8x512xf32>
    tpu.vector_store %arg3[%swap3A, %swap3A_47], %scan3A_45#1 {strides = array<i32>} : memref<8x512xf32, #tpu.memory_space<vmem>>, vector<8x512xf32>,
    %swap3A_49 = arith.constant 0 : index
    %swap3A_50 = arith.constant 0 : index
    %swap3A_51 = vector.load %arg4[%swap3A_49, %swap3A_50] : memref<8x512xf32, #tpu.memory_space<vmem>>, vector<8x512xf32>
    tpu.vector_store %arg4[%swap3A_49, %swap3A_50], %scan3A_45#2 {strides = array<i32>} : memref<8x512xf32, #tpu.memory_space<vmem>>, vector<8x512xf32>,
    %swap3A_52 = arith.constant 0 : index
    %swap3A_53 = arith.constant 0 : index
    %swap3A_54 = vector.load %arg5[%swap3A_52, %swap3A_53] : memref<8x512xf32, #tpu.memory_space<vmem>>, vector<8x512xf32>
    tpu.vector_store %arg5[%swap3A_52, %swap3A_53], %scan3A_45#3 {strides = array<i32>} : memref<8x512xf32, #tpu.memory_space<vmem>>, vector<8x512xf32>,
    return
  }
}

</mosaic_0001>

<sc_bundles>
// kernel: kernel.5.cloned.1.call-start
scs
__scs_entry_jumppad:
0x0: {  	(pc) =	sbr.rel $0x88, $3  }
0x1: {  	(tag) =	ssettag $0x0;
	lr =	simm.s32 $0x1  }
0x2: {  	[smem:$0x3F9F] =	sst lr;
	_ =	strace $0xD0000000  }
0x3: {  	_ = 	snop  }
0x4: {  	_ = 	snop  }
0x5: {  	_ = 	snop  }
0x6: {  	_ = 	snop  }
0x7: {  	_ = 	snop  }
__scs_overlays_trampoline_lowered:
0x8: {  	[smem:$0x3FAE] =	sst s0  }
0x9: {  	[smem:$0x3FAF] =	sst s1  }
0xa: {  	[smem:$0x3FB0] =	sst s2  }
0xb: {  	[smem:$0x3FB1] =	sst s3  }
0xc: {  	[smem:$0x3FB2] =	sst s4  }
0xd: {  	[smem:$0x3FB3] =	sst s5  }
0xe: {  	[smem:$0x3FB4] =	sst s6  }
0xf: {  	[smem:$0x3FB5] =	sst s7  }
0x10: {  	[smem:$0x3FB6] =	sst s8  }
0x11: {  	[smem:$0x3FB7] =	sst s9;
	s0 =	simm.s32 @!p0 $0x0  }
0x12: {  	s1 =	sld [smem:$0x3F9D];
	s0 =	simm.s32 @p0 $0x1  }
0x13: {  	[smem:$0x3FB8] =	sst s0;
	s0 =	simm.s32 @!p1 $0x0  }
0x14: {  	s2 =	sld [smem:$0x3F9C];
	s0 =	simm.s32 @p1 $0x1  }
0x15: {  	[smem:$0x3FB9] =	sst s0;
	s0 =	simm.s32 @!p2 $0x0  }
0x16: {  	s3 =	sld [smem:$0x3FDB];
	s0 =	simm.s32 @p2 $0x1  }
0x17: {  	s4 =	simm.s32 $0x1BF5;
	[smem:$0x3FBB] =	sst s0  }
0x18: {  	s0 =	sld [smem:$0x3F9E];
	_ =	swait.ge [sflag:s4], $0x0  }
0x19: {  	s7 =	sld [smem:$0x3F9F]  }
0x1a: {  	s8 =	sadd.s32 $0xFFFFE003, lr  }
0x1b: {  	s9 =	sadd.s32 $0xFFFFFEF7, lr;
	s5 =	simm.s32 $0xFFFFFFFF;
	p2 =	slt.u32 s8, $0xFFFFF086  }
0x1c: {  	p1 =	slt.u32 s9, $0xF7A;
	s5 =	simm.s32 @!p2 $0x0  }
0x1d: {  	s5 =	simm.s32 @p1 $0x1;
	p0 =	seq.s32 s7, s2  }
0x1e: {  	s7 =	smul.u32 @!p0 $0xF7A, s2;
	p2 =	seq.s32 @!p0 s5, $0x0  }
0x1f: {  	s9 =	smul.u32 $0xF7A, s1;
	s8 =	simm.s32 @!p0 $0x1BF5;
	p2 =	por !p2, p0  }
0x20: {  	[sflag:s8] =	ssyncset.s32 @!p0 $0xFFFFF086;
	s6 =	sadd.s32 @!p0 s3, s7;
	s7 =	simm.s32 @!p0 $0x108  }
0x21: {  	s3 =	sadd.s32 s3, s9;
	s6 =	sadd.s32 @!p0 $0x88, s6;
	s7 =	simm.s32 @p2 $0x1082  }
0x22: {  	[simem:s7], [sflag:s8] =	dma.local @!p0 [hbm:s6], $0xF7A  }
0x23: {  	s9 =	sor.u32 $0xD0000000, s2;
	s6 =	simm.s32 $0x108;
	_ =	swait.ge @!p0 [sflag:s8], $0x0  }
0x24: {  	s3 =	sadd.s32 $0x88, s3;
	s6 =	simm.s32 @!p1 $0x1082;
	[sflag:s4] =	ssyncset.s32 $0xFFFFF086  }
0x25: {  	[simem:s6], [sflag:s4] =	dma.local [hbm:s3], $0xF7A  }
0x26: {  	[smem:$0x3F9F] =	sst s1;
	(tag) =	ssettag s2;
	_ =	strace s9  }
0x27: {  	s1 =	sld [smem:$0x3FAF]  }
0x28: {  	s2 =	sld [smem:$0x3FB0]  }
0x29: {  	s4 =	sld [smem:$0x3FB2]  }
0x2a: {  	p0 =	seq.s32 s5, $0x0;
	s5 =	sld [smem:$0x3FB3]  }
0x2b: {  	s6 =	sld [smem:$0x3FB4]  }
0x2c: {  	s7 =	sld [smem:$0x3FB5]  }
0x2d: {  	s3 =	simm.s32 $0x108;
	s8 =	sld [smem:$0x3FB6]  }
0x2e: {  	s3 =	simm.s32 @!p0 $0x1082;
	s9 =	sld [smem:$0x3FB7]  }
0x2f: {  	lr =	sadd.s32 s0, s3;
	s0 =	sld [smem:$0x3FAE]  }
0x30: {  	s3 =	sld [smem:$0x3FB1]  }
0x31: {  	[smem:$0x3FBA] =	sst s10  }
0x32: {  	s10 =	sld [smem:$0x3FB8];
	_ =	sdelay $0x3  }
0x33: {  	p0 =	seq.s32 s10, $0x1;
	s10 =	sld [smem:$0x3FBA];
	_ =	sdelay $0x3  }
0x34: {  	[smem:$0x3FBA] =	sst s10  }
0x35: {  	s10 =	sld [smem:$0x3FB9];
	_ =	sdelay $0x3  }
0x36: {  	p1 =	seq.s32 s10, $0x1;
	s10 =	sld [smem:$0x3FBA];
	_ =	sdelay $0x3  }
0x37: {  	[smem:$0x3FBA] =	sst s10  }
0x38: {  	s10 =	sld [smem:$0x3FBB]  }
0x39: {  	_ = 	snop;
	(pc) =	sbr.ind lr, $3  }
0x3a: {  	_ = 	snop  }
0x3b: {  	_ = 	snop  }
0x3c: {  	p2 =	seq.s32 s10, $0x1;
	s10 =	sld [smem:$0x3FBA]  }
0x3d: {  	_ =	shalt  }
0x3e: {  	_ =	shalt  }
0x3f: {  	_ =	shalt  }
0x40: {  	_ =	shalt  }
0x41: {  	_ =	shalt  }
0x42: {  	_ =	shalt  }
0x43: {  	_ =	shalt  }
0x44: {  	_ =	shalt  }
0x45: {  	_ =	shalt  }
0x46: {  	_ =	shalt  }
0x47: {  	_ =	shalt  }
0x48: {  	_ =	shalt  }
0x49: {  	_ =	shalt  }
0x4a: {  	_ =	shalt  }
0x4b: {  	_ =	shalt  }
0x4c: {  	_ =	shalt  }
0x4d: {  	_ =	shalt  }
0x4e: {  	_ =	shalt  }
0x4f: {  	_ =	shalt  }
0x50: {  	_ =	shalt  }
0x51: {  	_ =	shalt  }
0x52: {  	_ =	shalt  }
0x53: {  	_ =	shalt  }
0x54: {  	_ =	shalt  }
0x55: {  	_ =	shalt  }
0x56: {  	_ =	shalt  }
0x57: {  	_ =	shalt  }
0x58: {  	_ =	shalt  }
0x59: {  	_ =	shalt  }
0x5a: {  	_ =	shalt  }
0x5b: {  	_ =	shalt  }
0x5c: {  	_ =	shalt  }
0x5d: {  	_ =	shalt  }
0x5e: {  	_ =	shalt  }
0x5f: {  	_ =	shalt  }
0x60: {  	_ =	shalt  }
0x61: {  	_ =	shalt  }
0x62: {  	_ =	shalt  }
0x63: {  	_ =	shalt  }
0x64: {  	_ =	shalt  }
0x65: {  	_ =	shalt  }
0x66: {  	_ =	shalt  }
0x67: {  	_ =	shalt  }
0x68: {  	_ =	shalt  }
0x69: {  	_ =	shalt  }
0x6a: {  	_ =	shalt  }
0x6b: {  	_ =	shalt  }
0x6c: {  	_ =	shalt  }
0x6d: {  	_ =	shalt  }
0x6e: {  	_ =	shalt  }
0x6f: {  	_ =	shalt  }
0x70: {  	_ =	shalt  }
0x71: {  	_ =	shalt  }
0x72: {  	_ =	shalt  }
0x73: {  	_ =	shalt  }
0x74: {  	_ =	shalt  }
0x75: {  	_ =	shalt  }
0x76: {  	_ =	shalt  }
0x77: {  	_ =	shalt  }
0x78: {  	_ =	shalt  }
0x79: {  	_ =	shalt  }
0x7a: {  	_ =	shalt  }
0x7b: {  	_ =	shalt  }
0x7c: {  	_ =	shalt  }
0x7d: {  	_ =	shalt  }
0x7e: {  	_ =	shalt  }
0x7f: {  	_ =	shalt  }
0x80: {  	_ =	shalt  }
0x81: {  	_ =	shalt  }
0x82: {  	_ =	shalt  }
0x83: {  	_ =	shalt  }
0x84: {  	_ =	shalt  }
0x85: {  	_ =	shalt  }
0x86: {  	_ =	shalt  }
0x87: {  	_ =	shalt  }
.Lfunc_end0:
.L_simem_size_0:
called_computation_lowered:
.L_overlay_start_0:
0x88: {  	s2 =	sld [smem:$0x3FD9]  }
0x89: {  	s3 =	sld [smem:$0x3FFE];
	_ =	sdelay $0x1  }
0x8a: {  	s1 =	srdreg.scid  }
0x8b: {  	s0 =	sand.u32 $0x1, s1  }
0x8c: {  	s17 =	sshll.u32 s0, $0xA;
	s2 =	sadd.s32 s3, s2  }
0x8d: {  	s2 =	sadd.s32 s2, s17  }
0x8e: {  	[smem:$0x3FC6] =	sst s2  }
0x8f: {  	_ = 	snop  }
0x90: {  	s2 =	sld [smem:$0x3FD0];
	(tm) =	ssettm $0x1  }
0x91: {  	s18 =	sld [smem:$0x3FFB];
	_ =	sdelay $0x3  }
0x92: {  	_ =	strace s18  }
0x93: {  	s3 =	sld [smem:$0x3FFC];
	_ =	sdelay $0x3  }
0x94: {  	_ =	strace s3  }
0x95: {  	s3 =	sld [smem:$0x3FFD];
	_ =	sdelay $0x3  }
0x96: {  	_ =	strace s3  }
0x97: {  	_ =	strace $0x8FFFFFFF  }
0x98: {  	s19 =	sld [smem:$0x3FDB];
	_ =	sdelay $0x1  }
0x99: {  	s4 =	simm.s32 $_scs_section_size  }
0x9a: {  	s5 =	simm.s32 $_size__tile_overlayer_lowered;
	s6 =	simm.s32 $_tile_overlayer_lowered  }
0x9b: {  	s22 =	simm.s32 $0x1BFF;
	s21 =	sshll.u32 s6, $0x1;
	s3 =	sadd.s32 s4, s19  }
0x9c: {  	s7 =	simm.s32 $0x0;
	s20 =	sshll.u32 s5, $0x1;
	s5 =	sadd.s32 s21, s3  }
0x9d: {  	[timem:s7], [sflag:s22] =	dma.local [hbm:s5], s20  }
0x9e: {  	_ =	swait.ge [sflag:s22], s20  }
0x9f: {  	s4 =	ssub.s32 $0x0, s20;
	[sflag:s22] =	ssyncset.done $0x0  }
0xa0: {  	[sflag:s22] =	ssyncadd.s32 s4;
	_ =	sdelay $0x1  }
0xa1: {  	s23 =	simm.s32 $0x1B8B  }
0xa2: {  	_ =	swait.ge [sflag:s23], $0x1  }
0xa3: {  	[sflag:s23] =	ssyncset.done $0x0  }
0xa4: {  	s25 =	simm.s32 $0x1B8E;
	s24 =	sld [smem:$0x3FFE];
	[sflag:s23] =	ssyncadd.s32 $0xFFFFFFFF  }
0xa5: {  	s26 =	simm.s32 $execute0_lowered;
	[smem:$0x3FD2] =	sst s25  }
0xa6: {  	s5 =	sshll.u32 s26, $0x1;
	_ =	strace $0x80000046;
	[dreg:$0x1] =	wrdreg $0xFFFFFFFF  }
0xa7: {  	s28 =	simm.s32 $_size_execute0_lowered;
	s3 =	sadd.s32 s3, s5;
	[dreg:$0x0] =	wrdreg $0x0  }
0xa8: {  	s5 =	sshll.u32 s28, $0x1;
	[dreg:$0x2] =	wrdreg s3  }
0xa9: {  	[dreg:$0x3] =	wrdreg s5  }
0xaa: {  	[dreg:$0x4] =	wrdreg $0xC0  }
0xab: {  	_ =	task [dreg:s7], $0x5FFFF  }
0xac: {  	[dreg:$0x1] =	wrdreg $0xFFFFFFFF  }
0xad: {  	[dreg:$0x0] =	wrdreg $0x60  }
0xae: {  	[dreg:$0x2] =	wrdreg s2  }
0xaf: {  	[dreg:$0x3] =	wrdreg s24  }
0xb0: {  	[dreg:$0x4] =	wrdreg $0x9  }
0xb1: {  	_ =	task.clear_ibuf [dreg:s7], $0x5FFFF;
	_ =	strace $0x90000046  }
0xb2: {  	s29 =	simm.s32 $0x9;
	_ =	strace $0x80000048  }
0xb3: {  	_ =	swait.ge [sflag:s29], $0x1  }
0xb4: {  	[sflag:s29] =	ssyncadd.s32 $0xFFFFFFFF  }
0xb5: {  	_ =	strace $0x90000048  }
0xb6: {  	_ =	sfence  }
0xb7: {  	s30 =	sld [smem:$0x0];
	_ =	sdelay $0x2  }
0xb8: {  	s31 =	sshll.u32 s1, $0xD;
	s1 =	sshrl.u32 s1, $0x2  }
0xb9: {  	s3 =	sand.u32 $0x4000, s31;
	s1 =	sadd.s32 s1, s30  }
0xba: {  	s0 =	sor.u32 s3, s0;
	s1 =	sshll.u32 s1, $0x11  }
0xbb: {  	s0 =	sor.u32 s1, s0  }
0xbc: {  	s0 =	sadd.s32 $0x8F2B, s0  }
0xbd: {  	[sflag:s0] =	ssyncadd.remote.s32 $0x1  }
0xbe: {  	_ =	sfence.sel $0xFFFF  }
0xbf: {  	[dreg:$0x0] =	wrdreg $0xFFFFFFFF;
	(pc) =	sbr.abs _section_cstart, $3  }
0xc0: {  	[dreg:$0x1] =	wrdreg $0xFFFFFFFF  }
0xc1: {  	_ =	task.clear_ibuf [dreg:s7], $0x2FFFF;
	_ =	strace $0x9FFFFFFF  }
0xc2: {  	(tm) =	ssettm $0x7FFFFFFF  }
0xc3: {  	_ =	shalt  }
tec
execute0_lowered:
.L_overlay_start_1:
0x0: {  	(tag) =	ssettag $0x1  }
0x1: {  	s3 =	rddreg [dreg:$0x0]  }
0x2: {  	s4 =	rddreg [dreg:$0x1]  }
0x3: {  	s0 =	rddreg [dreg:$0x2];
	s2 =	simm.s32 $0x0;
	s1 =	stileid.u32  }
0x4: {  	s5 =	srdreg.scid;
	s12 =	simm.s32 $0x400;
	s13 =	simm.s32 $0x1  }
0x5: {  	s14 =	simm.s32 $0x2000;
	s15 =	simm.s32 $0x4000;
	s16 =	simm.s32 $0x6000  }
0x6: {  	s17 =	simm.s32 $0x6800;
	s18 =	simm.s32 $0x7000;
	s19 =	simm.s32 $0xD900  }
0x7: {  	s20 =	simm.s32 $0x0;
	[smem:$0x7FF] =	sst s2;
	s6 =	sshll.u32 s1, $0x3  }
0x8: {  	s5 =	sand.u32 $0x1, s5;
	s7 =	sshll.u32 s1, $0x9;
	_ =	strace $0x80000047  }
0x9: {  	s8 =	sshll.u32 s5, $0x8;
	s5 =	ssub.s32 $0x2, s5;
	s6 =	sand.u32 $0x70, s6  }
.Ltmp0:
0xa: {  	s7 =	sor.u32 s8, s7;
	s31 =	sshrl.u32 s5, $0x1;
	(pc) =	sbr.rel .LBB2_1-.Ltmp0, $4  }
0xb: {  	s9 =	sadd.s32 s6, s4;
	s3 =	sadd.s32 s3, s6;
	s10 =	sadd.s32 s7, s4  }
0xc: {  	s11 =	ssub.s32 s5, s31;
	s4 =	sadd.s32 $0x3200, s9;
	s5 =	sadd.s32 $0x1200, s9  }
0xd: {  	s6 =	sadd.s32 $0x9200, s10;
	s7 =	sadd.s32 $0x7200, s10;
	s8 =	sadd.s32 $0x5200, s10  }
0xe: {  	v0 =	vlaneseq.u32;
	s9 =	sadd.s32 $0xB200, s10;
	s10 =	smax.u32 s11, $0x1;
	s11 =	simm.s32 $0x80  }
.LBB2_15:
0xf: {  	s20 =	sadd.s32 $0x1, s20  }
0x10: {  	p0 =	sne.s32 s20, s10  }
.Ltmp1:
0x11: {  	_ = 	snop;
	(pc) =	sbr.rel @!p0 .LBB2_16-.Ltmp1, $4  }
0x12: {  	[hbm4b:s9+s2] =	stream.linear.scatter [tilespmem:s19], [sflag:$0x1], $0x800, $0x38;
	[tilespmem:$0xE100] =	vst v63  }
0x13: {  	_ =	swait.ge [sflag:s13], $0x800  }
0x14: {  	[sflag:s13] =	ssyncset.done $0x0  }
0x15: {  	[sflag:s13] =	ssyncadd.s32 $0xFFFFF800  }
.LBB2_1:
0x16: {  	[tilespmem:s2], [sflag:$0x1] =	stream.strided.gather [hbm4b:s3+s11], $0x2000, s12, s11, $0x38;
	[tilespmem:$0xE100] =	vst v63  }
0x17: {  	_ =	swait.ge [sflag:s13], $0x2000  }
0x18: {  	[sflag:s13] =	ssyncset.done $0x0  }
0x19: {  	[sflag:s13] =	ssyncadd.s32 $0xFFFFE000  }
0x1a: {  	[tilespmem:s14], [sflag:$0x1] =	stream.strided.gather [hbm4b:s4+s11], $0x2000, s12, s11, $0x38;
	[tilespmem:$0xE100] =	vst v63  }
0x1b: {  	_ =	swait.ge [sflag:s13], $0x2000  }
0x1c: {  	[sflag:s13] =	ssyncset.done $0x0  }
0x1d: {  	[sflag:s13] =	ssyncadd.s32 $0xFFFFE000  }
0x1e: {  	[tilespmem:s15], [sflag:$0x1] =	stream.strided.gather [hbm4b:s5+s11], $0x2000, s12, s11, $0x38;
	[tilespmem:$0xE100] =	vst v63  }
0x1f: {  	_ =	swait.ge [sflag:s13], $0x2000  }
0x20: {  	[sflag:s13] =	ssyncset.done $0x0  }
0x21: {  	[sflag:s13] =	ssyncadd.s32 $0xFFFFE000  }
0x22: {  	[tilespmem:s16], [sflag:$0x1] =	stream.linear.gather [hbm4b:s6+s2], $0x800, $0x38;
	[tilespmem:$0xE100] =	vst v63  }
0x23: {  	_ =	swait.ge [sflag:s13], $0x800  }
0x24: {  	[sflag:s13] =	ssyncset.done $0x0  }
0x25: {  	[sflag:s13] =	ssyncadd.s32 $0xFFFFF800  }
0x26: {  	[tilespmem:s17], [sflag:$0x1] =	stream.linear.gather [hbm4b:s7+s2], $0x800, $0x38;
	[tilespmem:$0xE100] =	vst v63  }
0x27: {  	_ =	swait.ge [sflag:s13], $0x800  }
0x28: {  	[sflag:s13] =	ssyncset.done $0x0  }
.Ltmp2:
0x29: {  	[sflag:s13] =	ssyncadd.s32 $0xFFFFF800;
	(pc) =	sbr.rel .LBB2_2-.Ltmp2, $4  }
0x2a: {  	[tilespmem:s18], [sflag:$0x1] =	stream.linear.gather [hbm4b:s8+s2], $0x800, $0x38;
	[tilespmem:$0xE100] =	vst v63  }
0x2b: {  	_ =	swait.ge [sflag:s13], $0x800  }
0x2c: {  	[sflag:s13] =	ssyncset.done $0x0  }
0x2d: {  	s21 =	simm.s32 $0x0;
	[sflag:s13] =	ssyncadd.s32 $0xFFFFF800  }
.LBB2_8:
0x2e: {  	_ = 	snop  }
.LBB2_13:
0x2f: {  	v5, v6, _ =	vpop @p0 (xrf1)  }
0x30: {  	v7, v8, _ =	vpop @p1 (xrf1)  }
0x31: {  	v7 =	vpsel p1, v7, v2  }
0x32: {  	v8 =	vpsel p1, v8, v1;
	vm0 =	vlt.f32 @p0 v5, v7  }
0x33: {  	(xrf1) =	vsort.dscd.msk.f32 $0xffff, v3, v4;
	v3 =	vsel @p0 vm0, v5, v7;
	v4 =	vsel @p0 vm0, v6, v8  }
0x34: {  	(xrf1) =	vsort.ascd.msk.f32 @p0 $0xffff, v3, v4;
	_ =	sdelay $0xc  }
0x35: {  	v3, v4, _ =	vpop (xrf1)  }
0x36: {  	v5, v6, _ =	vpop @p0 (xrf1)  }
0x37: {  	v2 =	vpsel p0, v5, v2  }
0x38: {  	v1 =	vpsel p0, v6, v1;
	vm15 =	vlt.f32 v3, v2  }
0x39: {  	v2 =	vsel vm15, v3, v2;
	v1 =	vsel vm15, v4, v1  }
0x3a: {  	(xrf1) =	vsort.ascd.msk.f32 $0xffff, v2, v1;
	_ =	sdelay $0xd  }
0x3b: {  	v2, v1, _ =	vpop (xrf1)  }
.LBB2_14:
0x3c: {  	s21 =	sadd.s32 $0x1, s21  }
0x3d: {  	p0 =	sne.s32 s21, $0x80  }
.Ltmp3:
0x3e: {  	_ = 	snop;
	(pc) =	sbr.rel @!p0 .LBB2_15-.Ltmp3, $2  }
0x3f: {  	_ =	sdelay $0x2  }
0x40: {  	[tilespmem:s22+$0xD900] =	vst v1  }
.LBB2_2:
0x41: {  	s22 =	sshll.u32 s21, $0x4  }
0x42: {  	v2 =	vld [tilespmem:s22+$0x6000]  }
0x43: {  	v3 =	vld [tilespmem:s22+$0x6800]  }
0x44: {  	s24 =	simm.s32 $0x2040;
	v1 =	vld [tilespmem:s22+$0x7000]  }
0x45: {  	s23 =	simm.s32 $0x4040;
	v4 =	vld [tilespmem:s24+$0xFFFFFFE0]  }
0x46: {  	s25 =	simm.s32 $0x40;
	v5 =	vld [tilespmem:s23+$0x30]  }
0x47: {  	v7 =	vld [tilespmem:s25+$0x30]  }
0x48: {  	v8 =	vld [tilespmem:s23+$0xFFFFFFF0]  }
0x49: {  	v9 =	vld [tilespmem:s24+$0x30]  }
0x4a: {  	v11 =	vld [tilespmem:s25+$0x0]  }
0x4b: {  	v12 =	vld [tilespmem:s23+$0xFFFFFFE0]  }
0x4c: {  	v10 =	vld [tilespmem:s24+$0x0]  }
0x4d: {  	v13 =	vld [tilespmem:s24+$0xFFFFFFF0]  }
0x4e: {  	v14 =	vld [tilespmem:s23+$0xFFFFFFC0]  }
0x4f: {  	v16 =	vld [tilespmem:s25+$0xFFFFFFC0]  }
0x50: {  	v6 =	vld [tilespmem:s25+$0xFFFFFFD0]  }
0x51: {  	v21 =	vld [tilespmem:s24+$0xFFFFFFC0];
	v4 =	vsub.f32 v3, v4;
	v15 =	vsub.f32 v2, v7  }
0x52: {  	v24 =	vld [tilespmem:s24+$0x20];
	v5 =	vsub.f32 v1, v5;
	v9 =	vsub.f32 v3, v9  }
0x53: {  	v18 =	vld [tilespmem:s25+$0xFFFFFFF0];
	v10 =	vsub.f32 v3, v10;
	v13 =	vsub.f32 v3, v13  }
0x54: {  	v17 =	vld [tilespmem:s24+$0xFFFFFFD0];
	v12 =	vsub.f32 v1, v12;
	v22 =	vsub.f32 v1, v8  }
0x55: {  	v19 =	vld [tilespmem:s25+$0xFFFFFFE0];
	v7 =	vimm.f32 $+Inf;
	v8 =	vsub.f32 v2, v11;
	v27 =	vsub.f32 v1, v14  }
0x56: {  	v26 =	vld [tilespmem:s24+$0x10];
	v23 =	vsub.f32 v3, v21;
	v20 =	vmul.f32 v15, v15;
	v9 =	vmul.f32 v9, v9  }
0x57: {  	v21 =	vld [tilespmem:s25+$0x20];
	v14 =	vsub.f32 v3, v24;
	v4 =	vmul.f32 v4, v4;
	v5 =	vmul.f32 v5, v5  }
0x58: {  	v15 =	vld [tilespmem:s23+$0x0];
	v11 =	vadd.f32 v9, v20;
	v9 =	vmul.f32 v12, v12;
	v12 =	vsub.f32 v2, v18  }
0x59: {  	v25 =	vmul.f32 v13, v13;
	v13 =	vld [tilespmem:s25+$0x10];
	v8 =	vmul.f32 v8, v8;
	v20 =	vsub.f32 v2, v16  }
0x5a: {  	v17 =	vsub.f32 v3, v17;
	v18 =	vmul.f32 v22, v22;
	v16 =	vld [tilespmem:s23+$0x10];
	v12 =	vmul.f32 v12, v12  }
0x5b: {  	s26 =	simm.s32 $0x0;
	v22 =	vsub.f32 v2, v19;
	v19 =	vmul.f32 v20, v20;
	v20 =	vld [tilespmem:s23+$0xFFFFFFD0];
	v5 =	vadd.f32 v5, v11  }
0x5c: {  	s28 =	simm.s32 $0x20C0;
	s29 =	simm.s32 $0x78C0;
	s24 =	simm.s32 $0x7840;
	v11 =	vmul.f32 v27, v27;
	v24 =	vadd.f32 v25, v12;
	v25 =	vsub.f32 v3, v26;
	v12 =	vld [tilespmem:s23+$0x20]  }
.LBB2_3:
0x5d: {  	v26 =	vld [tilespmem:s28+$0xFFFFFFE0];
	s26 =	sadd.s32 $0x80, s26;
	v23 =	vmul.f32 v23, v23;
	v15 =	vsub.f32 v1, v15;
	v10 =	vmul.f32 v10, v10;
	s25 =	sadd.s32 $0x80, s25;
	s23 =	sadd.s32 $0x80, s23  }
0x5e: {  	v22 =	vmul.f32 v22, v22;
	v27 =	vld [tilespmem:s23+$0x30];
	p0 =	slt.u32 s26, $0x1F80;
	v25 =	vmul.f32 v25, v25;
	v21 =	vsub.f32 v2, v21  }
0x5f: {  	v13 =	vsub.f32 v2, v13;
	v18 =	vadd.f32 v18, v24;
	v28 =	vld [tilespmem:s25+$0x30];
	v15 =	vmul.f32 v15, v15  }
0x60: {  	v19 =	vadd.f32 v23, v19;
	v16 =	vsub.f32 v1, v16;
	v24 =	vld [tilespmem:s23+$0xFFFFFFF0];
	v21 =	vmul.f32 v21, v21  }
0x61: {  	v6 =	vsub.f32 v2, v6;
	v14 =	vmul.f32 v14, v14;
	v20 =	vsub.f32 v1, v20;
	v23 =	vld [tilespmem:s28+$0x30];
	[tilespmem:s24+$0xFFFFFFF0] =	vst v18  }
0x62: {  	v17 =	vmul.f32 v17, v17;
	v22 =	vadd.f32 v4, v22;
	v26 =	vsub.f32 v3, v26;
	v29 =	vld [tilespmem:s25+$0x0]  }
0x63: {  	v6 =	vmul.f32 v6, v6;
	v16 =	vmul.f32 v16, v16;
	v30 =	vld [tilespmem:s23+$0xFFFFFFE0];
	v27 =	vsub.f32 v1, v27  }
0x64: {  	v20 =	vmul.f32 v20, v20;
	v14 =	vadd.f32 v14, v21;
	v31 =	vld [tilespmem:s28+$0x0];
	v28 =	vsub.f32 v2, v28  }
0x65: {  	v6 =	vadd.f32 v17, v6;
	v9 =	vadd.f32 v9, v22;
	v4 =	vmul.f32 v26, v26;
	v21 =	vld [tilespmem:s28+$0xFFFFFFF0]  }
0x66: {  	v13 =	vmul.f32 v13, v13;
	v11 =	vadd.f32 v11, v19;
	v12 =	vsub.f32 v1, v12;
	v17 =	vld [tilespmem:s23+$0xFFFFFFC0]  }
0x67: {  	v20 =	vadd.f32 v20, v6;
	v22 =	vsub.f32 v3, v23;
	v23 =	vmul.f32 v28, v28;
	v19 =	vld [tilespmem:s25+$0xFFFFFFC0];
	[tilespmem:s24+$0xFFFFFFE0] =	vst v9  }
0x68: {  	v8 =	vadd.f32 v10, v8;
	v7 =	vmin.f32 v7, v11;
	v26 =	vmul.f32 v27, v27;
	v6 =	vld [tilespmem:s25+$0xFFFFFFD0];
	[tilespmem:s24+$0xFFFFFFC0] =	vst v11  }
0x69: {  	v13 =	vadd.f32 v25, v13;
	v12 =	vmul.f32 v12, v12;
	v7 =	vmin.f32 v7, v20;
	v11 =	vld [tilespmem:s28+$0xFFFFFFD0];
	[tilespmem:s24+$0xFFFFFFD0] =	vst v20  }
0x6a: {  	v8 =	vadd.f32 v15, v8;
	v7 =	vmin.f32 v7, v9;
	v10 =	vsub.f32 v3, v31;
	v20 =	vld [tilespmem:s25+$0xFFFFFFF0]  }
0x6b: {  	v7 =	vmin.f32 v7, v18;
	v9 =	vsub.f32 v3, v21;
	v21 =	vmul.f32 v22, v22;
	v25 =	vld [tilespmem:s25+$0xFFFFFFE0];
	[tilespmem:s24+$0x30] =	vst v5  }
0x6c: {  	v7 =	vmin.f32 v7, v8;
	v22 =	vsub.f32 v1, v30;
	v18 =	vld [tilespmem:s28+$0xFFFFFFC0];
	[tilespmem:s24+$0x0] =	vst v8;
	v8 =	vadd.f32 v16, v13  }
0x6d: {  	v12 =	vadd.f32 v12, v14;
	v16 =	vsub.f32 v1, v24;
	v24 =	vmul.f32 v9, v9;
	v27 =	vld [tilespmem:s28+$0x20]  }
0x6e: {  	v13 =	vsub.f32 v2, v29;
	v28 =	vadd.f32 v21, v23;
	v15 =	vld [tilespmem:s23+$0x0];
	v7 =	vmin.f32 v7, v8  }
0x6f: {  	v19 =	vsub.f32 v2, v19;
	v9 =	vmul.f32 v22, v22;
	v14 =	vsub.f32 v2, v20;
	v29 =	vld [tilespmem:s28+$0x10];
	[tilespmem:s24+$0x10] =	vst v8  }
.Ltmp4:
0x70: {  	v30 =	vsub.f32 v1, v17;
	v8 =	vmul.f32 v13, v13;
	v7 =	vmin.f32 v7, v12;
	v13 =	vld [tilespmem:s25+$0x10];
	[tilespmem:s24+$0x20] =	vst v12;
	s24 =	smov.u32 s29;
	(pc) =	sbr.rel @p0 .LBB2_3-.Ltmp4, $4  }
0x71: {  	v7 =	vmin.f32 v7, v5;
	v23 =	vsub.f32 v3, v18;
	v18 =	vmul.f32 v16, v16;
	v21 =	vld [tilespmem:s25+$0x20]  }
0x72: {  	v22 =	vsub.f32 v2, v25;
	v12 =	vmul.f32 v14, v14;
	v16 =	vld [tilespmem:s23+$0x10];
	v14 =	vsub.f32 v3, v27  }
0x73: {  	v19 =	vmul.f32 v19, v19;
	v17 =	vsub.f32 v3, v11;
	v5 =	vadd.f32 v26, v28;
	v20 =	vld [tilespmem:s23+$0xFFFFFFD0]  }
0x74: {  	v11 =	vmul.f32 v30, v30;
	s28 =	sadd.s32 $0x80, s28;
	s29 =	sadd.s32 $0x80, s29;
	v24 =	vadd.f32 v24, v12;
	v25 =	vsub.f32 v3, v29;
	v12 =	vld [tilespmem:s23+$0x20]  }
0x75: {  	v3 =	vmul.f32 v23, v23  }
0x76: {  	v15 =	vsub.f32 v1, v15;
	v10 =	vmul.f32 v10, v10;
	v22 =	vmul.f32 v22, v22  }
0x77: {  	v6 =	vsub.f32 v2, v6;
	v17 =	vmul.f32 v17, v17;
	v14 =	vmul.f32 v14, v14  }
0x78: {  	v60 =	vmul.f32 v25, v25;
	v21 =	vsub.f32 v2, v21;
	v18 =	vadd.f32 v18, v24  }
0x79: {  	v2 =	vsub.f32 v2, v13;
	v6 =	vmul.f32 v6, v6;
	v61 =	vsub.f32 v1, v20  }
0x7a: {  	v15 =	vmul.f32 v15, v15;
	v3 =	vadd.f32 v3, v19;
	v16 =	vsub.f32 v1, v16  }
0x7b: {  	v4 =	vadd.f32 v4, v22;
	v6 =	vadd.f32 v17, v6;
	v13 =	vmul.f32 v61, v61  }
0x7c: {  	v8 =	vadd.f32 v10, v8;
	v62 =	vmul.f32 v21, v21;
	v3 =	vadd.f32 v11, v3  }
0x7d: {  	v2 =	vmul.f32 v2, v2;
	v16 =	vmul.f32 v16, v16;
	v6 =	vadd.f32 v13, v6  }
0x7e: {  	v4 =	vadd.f32 v9, v4;
	v1 =	vsub.f32 v1, v12;
	v7 =	vmin.f32 v7, v3  }
0x7f: {  	v8 =	vadd.f32 v15, v8;
	v2 =	vadd.f32 v60, v2;
	v7 =	vmin.f32 v7, v6  }
0x80: {  	v63 =	vadd.f32 v14, v62;
	v1 =	vmul.f32 v1, v1;
	v7 =	vmin.f32 v7, v4  }
0x81: {  	v2 =	vadd.f32 v16, v2;
	v7 =	vmin.f32 v7, v18  }
0x82: {  	v1 =	vadd.f32 v1, v63;
	v7 =	vmin.f32 v7, v8  }
0x83: {  	v7 =	vmin.f32 v7, v2  }
0x84: {  	v7 =	vmin.f32 v7, v1  }
0x85: {  	v7 =	vmin.f32 v7, v5  }
0x86: {  	(xrf1) =	vsort.dscd.msk.f32 $0xffff, v7, v0;
	_ =	sdelay $0x3  }
0x87: {  	[tilespmem:s24+$0x30] =	vst v5  }
0x88: {  	[tilespmem:s24+$0xFFFFFFF0] =	vst v18  }
0x89: {  	[tilespmem:s24+$0xFFFFFFE0] =	vst v4  }
0x8a: {  	[tilespmem:s24+$0xFFFFFFC0] =	vst v3  }
0x8b: {  	[tilespmem:s24+$0x0] =	vst v8  }
0x8c: {  	[tilespmem:s24+$0xFFFFFFD0] =	vst v6  }
0x8d: {  	[tilespmem:s24+$0x10] =	vst v2  }
0x8e: {  	s23 =	simm.s32 $0x7840;
	[tilespmem:s24+$0x20] =	vst v1  }
0x8f: {  	v2 =	vld [tilespmem:s23+$0xFFFFFFC0];
	_ =	sdelay $0x1  }
0x90: {  	v1, _, _ =	vpop (xrf1)  }
0x91: {  	v1 =	vbroadcast v1, $0x0;
	_ =	sdelay $0x1  }
0x92: {  	s26 =	simm.s32 $0x0;
	s25 =	simm.s32 $0x0;
	vm0 =	vle.f32 v2, v1  }
0x93: {  	[tilespmem:s26+$0x9800] =	vst.msk vm0, v2;
	v2 =	vor.u32 s25, v0;
	v3 =	vmpcnt.ones.xlane vm0  }
0x94: {  	[tilespmem:s26+$0xB880] =	vst.msk vm0, v2  }
0x95: {  	v2 =	vld [tilespmem:s23+$0xFFFFFFD0];
	(v2sf) =	vpush v3, $0x0;
	_ =	sdelay $0x4  }
0x96: {  	vm9 =	vle.f32 v2, v1  }
0x97: {  	v3 =	vmpcnt.ones.xlane vm9;
	_ =	sdelay $0x1  }
0x98: {  	(v2sf) =	vpush v3, $0x0;
	_ =	sdelay $0x6  }
0x99: {  	s30 =	spop (v2sf)  }
0x9a: {  	s31 =	simm.s32 $0x10;
	s24 =	sadd.s32 $0x0, s30  }
0x9b: {  	[tilespmem:s24+$0x9800] =	vst.msk vm9, v2;
	v2 =	vor.u32 s31, v0  }
0x9c: {  	[tilespmem:s24+$0xB880] =	vst.msk vm9, v2  }
0x9d: {  	v2 =	vld [tilespmem:s23+$0xFFFFFFE0];
	_ =	sdelay $0x3  }
0x9e: {  	s26 =	spop (v2sf)  }
0x9f: {  	s30 =	simm.s32 $0x20;
	s24 =	sadd.s32 s24, s26;
	vm10 =	vle.f32 v2, v1  }
0xa0: {  	[tilespmem:s24+$0x9800] =	vst.msk vm10, v2;
	v2 =	vor.u32 s30, v0;
	v3 =	vmpcnt.ones.xlane vm10  }
0xa1: {  	[tilespmem:s24+$0xB880] =	vst.msk vm10, v2  }
0xa2: {  	v2 =	vld [tilespmem:s23+$0xFFFFFFF0];
	(v2sf) =	vpush v3, $0x0;
	_ =	sdelay $0x4  }
0xa3: {  	vm11 =	vle.f32 v2, v1  }
0xa4: {  	v3 =	vmpcnt.ones.xlane vm11;
	_ =	sdelay $0x1  }
0xa5: {  	(v2sf) =	vpush v3, $0x0;
	_ =	sdelay $0x6  }
0xa6: {  	s31 =	spop (v2sf)  }
0xa7: {  	s26 =	simm.s32 $0x30;
	s24 =	sadd.s32 s24, s31  }
0xa8: {  	[tilespmem:s24+$0x9800] =	vst.msk vm11, v2;
	v2 =	vor.u32 s26, v0  }
0xa9: {  	[tilespmem:s24+$0xB880] =	vst.msk vm11, v2  }
0xaa: {  	v2 =	vld [tilespmem:s23+$0x0];
	_ =	sdelay $0x3  }
0xab: {  	s30 =	spop (v2sf)  }
0xac: {  	s31 =	simm.s32 $0x40;
	s24 =	sadd.s32 s24, s30;
	vm12 =	vle.f32 v2, v1  }
0xad: {  	[tilespmem:s24+$0x9800] =	vst.msk vm12, v2;
	v2 =	vor.u32 s31, v0;
	v3 =	vmpcnt.ones.xlane vm12  }
0xae: {  	[tilespmem:s24+$0xB880] =	vst.msk vm12, v2  }
0xaf: {  	v2 =	vld [tilespmem:s23+$0x10];
	(v2sf) =	vpush v3, $0x0;
	_ =	sdelay $0x4  }
0xb0: {  	vm13 =	vle.f32 v2, v1  }
0xb1: {  	v3 =	vmpcnt.ones.xlane vm13;
	_ =	sdelay $0x1  }
0xb2: {  	(v2sf) =	vpush v3, $0x0;
	_ =	sdelay $0x6  }
0xb3: {  	s26 =	spop (v2sf)  }
0xb4: {  	s30 =	simm.s32 $0x50;
	s24 =	sadd.s32 s24, s26  }
0xb5: {  	[tilespmem:s24+$0x9800] =	vst.msk vm13, v2;
	v2 =	vor.u32 s30, v0  }
0xb6: {  	[tilespmem:s24+$0xB880] =	vst.msk vm13, v2  }
0xb7: {  	v2 =	vld [tilespmem:s23+$0x20];
	_ =	sdelay $0x3  }
0xb8: {  	s31 =	spop (v2sf)  }
0xb9: {  	s26 =	simm.s32 $0x60;
	s24 =	sadd.s32 s24, s31;
	vm14 =	vle.f32 v2, v1  }
0xba: {  	[tilespmem:s24+$0x9800] =	vst.msk vm14, v2;
	v2 =	vor.u32 s26, v0  }
0xbb: {  	v3 =	vmpcnt.ones.xlane vm14;
	[tilespmem:s24+$0xB880] =	vst.msk vm14, v2  }
0xbc: {  	v2 =	vld [tilespmem:s23+$0x30]  }
0xbd: {  	(v2sf) =	vpush v3, $0x0;
	_ =	sdelay $0x3  }
0xbe: {  	vm15 =	vle.f32 v2, v1  }
0xbf: {  	v3 =	vmpcnt.ones.xlane vm15;
	_ =	sdelay $0x1  }
0xc0: {  	(v2sf) =	vpush v3, $0x0;
	_ =	sdelay $0x7  }
0xc1: {  	s30 =	spop (v2sf)  }
0xc2: {  	s31 =	simm.s32 $0x70;
	s28 =	sadd.s32 s24, s30  }
0xc3: {  	[tilespmem:s28+$0x9800] =	vst.msk vm15, v2;
	v2 =	vor.u32 s31, v0  }
0xc4: {  	s24 =	simm.s32 $0x78C0;
	[tilespmem:s28+$0xB880] =	vst.msk vm15, v2  }
0xc5: {  	v2 =	vld [tilespmem:s24+$0xFFFFFFC0];
	_ =	sdelay $0x2  }
0xc6: {  	s29 =	simm.s32 $0x170;
	s23 =	simm.s32 $0xF0;
	s26 =	spop (v2sf)  }
.LBB2_5:
0xc7: {  	s30 =	sadd.s32 $0xFFFFFF90, s23  }
0xc8: {  	vm0 =	vle.f32 v2, v1;
	s28 =	sadd.s32 s28, s26;
	s26 =	smov.u32 s29;
	s25 =	sadd.s32 $0x80, s29  }
0xc9: {  	p0 =	sne.s32 s29, $0x1FF0;
	[tilespmem:s28+$0x9800] =	vst.msk vm0, v2;
	v2 =	vor.u32 s30, v0;
	v3 =	vmpcnt.ones.xlane vm0  }
0xca: {  	[tilespmem:s28+$0xB880] =	vst.msk vm0, v2  }
0xcb: {  	v2 =	vld [tilespmem:s24+$0xFFFFFFD0];
	(v2sf) =	vpush v3, $0x0;
	_ =	sdelay $0x4  }
0xcc: {  	vm0 =	vle.f32 v2, v1  }
0xcd: {  	v3 =	vmpcnt.ones.xlane vm0;
	_ =	sdelay $0x1  }
0xce: {  	(v2sf) =	vpush v3, $0x0;
	_ =	sdelay $0x6  }
0xcf: {  	s29 =	spop (v2sf)  }
0xd0: {  	s28 =	sadd.s32 s28, s29;
	s29 =	sadd.s32 $0xFFFFFFA0, s23  }
0xd1: {  	[tilespmem:s28+$0x9800] =	vst.msk vm0, v2;
	v2 =	vor.u32 s29, v0  }
0xd2: {  	[tilespmem:s28+$0xB880] =	vst.msk vm0, v2  }
0xd3: {  	v2 =	vld [tilespmem:s24+$0xFFFFFFE0];
	_ =	sdelay $0x3  }
0xd4: {  	s29 =	spop (v2sf)  }
0xd5: {  	s28 =	sadd.s32 s28, s29;
	s29 =	sadd.s32 $0xFFFFFFB0, s23;
	vm0 =	vle.f32 v2, v1  }
0xd6: {  	[tilespmem:s28+$0x9800] =	vst.msk vm0, v2;
	v2 =	vor.u32 s29, v0;
	v3 =	vmpcnt.ones.xlane vm0  }
0xd7: {  	[tilespmem:s28+$0xB880] =	vst.msk vm0, v2  }
0xd8: {  	v2 =	vld [tilespmem:s24+$0xFFFFFFF0];
	(v2sf) =	vpush v3, $0x0;
	_ =	sdelay $0x4  }
0xd9: {  	vm0 =	vle.f32 v2, v1  }
0xda: {  	v3 =	vmpcnt.ones.xlane vm0;
	_ =	sdelay $0x1  }
0xdb: {  	(v2sf) =	vpush v3, $0x0;
	_ =	sdelay $0x6  }
0xdc: {  	s29 =	spop (v2sf)  }
0xdd: {  	s28 =	sadd.s32 s28, s29;
	s29 =	sadd.s32 $0xFFFFFFC0, s23  }
0xde: {  	[tilespmem:s28+$0x9800] =	vst.msk vm0, v2;
	v2 =	vor.u32 s29, v0  }
0xdf: {  	[tilespmem:s28+$0xB880] =	vst.msk vm0, v2  }
0xe0: {  	v2 =	vld [tilespmem:s24+$0x0];
	_ =	sdelay $0x3  }
0xe1: {  	s29 =	spop (v2sf)  }
0xe2: {  	s28 =	sadd.s32 s28, s29;
	s29 =	sadd.s32 $0xFFFFFFD0, s23;
	vm0 =	vle.f32 v2, v1  }
0xe3: {  	[tilespmem:s28+$0x9800] =	vst.msk vm0, v2;
	v2 =	vor.u32 s29, v0;
	v3 =	vmpcnt.ones.xlane vm0  }
0xe4: {  	[tilespmem:s28+$0xB880] =	vst.msk vm0, v2  }
0xe5: {  	v2 =	vld [tilespmem:s24+$0x10];
	(v2sf) =	vpush v3, $0x0;
	_ =	sdelay $0x4  }
0xe6: {  	vm0 =	vle.f32 v2, v1  }
0xe7: {  	v3 =	vmpcnt.ones.xlane vm0;
	_ =	sdelay $0x1  }
0xe8: {  	(v2sf) =	vpush v3, $0x0;
	_ =	sdelay $0x6  }
0xe9: {  	s29 =	spop (v2sf)  }
0xea: {  	s28 =	sadd.s32 s28, s29;
	s29 =	sadd.s32 $0xFFFFFFE0, s23  }
0xeb: {  	[tilespmem:s28+$0x9800] =	vst.msk vm0, v2;
	v2 =	vor.u32 s29, v0  }
0xec: {  	[tilespmem:s28+$0xB880] =	vst.msk vm0, v2  }
0xed: {  	v2 =	vld [tilespmem:s24+$0x20];
	_ =	sdelay $0x3  }
0xee: {  	s29 =	spop (v2sf)  }
0xef: {  	s28 =	sadd.s32 s28, s29;
	s29 =	sadd.s32 $0xFFFFFFF0, s23;
	vm0 =	vle.f32 v2, v1  }
0xf0: {  	[tilespmem:s28+$0x9800] =	vst.msk vm0, v2;
	v2 =	vor.u32 s29, v0;
	v3 =	vmpcnt.ones.xlane vm0  }
0xf1: {  	[tilespmem:s28+$0xB880] =	vst.msk vm0, v2  }
0xf2: {  	v2 =	vld [tilespmem:s24+$0x30];
	(v2sf) =	vpush v3, $0x0;
	_ =	sdelay $0x4  }
0xf3: {  	vm0 =	vle.f32 v2, v1  }
0xf4: {  	v3 =	vmpcnt.ones.xlane vm0;
	_ =	sdelay $0x1  }
0xf5: {  	(v2sf) =	vpush v3, $0x0;
	_ =	sdelay $0x6  }
0xf6: {  	s29 =	spop (v2sf)  }
0xf7: {  	s28 =	sadd.s32 s28, s29  }
0xf8: {  	[tilespmem:s28+$0x9800] =	vst.msk vm0, v2;
	v2 =	vor.u32 s23, v0;
	s23 =	smov.u32 s26  }
0xf9: {  	s24 =	sadd.s32 $0x80, s24;
	[tilespmem:s28+$0xB880] =	vst.msk vm0, v2  }
.Ltmp5:
0xfa: {  	v2 =	vld [tilespmem:s24+$0xFFFFFFC0];
	(pc) =	sbr.rel @p0 .LBB2_5-.Ltmp5, $2  }
0xfb: {  	_ =	sdelay $0x2  }
0xfc: {  	s29 =	smov.u32 s25;
	s26 =	spop (v2sf)  }
0xfd: {  	s25 =	sadd.s32 $0xFFFFFF90, s23;
	vm0 =	vle.f32 v2, v1;
	s26 =	sadd.s32 s28, s26  }
0xfe: {  	[tilespmem:s26+$0x9800] =	vst.msk vm0, v2;
	v2 =	vor.u32 s25, v0;
	v3 =	vmpcnt.ones.xlane vm0  }
0xff: {  	[tilespmem:s26+$0xB880] =	vst.msk vm0, v2  }
0x100: {  	v2 =	vld [tilespmem:s24+$0xFFFFFFD0];
	(v2sf) =	vpush v3, $0x0;
	_ =	sdelay $0x4  }
0x101: {  	vm9 =	vle.f32 v2, v1  }
0x102: {  	v3 =	vmpcnt.ones.xlane vm9;
	_ =	sdelay $0x1  }
0x103: {  	(v2sf) =	vpush v3, $0x0;
	_ =	sdelay $0x6  }
0x104: {  	s28 =	spop (v2sf)  }
0x105: {  	s29 =	sadd.s32 $0xFFFFFFA0, s23;
	s25 =	sadd.s32 s26, s28  }
0x106: {  	[tilespmem:s25+$0x9800] =	vst.msk vm9, v2;
	v2 =	vor.u32 s29, v0  }
0x107: {  	[tilespmem:s25+$0xB880] =	vst.msk vm9, v2  }
0x108: {  	v2 =	vld [tilespmem:s24+$0xFFFFFFE0];
	_ =	sdelay $0x3  }
0x109: {  	s30 =	spop (v2sf)  }
0x10a: {  	s31 =	sadd.s32 $0xFFFFFFB0, s23;
	s25 =	sadd.s32 s25, s30;
	vm10 =	vle.f32 v2, v1  }
0x10b: {  	[tilespmem:s25+$0x9800] =	vst.msk vm10, v2;
	v2 =	vor.u32 s31, v0;
	v3 =	vmpcnt.ones.xlane vm10  }
0x10c: {  	[tilespmem:s25+$0xB880] =	vst.msk vm10, v2  }
0x10d: {  	v2 =	vld [tilespmem:s24+$0xFFFFFFF0];
	(v2sf) =	vpush v3, $0x0;
	_ =	sdelay $0x4  }
0x10e: {  	vm11 =	vle.f32 v2, v1  }
0x10f: {  	v3 =	vmpcnt.ones.xlane vm11;
	_ =	sdelay $0x1  }
0x110: {  	(v2sf) =	vpush v3, $0x0;
	_ =	sdelay $0x6  }
0x111: {  	s28 =	spop (v2sf)  }
0x112: {  	s29 =	sadd.s32 $0xFFFFFFC0, s23;
	s25 =	sadd.s32 s25, s28  }
0x113: {  	[tilespmem:s25+$0x9800] =	vst.msk vm11, v2;
	v2 =	vor.u32 s29, v0  }
0x114: {  	[tilespmem:s25+$0xB880] =	vst.msk vm11, v2  }
0x115: {  	v2 =	vld [tilespmem:s24+$0x0];
	_ =	sdelay $0x3  }
0x116: {  	s30 =	spop (v2sf)  }
0x117: {  	s31 =	sadd.s32 $0xFFFFFFD0, s23;
	s25 =	sadd.s32 s25, s30;
	vm12 =	vle.f32 v2, v1  }
0x118: {  	[tilespmem:s25+$0x9800] =	vst.msk vm12, v2;
	v2 =	vor.u32 s31, v0;
	v3 =	vmpcnt.ones.xlane vm12  }
0x119: {  	[tilespmem:s25+$0xB880] =	vst.msk vm12, v2  }
0x11a: {  	v2 =	vld [tilespmem:s24+$0x10];
	(v2sf) =	vpush v3, $0x0;
	_ =	sdelay $0x4  }
0x11b: {  	vm13 =	vle.f32 v2, v1  }
0x11c: {  	v3 =	vmpcnt.ones.xlane vm13;
	_ =	sdelay $0x1  }
0x11d: {  	(v2sf) =	vpush v3, $0x0;
	_ =	sdelay $0x6  }
0x11e: {  	s28 =	spop (v2sf)  }
0x11f: {  	s29 =	sadd.s32 $0xFFFFFFE0, s23;
	s25 =	sadd.s32 s25, s28  }
0x120: {  	[tilespmem:s25+$0x9800] =	vst.msk vm13, v2;
	v2 =	vor.u32 s29, v0  }
0x121: {  	[tilespmem:s25+$0xB880] =	vst.msk vm13, v2  }
0x122: {  	v2 =	vld [tilespmem:s24+$0x20];
	_ =	sdelay $0x3  }
0x123: {  	s30 =	spop (v2sf)  }
0x124: {  	s31 =	sadd.s32 $0xFFFFFFF0, s23;
	s25 =	sadd.s32 s25, s30;
	vm14 =	vle.f32 v2, v1  }
0x125: {  	[tilespmem:s25+$0x9800] =	vst.msk vm14, v2;
	v2 =	vor.u32 s31, v0  }
0x126: {  	[tilespmem:s25+$0xB880] =	vst.msk vm14, v2  }
0x127: {  	v2 =	vld [tilespmem:s24+$0x30];
	_ =	sdelay $0x4  }
0x128: {  	v3 =	vmpcnt.ones.xlane vm14;
	vm15 =	vle.f32 v2, v1  }
0x129: {  	v1 =	vmpcnt.ones.xlane vm15  }
0x12a: {  	(v2sf) =	vpush v3, $0x0  }
0x12b: {  	(v2sf) =	vpush v1, $0x0;
	_ =	sdelay $0xd  }
0x12c: {  	s26 =	spop (v2sf)  }
0x12d: {  	s24 =	sadd.s32 s25, s26;
	s28 =	spop (v2sf)  }
0x12e: {  	s25 =	sadd.s32 s24, s28  }
0x12f: {  	s29 =	sadd.s32 $0xF, s25  }
0x130: {  	s30 =	sand.u32 $0xF, s29  }
0x131: {  	s31 =	sshra.s32 s29, $0x1F;
	p1 =	slt.s32 s29, $0x1;
	p0 =	sne.s32 s30, $0x0  }
0x132: {  	s28 =	sshrl.u32 s31, $0x1C;
	p0 =	por !p1, !p0  }
0x133: {  	s26 =	sadd.s32 s28, s29;
	s28 =	simm.s32 $0x1;
	p0 =	por !p0, !p0  }
0x134: {  	s26 =	sshra.s32 s26, $0x4;
	s28 =	simm.s32 @!p0 $0x0  }
0x135: {  	v1 =	vor.u32 s23, v0;
	s23 =	ssub.s32 s26, s28  }
0x136: {  	p0 =	slt.s32 s23, $0x1  }
.Ltmp6:
0x137: {  	_ = 	snop;
	(pc) =	sbr.rel @p0 .LBB2_14-.Ltmp6, $4  }
0x138: {  	_ = 	snop  }
0x139: {  	[tilespmem:s24+$0x9800] =	vst.msk vm15, v2  }
0x13a: {  	v2 =	vimm.f32 $+Inf;
	[tilespmem:s24+$0xB880] =	vst.msk vm15, v1  }
0x13b: {  	v1 =	vimm.s32 $0x0;
	[tilespmem:s25+$0x9800] =	vst v2  }
0x13c: {  	p2 =	sne.s32 s23, $0x1  }
.Ltmp7:
0x13d: {  	_ = 	snop;
	(pc) =	sbr.rel @!p2 .LBB2_8-.Ltmp7, $4  }
0x13e: {  	_ = 	snop  }
0x13f: {  	s24 =	simm.s32 $0x9800  }
0x140: {  	s25 =	simm.s32 $0xB880;
	v3 =	vld [tilespmem:s24+$0x0]  }
0x141: {  	s23 =	sadd.s32 $0xFFFFFFFF, s23;
	p0 =	por $0x0, $0x0;
	p1 =	por $0x0, $0x0;
	v4 =	vld [tilespmem:s25+$0x0]  }
0x142: {  	_ =	sdelay $0x3  }
0x143: {  	(xrf1) =	vsort.dscd.msk.f32 $0xffff, v3, v4;
	_ =	sdelay $0x7  }
0x144: {  	p2 =	sne.s32 s23, $0x1  }
.Ltmp8:
0x145: {  	_ = 	snop;
	(pc) =	sbr.rel @!p2 .LBB2_10-.Ltmp8, $4  }
0x146: {  	_ = 	snop  }
0x147: {  	s24 =	simm.s32 $0x9810  }
0x148: {  	s31 =	simm.s32 $0xB890;
	v3 =	vld [tilespmem:s24+$0x0]  }
0x149: {  	s25 =	sadd.s32 $0xFFFFFFFF, s23;
	p0 =	por $0x1, $0x1;
	v4 =	vld [tilespmem:s31+$0x0]  }
0x14a: {  	_ =	sdelay $0x1  }
0x14b: {  	v5, v6, _ =	vpop (xrf1)  }
0x14c: {  	vm0 =	vlt.f32 v5, v2  }
0x14d: {  	(xrf1) =	vsort.dscd.msk.f32 $0xffff, v3, v4;
	v4 =	vsel vm0, v5, v2;
	v5 =	vsel vm0, v6, v1  }
0x14e: {  	(xrf1) =	vsort.ascd.msk.f32 $0xffff, v4, v5;
	_ =	sdelay $0x6  }
0x14f: {  	p2 =	sne.s32 s25, $0x1  }
.Ltmp9:
0x150: {  	_ = 	snop;
	(pc) =	sbr.rel @!p2 .LBB2_13-.Ltmp9, $4  }
0x151: {  	s23 =	simm.s32 $0x9820  }
0x152: {  	s24 =	simm.s32 $0xB8A0;
	v3 =	vld [tilespmem:s23+$0x0]  }
0x153: {  	v4 =	vld [tilespmem:s24+$0x0]  }
0x154: {  	s25 =	sadd.s32 $0xFFFFFFFF, s25;
	p1 =	por $0x1, $0x1  }
.LBB2_12:
0x155: {  	p2 =	sne.s32 s25, $0x1;
	v5, v6, _ =	vpop (xrf1)  }
0x156: {  	v7, v8, _ =	vpop (xrf1)  }
0x157: {  	vm0 =	vlt.f32 v5, v7  }
0x158: {  	(xrf1) =	vsort.dscd.msk.f32 $0xffff, v3, v4;
	v3 =	vsel vm0, v5, v7;
	v4 =	vsel vm0, v6, v8  }
0x159: {  	(xrf1) =	vsort.ascd.msk.f32 $0xffff, v3, v4;
	_ =	sdelay $0x7  }
.Ltmp10:
0x15a: {  	(pc) =	sbr.rel @p2 .LBB2_12-.Ltmp10, $4  }
0x15b: {  	s23 =	sadd.s32 $0x10, s23  }
0x15c: {  	s24 =	sadd.s32 $0x10, s24;
	v3 =	vld [tilespmem:s23+$0x0]  }
0x15d: {  	v4 =	vld [tilespmem:s24+$0x0]  }
0x15e: {  	s25 =	sadd.s32 $0xFFFFFFFF, s25  }
.Ltmp11:
0x15f: {  	_ = 	snop;
	(pc) =	sbr.rel .LBB2_13-.Ltmp11, $1  }
0x160: {  	_ =	sdelay $0x3  }
.LBB2_10:
.Ltmp12:
0x161: {  	(pc) =	sbr.rel .LBB2_13-.Ltmp12, $2  }
0x162: {  	_ =	sdelay $0x2  }
0x163: {  	_ = 	snop  }
.LBB2_16:
0x164: {  	_ =	sfence.sel $0x180000  }
0x165: {  	[bflag:$0x0] =	sbarrier.arrive $0xFFFF  }
0x166: {  	p0 =	sne.s32 s1, $0x0;
	_ =	strace $0x90000047  }
0x167: {  	s0 =	sadd.s32 @!p0 $0x100000, s0;
	[bflag:$0x2] =	sbarrier.arrive $0xFFFF  }
0x168: {  	[sflag:s0] =	ssyncadd.tile.s32 @!p0 $0x1;
	_ =	shalt  }
.Lfunc_end2:
_tile_overlayer_lowered:
.L_overlay_start_2:
0x169: {  	(tag) =	ssettag $0x2  }
0x16a: {  	s0 =	rddreg [dreg:$0x0];
	s2 =	stileid.u32  }
0x16b: {  	s1 =	rddreg [dreg:$0x1];
	p0 =	sne.s32 s2, $0x0  }
0x16c: {  	s3 =	rddreg [dreg:$0x2];
	[bflag:$0x3] =	sbarrier.arrive $0xFFFF;
	s2 =	simm.s32 @!p0 $0x1C01  }
0x16d: {  	[timem:s3], [sflag:s2] =	dma.local @!p0 [hbm:s0], s1  }
0x16e: {  	s0 =	simm.s32 @!p0 $0x1  }
0x16f: {  	_ =	swait.ge @!p0 [sflag:s0], s1  }
0x170: {  	s1 =	ssub.s32 @!p0 $0x0, s1;
	[sflag:s0] =	ssyncset.done @!p0 $0x0  }
0x171: {  	[sflag:s0] =	ssyncadd.s32 @!p0 s1  }
0x172: {  	[bflag:$0x3] =	sbarrier.arrive $0xFFFF  }
0x173: {  	_ =	shalt  }

// kernel: kernel.8.cloned.1.call-start
scs
__scs_entry_jumppad:
0x0: {  	(pc) =	sbr.rel $0x88, $3  }
0x1: {  	(tag) =	ssettag $0x0;
	lr =	simm.s32 $0x1  }
0x2: {  	[smem:$0x3F9F] =	sst lr;
	_ =	strace $0xD0000000  }
0x3: {  	_ = 	snop  }
0x4: {  	_ = 	snop  }
0x5: {  	_ = 	snop  }
0x6: {  	_ = 	snop  }
0x7: {  	_ = 	snop  }
__scs_overlays_trampoline_lowered:
0x8: {  	[smem:$0x3FAE] =	sst s0  }
0x9: {  	[smem:$0x3FAF] =	sst s1  }
0xa: {  	[smem:$0x3FB0] =	sst s2  }
0xb: {  	[smem:$0x3FB1] =	sst s3  }
0xc: {  	[smem:$0x3FB2] =	sst s4  }
0xd: {  	[smem:$0x3FB3] =	sst s5  }
0xe: {  	[smem:$0x3FB4] =	sst s6  }
0xf: {  	[smem:$0x3FB5] =	sst s7  }
0x10: {  	[smem:$0x3FB6] =	sst s8  }
0x11: {  	[smem:$0x3FB7] =	sst s9;
	s0 =	simm.s32 @!p0 $0x0  }
0x12: {  	s1 =	sld [smem:$0x3F9D];
	s0 =	simm.s32 @p0 $0x1  }
0x13: {  	[smem:$0x3FB8] =	sst s0;
	s0 =	simm.s32 @!p1 $0x0  }
0x14: {  	s2 =	sld [smem:$0x3F9C];
	s0 =	simm.s32 @p1 $0x1  }
0x15: {  	[smem:$0x3FB9] =	sst s0;
	s0 =	simm.s32 @!p2 $0x0  }
0x16: {  	s3 =	sld [smem:$0x3FDB];
	s0 =	simm.s32 @p2 $0x1  }
0x17: {  	s4 =	simm.s32 $0x1BF5;
	[smem:$0x3FBB] =	sst s0  }
0x18: {  	s0 =	sld [smem:$0x3F9E];
	_ =	swait.ge [sflag:s4], $0x0  }
0x19: {  	s7 =	sld [smem:$0x3F9F]  }
0x1a: {  	s8 =	sadd.s32 $0xFFFFE003, lr  }
0x1b: {  	s9 =	sadd.s32 $0xFFFFFEF7, lr;
	s5 =	simm.s32 $0xFFFFFFFF;
	p2 =	slt.u32 s8, $0xFFFFF086  }
0x1c: {  	p1 =	slt.u32 s9, $0xF7A;
	s5 =	simm.s32 @!p2 $0x0  }
0x1d: {  	s5 =	simm.s32 @p1 $0x1;
	p0 =	seq.s32 s7, s2  }
0x1e: {  	s7 =	smul.u32 @!p0 $0xF7A, s2;
	p2 =	seq.s32 @!p0 s5, $0x0  }
0x1f: {  	s9 =	smul.u32 $0xF7A, s1;
	s8 =	simm.s32 @!p0 $0x1BF5;
	p2 =	por !p2, p0  }
0x20: {  	[sflag:s8] =	ssyncset.s32 @!p0 $0xFFFFF086;
	s6 =	sadd.s32 @!p0 s3, s7;
	s7 =	simm.s32 @!p0 $0x108  }
0x21: {  	s3 =	sadd.s32 s3, s9;
	s6 =	sadd.s32 @!p0 $0x88, s6;
	s7 =	simm.s32 @p2 $0x1082  }
0x22: {  	[simem:s7], [sflag:s8] =	dma.local @!p0 [hbm:s6], $0xF7A  }
0x23: {  	s9 =	sor.u32 $0xD0000000, s2;
	s6 =	simm.s32 $0x108;
	_ =	swait.ge @!p0 [sflag:s8], $0x0  }
0x24: {  	s3 =	sadd.s32 $0x88, s3;
	s6 =	simm.s32 @!p1 $0x1082;
	[sflag:s4] =	ssyncset.s32 $0xFFFFF086  }
0x25: {  	[simem:s6], [sflag:s4] =	dma.local [hbm:s3], $0xF7A  }
0x26: {  	[smem:$0x3F9F] =	sst s1;
	(tag) =	ssettag s2;
	_ =	strace s9  }
0x27: {  	s1 =	sld [smem:$0x3FAF]  }
0x28: {  	s2 =	sld [smem:$0x3FB0]  }
0x29: {  	s4 =	sld [smem:$0x3FB2]  }
0x2a: {  	p0 =	seq.s32 s5, $0x0;
	s5 =	sld [smem:$0x3FB3]  }
0x2b: {  	s6 =	sld [smem:$0x3FB4]  }
0x2c: {  	s7 =	sld [smem:$0x3FB5]  }
0x2d: {  	s3 =	simm.s32 $0x108;
	s8 =	sld [smem:$0x3FB6]  }
0x2e: {  	s3 =	simm.s32 @!p0 $0x1082;
	s9 =	sld [smem:$0x3FB7]  }
0x2f: {  	lr =	sadd.s32 s0, s3;
	s0 =	sld [smem:$0x3FAE]  }
0x30: {  	s3 =	sld [smem:$0x3FB1]  }
0x31: {  	[smem:$0x3FBA] =	sst s10  }
0x32: {  	s10 =	sld [smem:$0x3FB8];
	_ =	sdelay $0x3  }
0x33: {  	p0 =	seq.s32 s10, $0x1;
	s10 =	sld [smem:$0x3FBA];
	_ =	sdelay $0x3  }
0x34: {  	[smem:$0x3FBA] =	sst s10  }
0x35: {  	s10 =	sld [smem:$0x3FB9];
	_ =	sdelay $0x3  }
0x36: {  	p1 =	seq.s32 s10, $0x1;
	s10 =	sld [smem:$0x3FBA];
	_ =	sdelay $0x3  }
0x37: {  	[smem:$0x3FBA] =	sst s10  }
0x38: {  	s10 =	sld [smem:$0x3FBB]  }
0x39: {  	_ = 	snop;
	(pc) =	sbr.ind lr, $3  }
0x3a: {  	_ = 	snop  }
0x3b: {  	_ = 	snop  }
0x3c: {  	p2 =	seq.s32 s10, $0x1;
	s10 =	sld [smem:$0x3FBA]  }
0x3d: {  	_ =	shalt  }
0x3e: {  	_ =	shalt  }
0x3f: {  	_ =	shalt  }
0x40: {  	_ =	shalt  }
0x41: {  	_ =	shalt  }
0x42: {  	_ =	shalt  }
0x43: {  	_ =	shalt  }
0x44: {  	_ =	shalt  }
0x45: {  	_ =	shalt  }
0x46: {  	_ =	shalt  }
0x47: {  	_ =	shalt  }
0x48: {  	_ =	shalt  }
0x49: {  	_ =	shalt  }
0x4a: {  	_ =	shalt  }
0x4b: {  	_ =	shalt  }
0x4c: {  	_ =	shalt  }
0x4d: {  	_ =	shalt  }
0x4e: {  	_ =	shalt  }
0x4f: {  	_ =	shalt  }
0x50: {  	_ =	shalt  }
0x51: {  	_ =	shalt  }
0x52: {  	_ =	shalt  }
0x53: {  	_ =	shalt  }
0x54: {  	_ =	shalt  }
0x55: {  	_ =	shalt  }
0x56: {  	_ =	shalt  }
0x57: {  	_ =	shalt  }
0x58: {  	_ =	shalt  }
0x59: {  	_ =	shalt  }
0x5a: {  	_ =	shalt  }
0x5b: {  	_ =	shalt  }
0x5c: {  	_ =	shalt  }
0x5d: {  	_ =	shalt  }
0x5e: {  	_ =	shalt  }
0x5f: {  	_ =	shalt  }
0x60: {  	_ =	shalt  }
0x61: {  	_ =	shalt  }
0x62: {  	_ =	shalt  }
0x63: {  	_ =	shalt  }
0x64: {  	_ =	shalt  }
0x65: {  	_ =	shalt  }
0x66: {  	_ =	shalt  }
0x67: {  	_ =	shalt  }
0x68: {  	_ =	shalt  }
0x69: {  	_ =	shalt  }
0x6a: {  	_ =	shalt  }
0x6b: {  	_ =	shalt  }
0x6c: {  	_ =	shalt  }
0x6d: {  	_ =	shalt  }
0x6e: {  	_ =	shalt  }
0x6f: {  	_ =	shalt  }
0x70: {  	_ =	shalt  }
0x71: {  	_ =	shalt  }
0x72: {  	_ =	shalt  }
0x73: {  	_ =	shalt  }
0x74: {  	_ =	shalt  }
0x75: {  	_ =	shalt  }
0x76: {  	_ =	shalt  }
0x77: {  	_ =	shalt  }
0x78: {  	_ =	shalt  }
0x79: {  	_ =	shalt  }
0x7a: {  	_ =	shalt  }
0x7b: {  	_ =	shalt  }
0x7c: {  	_ =	shalt  }
0x7d: {  	_ =	shalt  }
0x7e: {  	_ =	shalt  }
0x7f: {  	_ =	shalt  }
0x80: {  	_ =	shalt  }
0x81: {  	_ =	shalt  }
0x82: {  	_ =	shalt  }
0x83: {  	_ =	shalt  }
0x84: {  	_ =	shalt  }
0x85: {  	_ =	shalt  }
0x86: {  	_ =	shalt  }
0x87: {  	_ =	shalt  }
.Lfunc_end0:
.L_simem_size_0:
called_computation.1_lowered:
.L_overlay_start_0:
0x88: {  	s2 =	sld [smem:$0x3FD9]  }
0x89: {  	s3 =	sld [smem:$0x3FFE];
	_ =	sdelay $0x1  }
0x8a: {  	s1 =	srdreg.scid  }
0x8b: {  	s0 =	sand.u32 $0x1, s1  }
0x8c: {  	s17 =	sshll.u32 s0, $0xA;
	s2 =	sadd.s32 s3, s2  }
0x8d: {  	s2 =	sadd.s32 s2, s17  }
0x8e: {  	[smem:$0x3FC6] =	sst s2  }
0x8f: {  	_ = 	snop  }
0x90: {  	s2 =	sld [smem:$0x3FC9]  }
0x91: {  	s18 =	sld [smem:$0x3FD0];
	(tm) =	ssettm $0x1  }
0x92: {  	s4 =	sld [smem:$0x3FFB];
	_ =	sdelay $0x3  }
0x93: {  	_ =	strace s4  }
0x94: {  	s4 =	sld [smem:$0x3FFC];
	_ =	sdelay $0x3  }
0x95: {  	_ =	strace s4  }
0x96: {  	s4 =	sld [smem:$0x3FFD];
	_ =	sdelay $0x3  }
0x97: {  	_ =	strace s4  }
0x98: {  	_ =	strace $0x8FFFFFFF  }
0x99: {  	s19 =	sld [smem:$0x3FDB];
	_ =	sdelay $0x1  }
0x9a: {  	s5 =	simm.s32 $_scs_section_size  }
0x9b: {  	s6 =	simm.s32 $_size__tile_overlayer_lowered;
	s7 =	simm.s32 $_tile_overlayer_lowered  }
0x9c: {  	s22 =	simm.s32 $0x1BFF;
	s21 =	sshll.u32 s7, $0x1;
	s4 =	sadd.s32 s5, s19  }
0x9d: {  	s8 =	simm.s32 $0x0;
	s20 =	sshll.u32 s6, $0x1;
	s6 =	sadd.s32 s21, s4  }
0x9e: {  	[timem:s8], [sflag:s22] =	dma.local [hbm:s6], s20  }
0x9f: {  	_ =	swait.ge [sflag:s22], s20  }
0xa0: {  	s5 =	ssub.s32 $0x0, s20;
	[sflag:s22] =	ssyncset.done $0x0  }
0xa1: {  	[sflag:s22] =	ssyncadd.s32 s5;
	_ =	sdelay $0x1  }
0xa2: {  	s23 =	simm.s32 $0x1B8B  }
0xa3: {  	_ =	swait.ge [sflag:s23], $0x1  }
0xa4: {  	[sflag:s23] =	ssyncset.done $0x0  }
0xa5: {  	s25 =	simm.s32 $0x1B8E;
	s24 =	sld [smem:$0x3FFE];
	[sflag:s23] =	ssyncadd.s32 $0xFFFFFFFF  }
0xa6: {  	s26 =	simm.s32 $execute0_lowered;
	[smem:$0x3FD2] =	sst s25  }
0xa7: {  	s6 =	sshll.u32 s26, $0x1;
	_ =	strace $0x80000049;
	[dreg:$0x1] =	wrdreg $0xFFFFFFFF  }
0xa8: {  	s28 =	simm.s32 $_size_execute0_lowered;
	s4 =	sadd.s32 s4, s6;
	[dreg:$0x0] =	wrdreg $0x0  }
0xa9: {  	s6 =	sshll.u32 s28, $0x1;
	[dreg:$0x2] =	wrdreg s4  }
0xaa: {  	[dreg:$0x3] =	wrdreg s6  }
0xab: {  	[dreg:$0x4] =	wrdreg $0xC0  }
0xac: {  	_ =	task [dreg:s8], $0x5FFFF  }
0xad: {  	[dreg:$0x1] =	wrdreg $0xFFFFFFFF  }
0xae: {  	[dreg:$0x0] =	wrdreg $0x60  }
0xaf: {  	[dreg:$0x2] =	wrdreg s2  }
0xb0: {  	[dreg:$0x3] =	wrdreg s24  }
0xb1: {  	[dreg:$0x4] =	wrdreg s18  }
0xb2: {  	[dreg:$0x5] =	wrdreg $0x9  }
0xb3: {  	_ =	task.clear_ibuf [dreg:s8], $0x6FFFF;
	_ =	strace $0x90000049  }
0xb4: {  	s29 =	simm.s32 $0x9;
	_ =	strace $0x8000004B  }
0xb5: {  	_ =	swait.ge [sflag:s29], $0x1  }
0xb6: {  	[sflag:s29] =	ssyncadd.s32 $0xFFFFFFFF  }
0xb7: {  	_ =	strace $0x9000004B  }
0xb8: {  	_ =	sfence  }
0xb9: {  	s30 =	sld [smem:$0x0];
	_ =	sdelay $0x2  }
0xba: {  	s31 =	sshll.u32 s1, $0xD;
	s1 =	sshrl.u32 s1, $0x2  }
0xbb: {  	s3 =	sand.u32 $0x4000, s31;
	s1 =	sadd.s32 s1, s30  }
0xbc: {  	s0 =	sor.u32 s3, s0;
	s1 =	sshll.u32 s1, $0x11  }
0xbd: {  	s0 =	sor.u32 s1, s0  }
0xbe: {  	s0 =	sadd.s32 $0x8F2B, s0  }
0xbf: {  	[sflag:s0] =	ssyncadd.remote.s32 $0x1  }
0xc0: {  	_ =	sfence.sel $0xFFFF  }
0xc1: {  	[dreg:$0x0] =	wrdreg $0xFFFFFFFF;
	(pc) =	sbr.abs _section_cstart, $3  }
0xc2: {  	[dreg:$0x1] =	wrdreg $0xFFFFFFFF  }
0xc3: {  	_ =	task.clear_ibuf [dreg:s8], $0x2FFFF;
	_ =	strace $0x9FFFFFFF  }
0xc4: {  	(tm) =	ssettm $0x7FFFFFFF  }
0xc5: {  	_ =	shalt  }
tec
execute0_lowered:
.L_overlay_start_1:
0x0: {  	(tag) =	ssettag $0x1  }
0x1: {  	s5 =	rddreg [dreg:$0x0]  }
0x2: {  	s3 =	rddreg [dreg:$0x1]  }
0x3: {  	s6 =	rddreg [dreg:$0x2]  }
0x4: {  	s0 =	rddreg [dreg:$0x3];
	s4 =	srdreg.scid  }
0x5: {  	s2 =	simm.s32 $0x0;
	s1 =	stileid.u32;
	s11 =	simm.s32 $0x2000  }
0x6: {  	s12 =	simm.s32 $0x12000;
	s13 =	simm.s32 $0x0;
	s4 =	sand.u32 $0x1, s4  }
0x7: {  	[smem:$0x7FF] =	sst s2;
	s7 =	sshrl.u32 s1, $0x1;
	s30 =	sshll.u32 s1, $0x4  }
0x8: {  	s8 =	ssub.s32 $0x2, s4;
	_ =	strace $0x8000004A;
	s9 =	sshll.u32 s7, $0x4  }
0x9: {  	s4 =	sshll.u32 s4, $0x3;
	s31 =	sshll.u32 s7, $0x12;
	s7 =	sshll.u32 s7, $0xE  }
0xa: {  	s10 =	sshrl.u32 s8, $0x1;
	s3 =	sadd.s32 s9, s3;
	s9 =	sand.u32 $0x10, s30  }
0xb: {  	s5 =	sadd.s32 s5, s31;
	s6 =	sadd.s32 s6, s7;
	s8 =	ssub.s32 s8, s10  }
0xc: {  	s3 =	sadd.s32 $0x1200, s3;
	s4 =	sor.u32 s4, s9;
	s9 =	simm.s32 $0x400  }
0xd: {  	s10 =	simm.s32 $0x1;
	s7 =	smax.u32 s8, $0x1;
	s8 =	simm.s32 $0x80  }
.LBB2_1:
0xe: {  	[tilespmem:s2], [sflag:$0x1] =	stream.strided.gather [hbm4b:s3+s8], $0x2000, s9, s8, $0x38;
	[tilespmem:$0x13000] =	vst v63  }
0xf: {  	_ =	swait.ge [sflag:s10], $0x2000  }
0x10: {  	[sflag:s10] =	ssyncset.done $0x0  }
0x11: {  	s14 =	simm.s32 $0x0;
	[sflag:s10] =	ssyncadd.s32 $0xFFFFE000  }
.LBB2_2:
0x12: {  	s15 =	sadd.s32 s4, s14  }
0x13: {  	s16 =	sshll.u32 s15, $0xD  }
0x14: {  	s17 =	sadd.s32 s16, s5;
	s16 =	simm.s32 $0x0  }
0x15: {  	[tilespmem:s11], [sflag:$0x1] =	stream.linear.gather [hbm4b:s17+s16], $0x10000, $0x38;
	[tilespmem:$0x13000] =	vst v63  }
0x16: {  	_ =	swait.ge [sflag:s10], $0x10000  }
0x17: {  	[sflag:s10] =	ssyncset.done $0x0  }
0x18: {  	[sflag:s10] =	ssyncadd.s32 $0xFFFF0000  }
0x19: {  	s30 =	sand.u32 $0x1F0, s16;
	v0 =	vld [tilespmem:s16+$0x0]  }
0x1a: {  	v1 =	vld [tilespmem:s30+$0x200]  }
0x1b: {  	v2 =	vld [tilespmem:s30+$0x400]  }
0x1c: {  	v8 =	vld [tilespmem:s30+$0xC00]  }
0x1d: {  	v9 =	vld [tilespmem:s30+$0xA00]  }
0x1e: {  	v12 =	vld [tilespmem:s30+$0x1200];
	_ =	sdelay $0x1  }
0x1f: {  	v3 =	vld [tilespmem:s30+$0x600];
	v4 =	vshll.u32 v0, $0x3  }
0x20: {  	v7 =	vld [tilespmem:s30+$0x800];
	v0 =	vand.u32 $0x7F, v0;
	v5 =	vshll.u32 v1, $0x3;
	v1 =	vand.u32 $0x7F, v1  }
0x21: {  	v6 =	vshll.u32 v2, $0x3;
	v2 =	vand.u32 $0x7F, v2;
	v13 =	vshll.u32 v8, $0x3  }
0x22: {  	v15 =	vand.u32 $0x7F, v9;
	v8 =	vand.u32 $0x7F, v8;
	v21 =	vshll.u32 v12, $0x3  }
0x23: {  	v11 =	vld [tilespmem:s30+$0xE00];
	v12 =	vand.u32 $0x7F, v12;
	v4 =	vand.u32 $0xFFFFFC00, v4;
	v6 =	vand.u32 $0xFFFFFC00, v6  }
0x24: {  	v10 =	vand.u32 $0xFFFFFC00, v5;
	v5 =	vor.u32 v0, v4;
	v4 =	vor.u32 v2, v6  }
0x25: {  	v2 =	vshll.u32 v3, $0x3;
	v6 =	vor.u32 v1, v10;
	v1 =	vld [tilespmem:s30+$0x1000];
	v10 =	vand.u32 $0x7F, v7  }
0x26: {  	v0 =	vld [tilespmem:s30+$0x1400];
	v7 =	vshll.u32 v7, $0x3;
	v3 =	vand.u32 $0x7F, v3;
	v2 =	vand.u32 $0xFFFFFC00, v2  }
0x27: {  	v16 =	vld [tilespmem:s30+$0x1C00];
	v21 =	vand.u32 $0xFFFFFC00, v21;
	v14 =	vand.u32 $0xFFFFFC00, v7;
	v7 =	vor.u32 v3, v2  }
0x28: {  	v23 =	vld [tilespmem:s30+$0x1800];
	v2 =	vshll.u32 v9, $0x3;
	v3 =	vand.u32 $0xFFFFFC00, v13;
	v9 =	vshll.u32 v11, $0x3  }
0x29: {  	v11 =	vand.u32 $0x7F, v11;
	v8 =	vor.u32 v8, v3;
	v9 =	vand.u32 $0xFFFFFC00, v9;
	v17 =	vld.idx.msk [tilespmem:v5+s11+$0x0], $0xffff  }
0x2a: {  	v2 =	vand.u32 $0xFFFFFC00, v2;
	v9 =	vor.u32 v11, v9;
	v3 =	vld.idx.msk [tilespmem:v6+s11+$0x0], $0xffff;
	v13 =	vshll.u32 v1, $0x3  }
0x2b: {  	v22 =	vld [tilespmem:s30+$0x1600];
	v18 =	vand.u32 $0x7F, v0;
	v11 =	vand.u32 $0xFFFFFC00, v13;
	v13 =	vor.u32 v10, v14  }
0x2c: {  	v19 =	vld.idx.msk [tilespmem:v4+s11+$0x0], $0xffff;
	v1 =	vand.u32 $0x7F, v1;
	v0 =	vshll.u32 v0, $0x3;
	v14 =	vor.u32 v15, v2  }
0x2d: {  	v20 =	vld [tilespmem:s30+$0x1A00];
	v0 =	vand.u32 $0xFFFFFC00, v0;
	v15 =	vshll.u32 v23, $0x3;
	v10 =	vor.u32 v1, v11  }
0x2e: {  	v2 =	vld [tilespmem:s30+$0x1E00];
	v11 =	vor.u32 v12, v21;
	v12 =	vor.u32 v18, v0;
	v0 =	vshll.u32 v16, $0x3  }
0x2f: {  	v0 =	vand.u32 $0xFFFFFC00, v0;
	v1 =	vmax.f32 v17, v3;
	v3 =	vand.u32 $0x7F, v16;
	v17 =	vld.idx.msk [tilespmem:v7+s11+$0x0], $0xffff  }
0x30: {  	v23 =	vand.u32 $0x7F, v23;
	v0 =	vor.u32 v3, v0;
	v18 =	vld.idx.msk [tilespmem:v13+s11+$0x0], $0xffff;
	v3 =	vshll.u32 v22, $0x3  }
0x31: {  	v16 =	vmax.f32 v1, v19;
	v19 =	vand.u32 $0x7F, v22;
	v54 =	vld.idx.msk [tilespmem:v14+s11+$0x0], $0xffff;
	v3 =	vand.u32 $0xFFFFFC00, v3  }
0x32: {  	v24 =	vand.u32 $0xFFFFFC00, v15;
	v55 =	vld.idx.msk [tilespmem:v8+s11+$0x0], $0xffff;
	v1 =	vshll.u32 v20, $0x3;
	v15 =	vor.u32 v19, v3  }
0x33: {  	v20 =	vand.u32 $0x7F, v20;
	v1 =	vand.u32 $0xFFFFFC00, v1;
	v19 =	vld.idx.msk [tilespmem:v9+s11+$0x0], $0xffff;
	v3 =	vor.u32 v23, v24  }
0x34: {  	v56 =	vld.idx.msk [tilespmem:v10+s11+$0x0], $0xffff;
	v1 =	vor.u32 v20, v1;
	v20 =	vshll.u32 v2, $0x3;
	v16 =	vmax.f32 v16, v17  }
0x35: {  	v2 =	vand.u32 $0x7F, v2;
	v17 =	vand.u32 $0xFFFFFC00, v20;
	v20 =	vld.idx.msk [tilespmem:v11+s11+$0x0], $0xffff;
	v16 =	vmax.f32 v16, v18  }
0x36: {  	v18 =	vld.idx.msk [tilespmem:v12+s11+$0x0], $0xffff;
	v2 =	vor.u32 v2, v17;
	v16 =	vmax.f32 v16, v54  }
0x37: {  	v17 =	vld.idx.msk [tilespmem:v15+s11+$0x0], $0xffff;
	v16 =	vmax.f32 v16, v55  }
0x38: {  	v57 =	vld.idx.msk [tilespmem:v3+s11+$0x0], $0xffff;
	v16 =	vmax.f32 v16, v19  }
0x39: {  	v19 =	vld.idx.msk [tilespmem:v1+s11+$0x0], $0xffff;
	v16 =	vmax.f32 v16, v56  }
0x3a: {  	v58 =	vld.idx.msk [tilespmem:v0+s11+$0x0], $0xffff;
	v16 =	vmax.f32 v16, v20  }
0x3b: {  	v20 =	vld.idx.msk [tilespmem:v2+s11+$0x0], $0xffff;
	v16 =	vmax.f32 v16, v18  }
0x3c: {  	v16 =	vmax.f32 v16, v17  }
0x3d: {  	v17 =	vor.u32 $0x80, v5;
	v16 =	vmax.f32 v16, v57  }
0x3e: {  	v18 =	vor.u32 $0x80, v6;
	v16 =	vmax.f32 v16, v19  }
0x3f: {  	s31 =	sand.u32 $0x70, s16;
	s18 =	sand.u32 $0xC00, s16;
	v19 =	vor.u32 $0x80, v4;
	v16 =	vmax.f32 v16, v58  }
0x40: {  	s17 =	sor.u32 s31, s18;
	v16 =	vmax.f32 v16, v20;
	v20 =	vor.u32 $0x80, v7  }
0x41: {  	[tilespmem:s17+$0x12000] =	vst v16;
	v16 =	vor.u32 $0x80, v13  }
0x42: {  	v59 =	vor.u32 $0x80, v14;
	v17 =	vld.idx.msk [tilespmem:v17+s11+$0x0], $0xffff  }
0x43: {  	v60 =	vor.u32 $0x80, v8;
	v18 =	vld.idx.msk [tilespmem:v18+s11+$0x0], $0xffff  }
0x44: {  	v61 =	vor.u32 $0x80, v9;
	v19 =	vld.idx.msk [tilespmem:v19+s11+$0x0], $0xffff  }
0x45: {  	v62 =	vor.u32 $0x80, v10;
	v20 =	vld.idx.msk [tilespmem:v20+s11+$0x0], $0xffff  }
0x46: {  	v25 =	vor.u32 $0x80, v11;
	v16 =	vld.idx.msk [tilespmem:v16+s11+$0x0], $0xffff  }
0x47: {  	v26 =	vor.u32 $0x80, v12;
	v21 =	vld.idx.msk [tilespmem:v59+s11+$0x0], $0xffff  }
0x48: {  	v27 =	vor.u32 $0x80, v15;
	v22 =	vld.idx.msk [tilespmem:v60+s11+$0x0], $0xffff;
	v17 =	vmax.f32 v17, v18  }
0x49: {  	v63 =	vor.u32 $0x80, v3;
	v18 =	vld.idx.msk [tilespmem:v61+s11+$0x0], $0xffff;
	v17 =	vmax.f32 v17, v19  }
0x4a: {  	v28 =	vor.u32 $0x80, v1;
	v19 =	vld.idx.msk [tilespmem:v62+s11+$0x0], $0xffff;
	v17 =	vmax.f32 v17, v20  }
0x4b: {  	v29 =	vor.u32 $0x80, v0;
	v20 =	vld.idx.msk [tilespmem:v25+s11+$0x0], $0xffff;
	v16 =	vmax.f32 v17, v16  }
0x4c: {  	v30 =	vor.u32 $0x80, v2;
	v17 =	vld.idx.msk [tilespmem:v26+s11+$0x0], $0xffff;
	v16 =	vmax.f32 v16, v21  }
0x4d: {  	v31 =	vld.idx.msk [tilespmem:v27+s11+$0x0], $0xffff;
	v16 =	vmax.f32 v16, v22  }
0x4e: {  	v32 =	vld.idx.msk [tilespmem:v63+s11+$0x0], $0xffff;
	v16 =	vmax.f32 v16, v18  }
0x4f: {  	v18 =	vld.idx.msk [tilespmem:v28+s11+$0x0], $0xffff;
	v16 =	vmax.f32 v16, v19  }
0x50: {  	v19 =	vld.idx.msk [tilespmem:v29+s11+$0x0], $0xffff;
	v16 =	vmax.f32 v16, v20  }
0x51: {  	v20 =	vld.idx.msk [tilespmem:v30+s11+$0x0], $0xffff;
	v16 =	vmax.f32 v16, v17  }
0x52: {  	v16 =	vmax.f32 v16, v31  }
0x53: {  	v17 =	vor.u32 $0x100, v5;
	v16 =	vmax.f32 v16, v32  }
0x54: {  	v16 =	vmax.f32 v16, v18;
	v18 =	vor.u32 $0x100, v6  }
0x55: {  	v16 =	vmax.f32 v16, v19;
	v19 =	vor.u32 $0x100, v4  }
0x56: {  	v16 =	vmax.f32 v16, v20;
	v20 =	vor.u32 $0x100, v7  }
0x57: {  	[tilespmem:s17+$0x12080] =	vst v16;
	v16 =	vor.u32 $0x100, v13  }
0x58: {  	v33 =	vor.u32 $0x100, v14;
	v17 =	vld.idx.msk [tilespmem:v17+s11+$0x0], $0xffff  }
0x59: {  	v34 =	vor.u32 $0x100, v8;
	v18 =	vld.idx.msk [tilespmem:v18+s11+$0x0], $0xffff  }
0x5a: {  	v35 =	vor.u32 $0x100, v9;
	v19 =	vld.idx.msk [tilespmem:v19+s11+$0x0], $0xffff  }
0x5b: {  	v36 =	vor.u32 $0x100, v10;
	v20 =	vld.idx.msk [tilespmem:v20+s11+$0x0], $0xffff  }
0x5c: {  	v37 =	vor.u32 $0x100, v11;
	v16 =	vld.idx.msk [tilespmem:v16+s11+$0x0], $0xffff  }
0x5d: {  	v38 =	vor.u32 $0x100, v12;
	v21 =	vld.idx.msk [tilespmem:v33+s11+$0x0], $0xffff  }
0x5e: {  	v39 =	vor.u32 $0x100, v15;
	v22 =	vld.idx.msk [tilespmem:v34+s11+$0x0], $0xffff;
	v17 =	vmax.f32 v17, v18  }
0x5f: {  	v40 =	vor.u32 $0x100, v3;
	v18 =	vld.idx.msk [tilespmem:v35+s11+$0x0], $0xffff;
	v17 =	vmax.f32 v17, v19  }
0x60: {  	v41 =	vor.u32 $0x100, v1;
	v19 =	vld.idx.msk [tilespmem:v36+s11+$0x0], $0xffff;
	v17 =	vmax.f32 v17, v20  }
0x61: {  	v42 =	vor.u32 $0x100, v0;
	v20 =	vld.idx.msk [tilespmem:v37+s11+$0x0], $0xffff;
	v16 =	vmax.f32 v17, v16  }
0x62: {  	v43 =	vor.u32 $0x100, v2;
	v17 =	vld.idx.msk [tilespmem:v38+s11+$0x0], $0xffff;
	v16 =	vmax.f32 v16, v21  }
0x63: {  	v44 =	vld.idx.msk [tilespmem:v39+s11+$0x0], $0xffff;
	v16 =	vmax.f32 v16, v22  }
0x64: {  	v45 =	vld.idx.msk [tilespmem:v40+s11+$0x0], $0xffff;
	v16 =	vmax.f32 v16, v18  }
0x65: {  	v18 =	vld.idx.msk [tilespmem:v41+s11+$0x0], $0xffff;
	v16 =	vmax.f32 v16, v19  }
0x66: {  	v19 =	vld.idx.msk [tilespmem:v42+s11+$0x0], $0xffff;
	v16 =	vmax.f32 v16, v20  }
0x67: {  	v20 =	vld.idx.msk [tilespmem:v43+s11+$0x0], $0xffff;
	v16 =	vmax.f32 v16, v17  }
0x68: {  	v16 =	vmax.f32 v16, v44  }
0x69: {  	v17 =	vor.u32 $0x180, v5;
	v16 =	vmax.f32 v16, v45  }
0x6a: {  	v16 =	vmax.f32 v16, v18;
	v18 =	vor.u32 $0x180, v6  }
0x6b: {  	v16 =	vmax.f32 v16, v19;
	v19 =	vor.u32 $0x180, v4  }
0x6c: {  	v16 =	vmax.f32 v16, v20;
	v20 =	vor.u32 $0x180, v7  }
0x6d: {  	[tilespmem:s17+$0x12100] =	vst v16;
	v16 =	vor.u32 $0x180, v13  }
0x6e: {  	v46 =	vor.u32 $0x180, v14;
	v17 =	vld.idx.msk [tilespmem:v17+s11+$0x0], $0xffff  }
0x6f: {  	v47 =	vor.u32 $0x180, v8;
	v18 =	vld.idx.msk [tilespmem:v18+s11+$0x0], $0xffff  }
0x70: {  	v48 =	vor.u32 $0x180, v9;
	v19 =	vld.idx.msk [tilespmem:v19+s11+$0x0], $0xffff  }
0x71: {  	v49 =	vor.u32 $0x180, v10;
	v20 =	vld.idx.msk [tilespmem:v20+s11+$0x0], $0xffff  }
0x72: {  	v50 =	vor.u32 $0x180, v11;
	v16 =	vld.idx.msk [tilespmem:v16+s11+$0x0], $0xffff  }
0x73: {  	v51 =	vor.u32 $0x180, v12;
	v21 =	vld.idx.msk [tilespmem:v46+s11+$0x0], $0xffff  }
0x74: {  	v52 =	vor.u32 $0x180, v15;
	v22 =	vld.idx.msk [tilespmem:v47+s11+$0x0], $0xffff;
	v17 =	vmax.f32 v17, v18  }
0x75: {  	v53 =	vor.u32 $0x180, v3;
	v18 =	vld.idx.msk [tilespmem:v48+s11+$0x0], $0xffff;
	v17 =	vmax.f32 v17, v19  }
0x76: {  	v54 =	vor.u32 $0x180, v1;
	v19 =	vld.idx.msk [tilespmem:v49+s11+$0x0], $0xffff;
	v17 =	vmax.f32 v17, v20  }
0x77: {  	v55 =	vor.u32 $0x180, v0;
	v20 =	vld.idx.msk [tilespmem:v50+s11+$0x0], $0xffff;
	v16 =	vmax.f32 v17, v16  }
0x78: {  	v56 =	vor.u32 $0x180, v2;
	v17 =	vld.idx.msk [tilespmem:v51+s11+$0x0], $0xffff;
	v16 =	vmax.f32 v16, v21  }
0x79: {  	v57 =	vld.idx.msk [tilespmem:v52+s11+$0x0], $0xffff;
	v16 =	vmax.f32 v16, v22  }
0x7a: {  	v58 =	vld.idx.msk [tilespmem:v53+s11+$0x0], $0xffff;
	v16 =	vmax.f32 v16, v18  }
0x7b: {  	v18 =	vld.idx.msk [tilespmem:v54+s11+$0x0], $0xffff;
	v16 =	vmax.f32 v16, v19  }
0x7c: {  	v19 =	vld.idx.msk [tilespmem:v55+s11+$0x0], $0xffff;
	v16 =	vmax.f32 v16, v20  }
0x7d: {  	v20 =	vld.idx.msk [tilespmem:v56+s11+$0x0], $0xffff;
	v16 =	vmax.f32 v16, v17  }
0x7e: {  	v16 =	vmax.f32 v16, v57  }
0x7f: {  	v17 =	vor.u32 $0x200, v5;
	v16 =	vmax.f32 v16, v58  }
0x80: {  	v16 =	vmax.f32 v16, v18;
	v18 =	vor.u32 $0x200, v6  }
0x81: {  	v16 =	vmax.f32 v16, v19;
	v19 =	vor.u32 $0x200, v4  }
0x82: {  	v16 =	vmax.f32 v16, v20;
	v20 =	vor.u32 $0x200, v7  }
0x83: {  	[tilespmem:s17+$0x12180] =	vst v16;
	v16 =	vor.u32 $0x200, v13  }
0x84: {  	v59 =	vor.u32 $0x200, v14;
	v17 =	vld.idx.msk [tilespmem:v17+s11+$0x0], $0xffff  }
0x85: {  	v60 =	vor.u32 $0x200, v8;
	v18 =	vld.idx.msk [tilespmem:v18+s11+$0x0], $0xffff  }
0x86: {  	v61 =	vor.u32 $0x200, v9;
	v19 =	vld.idx.msk [tilespmem:v19+s11+$0x0], $0xffff  }
0x87: {  	v62 =	vor.u32 $0x200, v10;
	v20 =	vld.idx.msk [tilespmem:v20+s11+$0x0], $0xffff  }
0x88: {  	v63 =	vor.u32 $0x200, v11;
	v16 =	vld.idx.msk [tilespmem:v16+s11+$0x0], $0xffff  }
0x89: {  	v30 =	vor.u32 $0x200, v12;
	v21 =	vld.idx.msk [tilespmem:v59+s11+$0x0], $0xffff  }
0x8a: {  	v31 =	vor.u32 $0x200, v15;
	v22 =	vld.idx.msk [tilespmem:v60+s11+$0x0], $0xffff;
	v17 =	vmax.f32 v17, v18  }
0x8b: {  	v32 =	vor.u32 $0x200, v3;
	v18 =	vld.idx.msk [tilespmem:v61+s11+$0x0], $0xffff;
	v17 =	vmax.f32 v17, v19  }
0x8c: {  	v33 =	vor.u32 $0x200, v1;
	v19 =	vld.idx.msk [tilespmem:v62+s11+$0x0], $0xffff;
	v17 =	vmax.f32 v17, v20  }
0x8d: {  	v34 =	vor.u32 $0x200, v0;
	v20 =	vld.idx.msk [tilespmem:v63+s11+$0x0], $0xffff;
	v16 =	vmax.f32 v17, v16  }
0x8e: {  	v35 =	vor.u32 $0x200, v2;
	v17 =	vld.idx.msk [tilespmem:v30+s11+$0x0], $0xffff;
	v16 =	vmax.f32 v16, v21  }
0x8f: {  	v36 =	vld.idx.msk [tilespmem:v31+s11+$0x0], $0xffff;
	v16 =	vmax.f32 v16, v22  }
0x90: {  	v37 =	vld.idx.msk [tilespmem:v32+s11+$0x0], $0xffff;
	v16 =	vmax.f32 v16, v18  }
0x91: {  	v18 =	vld.idx.msk [tilespmem:v33+s11+$0x0], $0xffff;
	v16 =	vmax.f32 v16, v19  }
0x92: {  	v19 =	vld.idx.msk [tilespmem:v34+s11+$0x0], $0xffff;
	v16 =	vmax.f32 v16, v20  }
0x93: {  	v20 =	vld.idx.msk [tilespmem:v35+s11+$0x0], $0xffff;
	v16 =	vmax.f32 v16, v17  }
0x94: {  	v16 =	vmax.f32 v16, v36  }
0x95: {  	v17 =	vor.u32 $0x280, v5;
	v16 =	vmax.f32 v16, v37  }
0x96: {  	v16 =	vmax.f32 v16, v18;
	v18 =	vor.u32 $0x280, v6  }
0x97: {  	v16 =	vmax.f32 v16, v19;
	v19 =	vor.u32 $0x280, v4  }
0x98: {  	v16 =	vmax.f32 v16, v20;
	v20 =	vor.u32 $0x280, v7  }
0x99: {  	[tilespmem:s17+$0x12200] =	vst v16;
	v16 =	vor.u32 $0x280, v13  }
0x9a: {  	v38 =	vor.u32 $0x280, v14;
	v17 =	vld.idx.msk [tilespmem:v17+s11+$0x0], $0xffff  }
0x9b: {  	v39 =	vor.u32 $0x280, v8;
	v18 =	vld.idx.msk [tilespmem:v18+s11+$0x0], $0xffff  }
0x9c: {  	v40 =	vor.u32 $0x280, v9;
	v19 =	vld.idx.msk [tilespmem:v19+s11+$0x0], $0xffff  }
0x9d: {  	v41 =	vor.u32 $0x280, v10;
	v20 =	vld.idx.msk [tilespmem:v20+s11+$0x0], $0xffff  }
0x9e: {  	v42 =	vor.u32 $0x280, v11;
	v16 =	vld.idx.msk [tilespmem:v16+s11+$0x0], $0xffff  }
0x9f: {  	v43 =	vor.u32 $0x280, v12;
	v21 =	vld.idx.msk [tilespmem:v38+s11+$0x0], $0xffff  }
0xa0: {  	v44 =	vor.u32 $0x280, v15;
	v22 =	vld.idx.msk [tilespmem:v39+s11+$0x0], $0xffff;
	v17 =	vmax.f32 v17, v18  }
0xa1: {  	v45 =	vor.u32 $0x280, v3;
	v18 =	vld.idx.msk [tilespmem:v40+s11+$0x0], $0xffff;
	v17 =	vmax.f32 v17, v19  }
0xa2: {  	v46 =	vor.u32 $0x280, v1;
	v19 =	vld.idx.msk [tilespmem:v41+s11+$0x0], $0xffff;
	v17 =	vmax.f32 v17, v20  }
0xa3: {  	v47 =	vor.u32 $0x280, v0;
	v20 =	vld.idx.msk [tilespmem:v42+s11+$0x0], $0xffff;
	v16 =	vmax.f32 v17, v16  }
0xa4: {  	v48 =	vor.u32 $0x280, v2;
	v17 =	vld.idx.msk [tilespmem:v43+s11+$0x0], $0xffff;
	v16 =	vmax.f32 v16, v21  }
0xa5: {  	v49 =	vld.idx.msk [tilespmem:v44+s11+$0x0], $0xffff;
	v16 =	vmax.f32 v16, v22  }
0xa6: {  	v50 =	vld.idx.msk [tilespmem:v45+s11+$0x0], $0xffff;
	v16 =	vmax.f32 v16, v18  }
0xa7: {  	v18 =	vld.idx.msk [tilespmem:v46+s11+$0x0], $0xffff;
	v16 =	vmax.f32 v16, v19  }
0xa8: {  	v19 =	vld.idx.msk [tilespmem:v47+s11+$0x0], $0xffff;
	v16 =	vmax.f32 v16, v20  }
0xa9: {  	v20 =	vld.idx.msk [tilespmem:v48+s11+$0x0], $0xffff;
	v16 =	vmax.f32 v16, v17  }
0xaa: {  	v16 =	vmax.f32 v16, v49  }
0xab: {  	v17 =	vor.u32 $0x300, v5;
	v16 =	vmax.f32 v16, v50  }
0xac: {  	v16 =	vmax.f32 v16, v18;
	v18 =	vor.u32 $0x300, v6  }
0xad: {  	v16 =	vmax.f32 v16, v19;
	v19 =	vor.u32 $0x300, v4  }
0xae: {  	v16 =	vmax.f32 v16, v20;
	v20 =	vor.u32 $0x300, v7  }
0xaf: {  	[tilespmem:s17+$0x12280] =	vst v16;
	v16 =	vor.u32 $0x300, v13  }
0xb0: {  	v51 =	vor.u32 $0x300, v14;
	v17 =	vld.idx.msk [tilespmem:v17+s11+$0x0], $0xffff  }
0xb1: {  	v52 =	vor.u32 $0x300, v8;
	v18 =	vld.idx.msk [tilespmem:v18+s11+$0x0], $0xffff  }
0xb2: {  	v53 =	vor.u32 $0x300, v9;
	v19 =	vld.idx.msk [tilespmem:v19+s11+$0x0], $0xffff  }
0xb3: {  	v54 =	vor.u32 $0x300, v10;
	v20 =	vld.idx.msk [tilespmem:v20+s11+$0x0], $0xffff  }
0xb4: {  	v55 =	vor.u32 $0x300, v11;
	v16 =	vld.idx.msk [tilespmem:v16+s11+$0x0], $0xffff  }
0xb5: {  	v56 =	vor.u32 $0x300, v12;
	v21 =	vld.idx.msk [tilespmem:v51+s11+$0x0], $0xffff  }
0xb6: {  	v57 =	vor.u32 $0x300, v15;
	v22 =	vld.idx.msk [tilespmem:v52+s11+$0x0], $0xffff;
	v17 =	vmax.f32 v17, v18  }
0xb7: {  	v58 =	vor.u32 $0x300, v3;
	v18 =	vld.idx.msk [tilespmem:v53+s11+$0x0], $0xffff;
	v17 =	vmax.f32 v17, v19  }
0xb8: {  	v59 =	vor.u32 $0x300, v1;
	v19 =	vld.idx.msk [tilespmem:v54+s11+$0x0], $0xffff;
	v17 =	vmax.f32 v17, v20  }
0xb9: {  	v60 =	vor.u32 $0x300, v0;
	v20 =	vld.idx.msk [tilespmem:v55+s11+$0x0], $0xffff;
	v16 =	vmax.f32 v17, v16  }
0xba: {  	v61 =	vor.u32 $0x300, v2;
	v17 =	vld.idx.msk [tilespmem:v56+s11+$0x0], $0xffff;
	v16 =	vmax.f32 v16, v21  }
0xbb: {  	v62 =	vld.idx.msk [tilespmem:v57+s11+$0x0], $0xffff;
	v16 =	vmax.f32 v16, v22  }
0xbc: {  	v63 =	vld.idx.msk [tilespmem:v58+s11+$0x0], $0xffff;
	v16 =	vmax.f32 v16, v18  }
0xbd: {  	v18 =	vld.idx.msk [tilespmem:v59+s11+$0x0], $0xffff;
	v16 =	vmax.f32 v16, v19  }
0xbe: {  	v19 =	vld.idx.msk [tilespmem:v60+s11+$0x0], $0xffff;
	v16 =	vmax.f32 v16, v20  }
0xbf: {  	v20 =	vld.idx.msk [tilespmem:v61+s11+$0x0], $0xffff;
	v16 =	vmax.f32 v16, v17  }
0xc0: {  	v16 =	vmax.f32 v16, v62  }
0xc1: {  	v5 =	vor.u32 $0x380, v5;
	v16 =	vmax.f32 v16, v63  }
0xc2: {  	v6 =	vor.u32 $0x380, v6;
	v16 =	vmax.f32 v16, v18  }
0xc3: {  	v4 =	vor.u32 $0x380, v4;
	v16 =	vmax.f32 v16, v19  }
0xc4: {  	v7 =	vor.u32 $0x380, v7;
	v16 =	vmax.f32 v16, v20  }
0xc5: {  	[tilespmem:s17+$0x12300] =	vst v16  }
0xc6: {  	v13 =	vor.u32 $0x380, v13;
	v16 =	vld.idx.msk [tilespmem:v5+s11+$0x0], $0xffff  }
0xc7: {  	v19 =	vor.u32 $0x380, v14;
	v17 =	vld.idx.msk [tilespmem:v6+s11+$0x0], $0xffff  }
0xc8: {  	v18 =	vor.u32 $0x380, v8;
	v14 =	vld.idx.msk [tilespmem:v4+s11+$0x0], $0xffff  }
0xc9: {  	v4 =	vld.idx.msk [tilespmem:v7+s11+$0x0], $0xffff;
	v7 =	vor.u32 $0x380, v15;
	v15 =	vor.u32 $0x380, v9  }
0xca: {  	v10 =	vor.u32 $0x380, v10  }
0xcb: {  	v5 =	vld.idx.msk [tilespmem:v13+s11+$0x0], $0xffff;
	v9 =	vor.u32 $0x380, v11  }
0xcc: {  	s19 =	simm.s32 $0x0;
	s18 =	simm.s32 $0x10;
	v8 =	vor.u32 $0x380, v12;
	s17 =	sor.u32 s16, s16;
	v6 =	vld.idx.msk [tilespmem:v19+s11+$0x0], $0xffff  }
.LBB2_3:
0xcd: {  	p0 =	sne.s32 s18, $0x1F0;
	v11 =	vld.idx.msk [tilespmem:v18+s11+$0x0], $0xffff;
	s16 =	sadd.s32 $0x80, s16;
	s19 =	sadd.s32 $0x10, s19  }
0xce: {  	v12 =	vmax.f32 v16, v17;
	v3 =	vor.u32 $0x380, v3;
	s20 =	smov.u32 s18;
	s21 =	sor.u32 s16, s18;
	v13 =	vld.idx.msk [tilespmem:v15+s11+$0x0], $0xffff;
	s18 =	sadd.s32 $0x10, s18  }
0xcf: {  	v1 =	vor.u32 $0x380, v1;
	v12 =	vmax.f32 v12, v14;
	v10 =	vld.idx.msk [tilespmem:v10+s11+$0x0], $0xffff  }
0xd0: {  	v0 =	vor.u32 $0x380, v0;
	v4 =	vmax.f32 v12, v4;
	v9 =	vld.idx.msk [tilespmem:v9+s11+$0x0], $0xffff  }
0xd1: {  	v2 =	vor.u32 $0x380, v2;
	v4 =	vmax.f32 v4, v5;
	v5 =	vld.idx.msk [tilespmem:v8+s11+$0x0], $0xffff  }
0xd2: {  	v4 =	vmax.f32 v4, v6;
	v6 =	vld.idx.msk [tilespmem:v7+s11+$0x0], $0xffff  }
0xd3: {  	v4 =	vmax.f32 v4, v11;
	v3 =	vld.idx.msk [tilespmem:v3+s11+$0x0], $0xffff  }
0xd4: {  	v4 =	vmax.f32 v4, v13;
	v1 =	vld.idx.msk [tilespmem:v1+s11+$0x0], $0xffff  }
0xd5: {  	v4 =	vmax.f32 v4, v10;
	v0 =	vld.idx.msk [tilespmem:v0+s11+$0x0], $0xffff  }
0xd6: {  	v4 =	vmax.f32 v4, v9;
	v2 =	vld.idx.msk [tilespmem:v2+s11+$0x0], $0xffff  }
0xd7: {  	v4 =	vmax.f32 v4, v5  }
0xd8: {  	v4 =	vmax.f32 v4, v6  }
0xd9: {  	v3 =	vmax.f32 v4, v3  }
0xda: {  	v1 =	vmax.f32 v3, v1  }
0xdb: {  	v0 =	vmax.f32 v1, v0  }
0xdc: {  	s22 =	sor.u32 $0x380, s17;
	s17 =	smov.u32 s21;
	v0 =	vmax.f32 v0, v2  }
0xdd: {  	[tilespmem:s22+$0x12000] =	vst v0  }
0xde: {  	s21 =	sand.u32 $0x1F0, s20;
	v0 =	vld [tilespmem:s19+$0x0]  }
0xdf: {  	v1 =	vld [tilespmem:s21+$0x400]  }
0xe0: {  	v2 =	vld [tilespmem:s21+$0x200]  }
0xe1: {  	v3 =	vld [tilespmem:s21+$0x600]  }
0xe2: {  	v7 =	vld [tilespmem:s21+$0x800]  }
0xe3: {  	v4 =	vshll.u32 v0, $0x3  }
0xe4: {  	v0 =	vand.u32 $0x7F, v0;
	v8 =	vld [tilespmem:s21+$0xC00];
	v4 =	vand.u32 $0xFFFFFC00, v4  }
0xe5: {  	v5 =	vshll.u32 v1, $0x3;
	v10 =	vld [tilespmem:s21+$0xA00];
	v6 =	vand.u32 $0x7F, v2;
	v2 =	vshll.u32 v2, $0x3  }
0xe6: {  	v1 =	vand.u32 $0x7F, v1;
	v9 =	vand.u32 $0xFFFFFC00, v5;
	v12 =	vld [tilespmem:s21+$0x1400];
	v2 =	vand.u32 $0xFFFFFC00, v2  }
0xe7: {  	v5 =	vor.u32 v0, v4;
	v4 =	vor.u32 v1, v9;
	v0 =	vshll.u32 v3, $0x3;
	v11 =	vld [tilespmem:s21+$0xE00]  }
0xe8: {  	v6 =	vor.u32 v6, v2;
	v2 =	vand.u32 $0x7F, v7;
	v7 =	vshll.u32 v7, $0x3;
	v1 =	vld [tilespmem:s21+$0x1000]  }
0xe9: {  	v3 =	vand.u32 $0x7F, v3;
	v0 =	vand.u32 $0xFFFFFC00, v0;
	v13 =	vld [tilespmem:s21+$0x1200];
	v14 =	vshll.u32 v8, $0x3  }
0xea: {  	v7 =	vand.u32 $0xFFFFFC00, v7;
	v8 =	vand.u32 $0x7F, v8;
	v17 =	vld [tilespmem:s21+$0x1E00];
	v15 =	vand.u32 $0x7F, v10  }
0xeb: {  	v9 =	vor.u32 v3, v0;
	v0 =	vshll.u32 v10, $0x3;
	v3 =	vand.u32 $0xFFFFFC00, v14;
	v16 =	vld [tilespmem:s21+$0x1C00]  }
0xec: {  	v8 =	vor.u32 v8, v3;
	v19 =	vand.u32 $0x7F, v12;
	v18 =	vld.idx.msk [tilespmem:v5+s11+$0x0], $0xffff;
	v3 =	vshll.u32 v11, $0x3  }
0xed: {  	v10 =	vand.u32 $0x7F, v11;
	v20 =	vld.idx.msk [tilespmem:v6+s11+$0x0], $0xffff;
	v3 =	vand.u32 $0xFFFFFC00, v3;
	v11 =	vshll.u32 v1, $0x3  }
0xee: {  	v1 =	vand.u32 $0x7F, v1;
	v21 =	vld.idx.msk [tilespmem:v4+s11+$0x0], $0xffff;
	v10 =	vor.u32 v10, v3;
	v3 =	vand.u32 $0xFFFFFC00, v11  }
0xef: {  	v22 =	vld [tilespmem:s21+$0x1A00];
	v11 =	vor.u32 v1, v3;
	v1 =	vshll.u32 v13, $0x3;
	v3 =	vshll.u32 v12, $0x3  }
0xf0: {  	v12 =	vand.u32 $0x7F, v13;
	v23 =	vld [tilespmem:s21+$0x1800];
	v1 =	vand.u32 $0xFFFFFC00, v1;
	v3 =	vand.u32 $0xFFFFFC00, v3  }
0xf1: {  	v14 =	vor.u32 v2, v7;
	v24 =	vld [tilespmem:s21+$0x1600];
	v13 =	vor.u32 v12, v1;
	v12 =	vor.u32 v19, v3  }
0xf2: {  	v0 =	vand.u32 $0xFFFFFC00, v0;
	v2 =	vshll.u32 v16, $0x3;
	v1 =	vand.u32 $0x7F, v16;
	v19 =	vld.idx.msk [tilespmem:v8+s11+$0x0], $0xffff  }
0xf3: {  	v15 =	vor.u32 v15, v0;
	v0 =	vand.u32 $0xFFFFFC00, v2;
	v3 =	vmax.f32 v18, v20;
	v18 =	vld.idx.msk [tilespmem:v10+s11+$0x0], $0xffff  }
0xf4: {  	v0 =	vor.u32 v1, v0;
	v20 =	vmax.f32 v3, v21;
	v21 =	vld.idx.msk [tilespmem:v11+s11+$0x0], $0xffff;
	v2 =	vshll.u32 v22, $0x3  }
0xf5: {  	v7 =	vand.u32 $0x7F, v22;
	v25 =	vld.idx.msk [tilespmem:v9+s11+$0x0], $0xffff;
	v1 =	vshll.u32 v23, $0x3;
	v2 =	vand.u32 $0xFFFFFC00, v2  }
0xf6: {  	v16 =	vand.u32 $0x7F, v23;
	v22 =	vld.idx.msk [tilespmem:v14+s11+$0x0], $0xffff;
	v3 =	vshll.u32 v24, $0x3;
	v1 =	vand.u32 $0xFFFFFC00, v1  }
0xf7: {  	v24 =	vand.u32 $0x7F, v24;
	v23 =	vld.idx.msk [tilespmem:v12+s11+$0x0], $0xffff;
	v26 =	vand.u32 $0xFFFFFC00, v3;
	v3 =	vor.u32 v16, v1  }
0xf8: {  	v1 =	vor.u32 v7, v2;
	v2 =	vshll.u32 v17, $0x3;
	v27 =	vld.idx.msk [tilespmem:v15+s11+$0x0], $0xffff;
	v16 =	vor.u32 v24, v26  }
0xf9: {  	v17 =	vand.u32 $0x7F, v17;
	v2 =	vand.u32 $0xFFFFFC00, v2;
	v7 =	vor.u32 $0x380, v16  }
0xfa: {  	v2 =	vor.u32 v17, v2  }
0xfb: {  	v17 =	vmax.f32 v20, v25  }
0xfc: {  	v20 =	vld.idx.msk [tilespmem:v13+s11+$0x0], $0xffff  }
0xfd: {  	v17 =	vmax.f32 v17, v22  }
0xfe: {  	v17 =	vmax.f32 v17, v27;
	v22 =	vld.idx.msk [tilespmem:v16+s11+$0x0], $0xffff  }
0xff: {  	v17 =	vmax.f32 v17, v19;
	v19 =	vld.idx.msk [tilespmem:v3+s11+$0x0], $0xffff  }
0x100: {  	v17 =	vmax.f32 v17, v18;
	v18 =	vld.idx.msk [tilespmem:v1+s11+$0x0], $0xffff  }
0x101: {  	v17 =	vmax.f32 v17, v21;
	v21 =	vld.idx.msk [tilespmem:v0+s11+$0x0], $0xffff  }
0x102: {  	v17 =	vmax.f32 v17, v20;
	v20 =	vld.idx.msk [tilespmem:v2+s11+$0x0], $0xffff  }
0x103: {  	v17 =	vmax.f32 v17, v23  }
0x104: {  	v17 =	vmax.f32 v17, v22  }
0x105: {  	v17 =	vmax.f32 v17, v19;
	v19 =	vor.u32 $0x80, v5  }
0x106: {  	v17 =	vmax.f32 v17, v18;
	v18 =	vor.u32 $0x80, v6  }
0x107: {  	s20 =	sand.u32 $0x70, s20;
	s21 =	sand.u32 $0xC00, s16;
	v17 =	vmax.f32 v17, v21;
	v21 =	vor.u32 $0x80, v4  }
0x108: {  	s20 =	sor.u32 s20, s21;
	v17 =	vmax.f32 v17, v20;
	v20 =	vor.u32 $0x80, v9  }
0x109: {  	[tilespmem:s20+$0x12000] =	vst v17;
	v17 =	vor.u32 $0x80, v14  }
0x10a: {  	v22 =	vor.u32 $0x80, v15;
	v19 =	vld.idx.msk [tilespmem:v19+s11+$0x0], $0xffff  }
0x10b: {  	v23 =	vor.u32 $0x80, v8;
	v18 =	vld.idx.msk [tilespmem:v18+s11+$0x0], $0xffff  }
0x10c: {  	v24 =	vor.u32 $0x80, v10;
	v21 =	vld.idx.msk [tilespmem:v21+s11+$0x0], $0xffff  }
0x10d: {  	v25 =	vor.u32 $0x80, v11;
	v20 =	vld.idx.msk [tilespmem:v20+s11+$0x0], $0xffff  }
0x10e: {  	v26 =	vor.u32 $0x80, v13;
	v17 =	vld.idx.msk [tilespmem:v17+s11+$0x0], $0xffff  }
0x10f: {  	v27 =	vor.u32 $0x80, v12;
	v22 =	vld.idx.msk [tilespmem:v22+s11+$0x0], $0xffff  }
0x110: {  	v28 =	vor.u32 $0x80, v16;
	v23 =	vld.idx.msk [tilespmem:v23+s11+$0x0], $0xffff  }
0x111: {  	v18 =	vmax.f32 v19, v18;
	v19 =	vld.idx.msk [tilespmem:v24+s11+$0x0], $0xffff;
	v24 =	vor.u32 $0x80, v3  }
0x112: {  	v18 =	vmax.f32 v18, v21;
	v21 =	vld.idx.msk [tilespmem:v25+s11+$0x0], $0xffff;
	v25 =	vor.u32 $0x80, v1  }
0x113: {  	v18 =	vmax.f32 v18, v20;
	v20 =	vld.idx.msk [tilespmem:v26+s11+$0x0], $0xffff;
	v26 =	vor.u32 $0x80, v0  }
0x114: {  	v17 =	vmax.f32 v18, v17;
	v18 =	vld.idx.msk [tilespmem:v27+s11+$0x0], $0xffff;
	v27 =	vor.u32 $0x80, v2  }
0x115: {  	v17 =	vmax.f32 v17, v22;
	v22 =	vld.idx.msk [tilespmem:v28+s11+$0x0], $0xffff  }
0x116: {  	v17 =	vmax.f32 v17, v23;
	v23 =	vld.idx.msk [tilespmem:v24+s11+$0x0], $0xffff  }
0x117: {  	v17 =	vmax.f32 v17, v19;
	v19 =	vld.idx.msk [tilespmem:v25+s11+$0x0], $0xffff  }
0x118: {  	v17 =	vmax.f32 v17, v21;
	v21 =	vld.idx.msk [tilespmem:v26+s11+$0x0], $0xffff  }
0x119: {  	v17 =	vmax.f32 v17, v20;
	v20 =	vld.idx.msk [tilespmem:v27+s11+$0x0], $0xffff  }
0x11a: {  	v17 =	vmax.f32 v17, v18  }
0x11b: {  	v17 =	vmax.f32 v17, v22  }
0x11c: {  	v18 =	vor.u32 $0x100, v5;
	v17 =	vmax.f32 v17, v23  }
0x11d: {  	v17 =	vmax.f32 v17, v19;
	v19 =	vor.u32 $0x100, v6  }
0x11e: {  	v17 =	vmax.f32 v17, v21;
	v21 =	vor.u32 $0x100, v4  }
0x11f: {  	v17 =	vmax.f32 v17, v20;
	v20 =	vor.u32 $0x100, v9  }
0x120: {  	[tilespmem:s20+$0x12080] =	vst v17;
	v17 =	vor.u32 $0x100, v14  }
0x121: {  	v22 =	vor.u32 $0x100, v15;
	v18 =	vld.idx.msk [tilespmem:v18+s11+$0x0], $0xffff  }
0x122: {  	v23 =	vor.u32 $0x100, v8;
	v19 =	vld.idx.msk [tilespmem:v19+s11+$0x0], $0xffff  }
0x123: {  	v24 =	vor.u32 $0x100, v10;
	v21 =	vld.idx.msk [tilespmem:v21+s11+$0x0], $0xffff  }
0x124: {  	v25 =	vor.u32 $0x100, v11;
	v20 =	vld.idx.msk [tilespmem:v20+s11+$0x0], $0xffff  }
0x125: {  	v26 =	vor.u32 $0x100, v13;
	v17 =	vld.idx.msk [tilespmem:v17+s11+$0x0], $0xffff  }
0x126: {  	v27 =	vor.u32 $0x100, v12;
	v22 =	vld.idx.msk [tilespmem:v22+s11+$0x0], $0xffff  }
0x127: {  	v28 =	vor.u32 $0x100, v16;
	v23 =	vld.idx.msk [tilespmem:v23+s11+$0x0], $0xffff  }
0x128: {  	v18 =	vmax.f32 v18, v19;
	v19 =	vld.idx.msk [tilespmem:v24+s11+$0x0], $0xffff;
	v24 =	vor.u32 $0x100, v3  }
0x129: {  	v18 =	vmax.f32 v18, v21;
	v21 =	vld.idx.msk [tilespmem:v25+s11+$0x0], $0xffff;
	v25 =	vor.u32 $0x100, v1  }
0x12a: {  	v18 =	vmax.f32 v18, v20;
	v20 =	vld.idx.msk [tilespmem:v26+s11+$0x0], $0xffff;
	v26 =	vor.u32 $0x100, v0  }
0x12b: {  	v17 =	vmax.f32 v18, v17;
	v18 =	vld.idx.msk [tilespmem:v27+s11+$0x0], $0xffff;
	v27 =	vor.u32 $0x100, v2  }
0x12c: {  	v17 =	vmax.f32 v17, v22;
	v22 =	vld.idx.msk [tilespmem:v28+s11+$0x0], $0xffff  }
0x12d: {  	v17 =	vmax.f32 v17, v23;
	v23 =	vld.idx.msk [tilespmem:v24+s11+$0x0], $0xffff  }
0x12e: {  	v17 =	vmax.f32 v17, v19;
	v19 =	vld.idx.msk [tilespmem:v25+s11+$0x0], $0xffff  }
0x12f: {  	v17 =	vmax.f32 v17, v21;
	v21 =	vld.idx.msk [tilespmem:v26+s11+$0x0], $0xffff  }
0x130: {  	v17 =	vmax.f32 v17, v20;
	v20 =	vld.idx.msk [tilespmem:v27+s11+$0x0], $0xffff  }
0x131: {  	v17 =	vmax.f32 v17, v18  }
0x132: {  	v17 =	vmax.f32 v17, v22  }
0x133: {  	v18 =	vor.u32 $0x180, v5;
	v17 =	vmax.f32 v17, v23  }
0x134: {  	v17 =	vmax.f32 v17, v19;
	v19 =	vor.u32 $0x180, v6  }
0x135: {  	v17 =	vmax.f32 v17, v21;
	v21 =	vor.u32 $0x180, v4  }
0x136: {  	v17 =	vmax.f32 v17, v20;
	v20 =	vor.u32 $0x180, v9  }
0x137: {  	[tilespmem:s20+$0x12100] =	vst v17;
	v17 =	vor.u32 $0x180, v14  }
0x138: {  	v22 =	vor.u32 $0x180, v15;
	v18 =	vld.idx.msk [tilespmem:v18+s11+$0x0], $0xffff  }
0x139: {  	v23 =	vor.u32 $0x180, v8;
	v19 =	vld.idx.msk [tilespmem:v19+s11+$0x0], $0xffff  }
0x13a: {  	v24 =	vor.u32 $0x180, v10;
	v21 =	vld.idx.msk [tilespmem:v21+s11+$0x0], $0xffff  }
0x13b: {  	v25 =	vor.u32 $0x180, v11;
	v20 =	vld.idx.msk [tilespmem:v20+s11+$0x0], $0xffff  }
0x13c: {  	v26 =	vor.u32 $0x180, v13;
	v17 =	vld.idx.msk [tilespmem:v17+s11+$0x0], $0xffff  }
0x13d: {  	v27 =	vor.u32 $0x180, v12;
	v22 =	vld.idx.msk [tilespmem:v22+s11+$0x0], $0xffff  }
0x13e: {  	v28 =	vor.u32 $0x180, v16;
	v23 =	vld.idx.msk [tilespmem:v23+s11+$0x0], $0xffff  }
0x13f: {  	v18 =	vmax.f32 v18, v19;
	v19 =	vld.idx.msk [tilespmem:v24+s11+$0x0], $0xffff;
	v24 =	vor.u32 $0x180, v3  }
0x140: {  	v18 =	vmax.f32 v18, v21;
	v21 =	vld.idx.msk [tilespmem:v25+s11+$0x0], $0xffff;
	v25 =	vor.u32 $0x180, v1  }
0x141: {  	v18 =	vmax.f32 v18, v20;
	v20 =	vld.idx.msk [tilespmem:v26+s11+$0x0], $0xffff;
	v26 =	vor.u32 $0x180, v0  }
0x142: {  	v17 =	vmax.f32 v18, v17;
	v18 =	vld.idx.msk [tilespmem:v27+s11+$0x0], $0xffff;
	v27 =	vor.u32 $0x180, v2  }
0x143: {  	v17 =	vmax.f32 v17, v22;
	v22 =	vld.idx.msk [tilespmem:v28+s11+$0x0], $0xffff  }
0x144: {  	v17 =	vmax.f32 v17, v23;
	v23 =	vld.idx.msk [tilespmem:v24+s11+$0x0], $0xffff  }
0x145: {  	v17 =	vmax.f32 v17, v19;
	v19 =	vld.idx.msk [tilespmem:v25+s11+$0x0], $0xffff  }
0x146: {  	v17 =	vmax.f32 v17, v21;
	v21 =	vld.idx.msk [tilespmem:v26+s11+$0x0], $0xffff  }
0x147: {  	v17 =	vmax.f32 v17, v20;
	v20 =	vld.idx.msk [tilespmem:v27+s11+$0x0], $0xffff  }
0x148: {  	v17 =	vmax.f32 v17, v18  }
0x149: {  	v17 =	vmax.f32 v17, v22  }
0x14a: {  	v18 =	vor.u32 $0x200, v5;
	v17 =	vmax.f32 v17, v23  }
0x14b: {  	v17 =	vmax.f32 v17, v19;
	v19 =	vor.u32 $0x200, v6  }
0x14c: {  	v17 =	vmax.f32 v17, v21;
	v21 =	vor.u32 $0x200, v4  }
0x14d: {  	v17 =	vmax.f32 v17, v20;
	v20 =	vor.u32 $0x200, v9  }
0x14e: {  	[tilespmem:s20+$0x12180] =	vst v17;
	v17 =	vor.u32 $0x200, v14  }
0x14f: {  	v22 =	vor.u32 $0x200, v15;
	v18 =	vld.idx.msk [tilespmem:v18+s11+$0x0], $0xffff  }
0x150: {  	v23 =	vor.u32 $0x200, v8;
	v19 =	vld.idx.msk [tilespmem:v19+s11+$0x0], $0xffff  }
0x151: {  	v24 =	vor.u32 $0x200, v10;
	v21 =	vld.idx.msk [tilespmem:v21+s11+$0x0], $0xffff  }
0x152: {  	v25 =	vor.u32 $0x200, v11;
	v20 =	vld.idx.msk [tilespmem:v20+s11+$0x0], $0xffff  }
0x153: {  	v26 =	vor.u32 $0x200, v13;
	v17 =	vld.idx.msk [tilespmem:v17+s11+$0x0], $0xffff  }
0x154: {  	v27 =	vor.u32 $0x200, v12;
	v22 =	vld.idx.msk [tilespmem:v22+s11+$0x0], $0xffff  }
0x155: {  	v28 =	vor.u32 $0x200, v16;
	v23 =	vld.idx.msk [tilespmem:v23+s11+$0x0], $0xffff  }
0x156: {  	v18 =	vmax.f32 v18, v19;
	v19 =	vld.idx.msk [tilespmem:v24+s11+$0x0], $0xffff;
	v24 =	vor.u32 $0x200, v3  }
0x157: {  	v18 =	vmax.f32 v18, v21;
	v21 =	vld.idx.msk [tilespmem:v25+s11+$0x0], $0xffff;
	v25 =	vor.u32 $0x200, v1  }
0x158: {  	v18 =	vmax.f32 v18, v20;
	v20 =	vld.idx.msk [tilespmem:v26+s11+$0x0], $0xffff;
	v26 =	vor.u32 $0x200, v0  }
0x159: {  	v17 =	vmax.f32 v18, v17;
	v18 =	vld.idx.msk [tilespmem:v27+s11+$0x0], $0xffff;
	v27 =	vor.u32 $0x200, v2  }
0x15a: {  	v17 =	vmax.f32 v17, v22;
	v22 =	vld.idx.msk [tilespmem:v28+s11+$0x0], $0xffff  }
0x15b: {  	v17 =	vmax.f32 v17, v23;
	v23 =	vld.idx.msk [tilespmem:v24+s11+$0x0], $0xffff  }
0x15c: {  	v17 =	vmax.f32 v17, v19;
	v19 =	vld.idx.msk [tilespmem:v25+s11+$0x0], $0xffff  }
0x15d: {  	v17 =	vmax.f32 v17, v21;
	v21 =	vld.idx.msk [tilespmem:v26+s11+$0x0], $0xffff  }
0x15e: {  	v17 =	vmax.f32 v17, v20;
	v20 =	vld.idx.msk [tilespmem:v27+s11+$0x0], $0xffff  }
0x15f: {  	v17 =	vmax.f32 v17, v18  }
0x160: {  	v17 =	vmax.f32 v17, v22  }
0x161: {  	v18 =	vor.u32 $0x280, v5;
	v17 =	vmax.f32 v17, v23  }
0x162: {  	v17 =	vmax.f32 v17, v19;
	v19 =	vor.u32 $0x280, v6  }
0x163: {  	v17 =	vmax.f32 v17, v21;
	v21 =	vor.u32 $0x280, v4  }
0x164: {  	v17 =	vmax.f32 v17, v20;
	v20 =	vor.u32 $0x280, v9  }
0x165: {  	[tilespmem:s20+$0x12200] =	vst v17;
	v17 =	vor.u32 $0x280, v14  }
0x166: {  	v22 =	vor.u32 $0x280, v15;
	v18 =	vld.idx.msk [tilespmem:v18+s11+$0x0], $0xffff  }
0x167: {  	v23 =	vor.u32 $0x280, v8;
	v19 =	vld.idx.msk [tilespmem:v19+s11+$0x0], $0xffff  }
0x168: {  	v24 =	vor.u32 $0x280, v10;
	v21 =	vld.idx.msk [tilespmem:v21+s11+$0x0], $0xffff  }
0x169: {  	v25 =	vor.u32 $0x280, v11;
	v20 =	vld.idx.msk [tilespmem:v20+s11+$0x0], $0xffff  }
0x16a: {  	v26 =	vor.u32 $0x280, v13;
	v17 =	vld.idx.msk [tilespmem:v17+s11+$0x0], $0xffff  }
0x16b: {  	v27 =	vor.u32 $0x280, v12;
	v22 =	vld.idx.msk [tilespmem:v22+s11+$0x0], $0xffff  }
0x16c: {  	v28 =	vor.u32 $0x280, v16;
	v23 =	vld.idx.msk [tilespmem:v23+s11+$0x0], $0xffff  }
0x16d: {  	v18 =	vmax.f32 v18, v19;
	v19 =	vld.idx.msk [tilespmem:v24+s11+$0x0], $0xffff;
	v24 =	vor.u32 $0x280, v3  }
0x16e: {  	v18 =	vmax.f32 v18, v21;
	v21 =	vld.idx.msk [tilespmem:v25+s11+$0x0], $0xffff;
	v25 =	vor.u32 $0x280, v1  }
0x16f: {  	v18 =	vmax.f32 v18, v20;
	v20 =	vld.idx.msk [tilespmem:v26+s11+$0x0], $0xffff;
	v26 =	vor.u32 $0x280, v0  }
0x170: {  	v17 =	vmax.f32 v18, v17;
	v18 =	vld.idx.msk [tilespmem:v27+s11+$0x0], $0xffff;
	v27 =	vor.u32 $0x280, v2  }
0x171: {  	v17 =	vmax.f32 v17, v22;
	v22 =	vld.idx.msk [tilespmem:v28+s11+$0x0], $0xffff  }
0x172: {  	v17 =	vmax.f32 v17, v23;
	v23 =	vld.idx.msk [tilespmem:v24+s11+$0x0], $0xffff  }
0x173: {  	v17 =	vmax.f32 v17, v19;
	v19 =	vld.idx.msk [tilespmem:v25+s11+$0x0], $0xffff  }
0x174: {  	v17 =	vmax.f32 v17, v21;
	v21 =	vld.idx.msk [tilespmem:v26+s11+$0x0], $0xffff  }
0x175: {  	v17 =	vmax.f32 v17, v20;
	v20 =	vld.idx.msk [tilespmem:v27+s11+$0x0], $0xffff  }
0x176: {  	v17 =	vmax.f32 v17, v18  }
0x177: {  	v17 =	vmax.f32 v17, v22  }
0x178: {  	v18 =	vor.u32 $0x300, v5;
	v17 =	vmax.f32 v17, v23  }
0x179: {  	v17 =	vmax.f32 v17, v19;
	v19 =	vor.u32 $0x300, v6  }
0x17a: {  	v17 =	vmax.f32 v17, v21;
	v21 =	vor.u32 $0x300, v4  }
0x17b: {  	v17 =	vmax.f32 v17, v20;
	v20 =	vor.u32 $0x300, v9  }
0x17c: {  	[tilespmem:s20+$0x12280] =	vst v17;
	v17 =	vor.u32 $0x300, v14  }
0x17d: {  	v22 =	vor.u32 $0x300, v15;
	v18 =	vld.idx.msk [tilespmem:v18+s11+$0x0], $0xffff  }
0x17e: {  	v23 =	vor.u32 $0x300, v8;
	v19 =	vld.idx.msk [tilespmem:v19+s11+$0x0], $0xffff  }
0x17f: {  	v24 =	vor.u32 $0x300, v10;
	v21 =	vld.idx.msk [tilespmem:v21+s11+$0x0], $0xffff  }
0x180: {  	v25 =	vor.u32 $0x300, v11;
	v20 =	vld.idx.msk [tilespmem:v20+s11+$0x0], $0xffff  }
0x181: {  	v26 =	vor.u32 $0x300, v13;
	v17 =	vld.idx.msk [tilespmem:v17+s11+$0x0], $0xffff  }
0x182: {  	v27 =	vor.u32 $0x300, v12;
	v22 =	vld.idx.msk [tilespmem:v22+s11+$0x0], $0xffff  }
0x183: {  	v16 =	vor.u32 $0x300, v16;
	v23 =	vld.idx.msk [tilespmem:v23+s11+$0x0], $0xffff  }
0x184: {  	v18 =	vmax.f32 v18, v19;
	v19 =	vld.idx.msk [tilespmem:v24+s11+$0x0], $0xffff;
	v24 =	vor.u32 $0x300, v3  }
0x185: {  	v18 =	vmax.f32 v18, v21;
	v21 =	vld.idx.msk [tilespmem:v25+s11+$0x0], $0xffff;
	v25 =	vor.u32 $0x300, v1  }
0x186: {  	v18 =	vmax.f32 v18, v20;
	v20 =	vld.idx.msk [tilespmem:v26+s11+$0x0], $0xffff;
	v26 =	vor.u32 $0x300, v0  }
0x187: {  	v17 =	vmax.f32 v18, v17;
	v18 =	vld.idx.msk [tilespmem:v27+s11+$0x0], $0xffff;
	v27 =	vor.u32 $0x300, v2  }
0x188: {  	v17 =	vmax.f32 v17, v22;
	v16 =	vld.idx.msk [tilespmem:v16+s11+$0x0], $0xffff  }
0x189: {  	v17 =	vmax.f32 v17, v23;
	v22 =	vld.idx.msk [tilespmem:v24+s11+$0x0], $0xffff  }
0x18a: {  	v17 =	vmax.f32 v17, v19;
	v19 =	vld.idx.msk [tilespmem:v25+s11+$0x0], $0xffff  }
0x18b: {  	v17 =	vmax.f32 v17, v21;
	v21 =	vld.idx.msk [tilespmem:v26+s11+$0x0], $0xffff  }
0x18c: {  	v17 =	vmax.f32 v17, v20;
	v20 =	vld.idx.msk [tilespmem:v27+s11+$0x0], $0xffff  }
0x18d: {  	v17 =	vmax.f32 v17, v18  }
0x18e: {  	v16 =	vmax.f32 v17, v16  }
0x18f: {  	v5 =	vor.u32 $0x380, v5;
	v16 =	vmax.f32 v16, v22  }
0x190: {  	v6 =	vor.u32 $0x380, v6;
	v16 =	vmax.f32 v16, v19  }
0x191: {  	v4 =	vor.u32 $0x380, v4;
	v16 =	vmax.f32 v16, v21  }
0x192: {  	v9 =	vor.u32 $0x380, v9;
	v16 =	vmax.f32 v16, v20  }
0x193: {  	v19 =	vor.u32 $0x380, v14;
	[tilespmem:s20+$0x12300] =	vst v16  }
0x194: {  	v20 =	vor.u32 $0x380, v15;
	v16 =	vld.idx.msk [tilespmem:v5+s11+$0x0], $0xffff  }
.Ltmp0:
0x195: {  	v18 =	vor.u32 $0x380, v8;
	v17 =	vld.idx.msk [tilespmem:v6+s11+$0x0], $0xffff;
	(pc) =	sbr.rel @p0 .LBB2_3-.Ltmp0, $4  }
0x196: {  	v15 =	vor.u32 $0x380, v10;
	v14 =	vld.idx.msk [tilespmem:v4+s11+$0x0], $0xffff  }
0x197: {  	v10 =	vor.u32 $0x380, v11;
	v4 =	vld.idx.msk [tilespmem:v9+s11+$0x0], $0xffff  }
0x198: {  	v9 =	vor.u32 $0x380, v13;
	v5 =	vld.idx.msk [tilespmem:v19+s11+$0x0], $0xffff  }
0x199: {  	v8 =	vor.u32 $0x380, v12;
	v6 =	vld.idx.msk [tilespmem:v20+s11+$0x0], $0xffff  }
0x19a: {  	_ =	sdelay $0x3  }
0x19b: {  	v11 =	vld.idx.msk [tilespmem:v18+s11+$0x0], $0xffff;
	v12 =	vmax.f32 v16, v17  }
0x19c: {  	v13 =	vld.idx.msk [tilespmem:v15+s11+$0x0], $0xffff;
	v3 =	vor.u32 $0x380, v3;
	v12 =	vmax.f32 v12, v14  }
0x19d: {  	v10 =	vld.idx.msk [tilespmem:v10+s11+$0x0], $0xffff;
	v1 =	vor.u32 $0x380, v1;
	v4 =	vmax.f32 v12, v4  }
0x19e: {  	v9 =	vld.idx.msk [tilespmem:v9+s11+$0x0], $0xffff;
	v0 =	vor.u32 $0x380, v0;
	v4 =	vmax.f32 v4, v5  }
0x19f: {  	v62 =	vld.idx.msk [tilespmem:v8+s11+$0x0], $0xffff;
	v2 =	vor.u32 $0x380, v2;
	v4 =	vmax.f32 v4, v6  }
0x1a0: {  	v63 =	vld.idx.msk [tilespmem:v7+s11+$0x0], $0xffff;
	v4 =	vmax.f32 v4, v11  }
0x1a1: {  	v3 =	vld.idx.msk [tilespmem:v3+s11+$0x0], $0xffff;
	v4 =	vmax.f32 v4, v13  }
0x1a2: {  	v1 =	vld.idx.msk [tilespmem:v1+s11+$0x0], $0xffff;
	v4 =	vmax.f32 v4, v10  }
0x1a3: {  	v0 =	vld.idx.msk [tilespmem:v0+s11+$0x0], $0xffff;
	v4 =	vmax.f32 v4, v9  }
0x1a4: {  	v2 =	vld.idx.msk [tilespmem:v2+s11+$0x0], $0xffff;
	v4 =	vmax.f32 v4, v62  }
0x1a5: {  	v4 =	vmax.f32 v4, v63  }
0x1a6: {  	v3 =	vmax.f32 v4, v3  }
0x1a7: {  	v1 =	vmax.f32 v3, v1  }
0x1a8: {  	s14 =	sadd.s32 $0x1, s14;
	v0 =	vmax.f32 v1, v0  }
0x1a9: {  	s16 =	sor.u32 $0x380, s17;
	s15 =	sshll.u32 s15, $0x9;
	p0 =	sne.s32 s14, $0x8;
	v0 =	vmax.f32 v0, v2  }
.Ltmp1:
0x1aa: {  	s15 =	sadd.s32 s15, s6;
	[tilespmem:s16+$0x12000] =	vst v0;
	(pc) =	sbr.rel @p0 .LBB2_2-.Ltmp1, $4  }
0x1ab: {  	[hbm4b:s15+s2] =	stream.linear.scatter [tilespmem:s12], [sflag:$0x1], $0x1000, $0x38;
	[tilespmem:$0x13000] =	vst v63  }
0x1ac: {  	_ =	swait.ge [sflag:s10], $0x1000  }
0x1ad: {  	[sflag:s10] =	ssyncset.done $0x0  }
0x1ae: {  	[sflag:s10] =	ssyncadd.s32 $0xFFFFF000  }
0x1af: {  	s13 =	sadd.s32 $0x1, s13  }
0x1b0: {  	p0 =	sne.s32 s13, s7  }
.Ltmp2:
0x1b1: {  	_ = 	snop;
	(pc) =	sbr.rel @p0 .LBB2_1-.Ltmp2, $1  }
0x1b2: {  	_ =	sdelay $0x3  }
0x1b3: {  	_ =	sfence.sel $0x180000  }
0x1b4: {  	[bflag:$0x0] =	sbarrier.arrive $0xFFFF  }
0x1b5: {  	p0 =	sne.s32 s1, $0x0;
	_ =	strace $0x9000004A  }
0x1b6: {  	s0 =	sadd.s32 @!p0 $0x100000, s0;
	[bflag:$0x2] =	sbarrier.arrive $0xFFFF  }
0x1b7: {  	[sflag:s0] =	ssyncadd.tile.s32 @!p0 $0x1;
	_ =	shalt  }
.Lfunc_end2:
_tile_overlayer_lowered:
.L_overlay_start_2:
0x1b8: {  	(tag) =	ssettag $0x2  }
0x1b9: {  	s0 =	rddreg [dreg:$0x0];
	s2 =	stileid.u32  }
0x1ba: {  	s1 =	rddreg [dreg:$0x1];
	p0 =	sne.s32 s2, $0x0  }
0x1bb: {  	s3 =	rddreg [dreg:$0x2];
	[bflag:$0x3] =	sbarrier.arrive $0xFFFF;
	s2 =	simm.s32 @!p0 $0x1C01  }
0x1bc: {  	[timem:s3], [sflag:s2] =	dma.local @!p0 [hbm:s0], s1  }
0x1bd: {  	s0 =	simm.s32 @!p0 $0x1  }
0x1be: {  	_ =	swait.ge @!p0 [sflag:s0], s1  }
0x1bf: {  	s1 =	ssub.s32 @!p0 $0x0, s1;
	[sflag:s0] =	ssyncset.done @!p0 $0x0  }
0x1c0: {  	[sflag:s0] =	ssyncadd.s32 @!p0 s1  }
0x1c1: {  	[bflag:$0x3] =	sbarrier.arrive $0xFFFF  }
0x1c2: {  	_ =	shalt  }

</sc_bundles>
